<compile_context>
chip_gen: v7x
topology: tpu7x:2x2x1
jax: 0.10.2.dev20260603
libtpu: 0.0.44.dev20260713+nightly
codegen_flags: <defaults>
</compile_context>

<pallas_src>
import functools

import jax
import jax.numpy as jnp
from jax import lax
from jax.experimental import pallas as pl
from jax.experimental.pallas import tpu as pltpu
from jax.experimental.pallas import tpu_sc as plsc

_LN2 = 0.6931471805599453
_LOGC = (3.193085771957538e-05, 1.441267074216371, -0.7057026209300269,
         0.4087189439210336, -0.18772049275771308, 0.0434283633315784)

_SC_FRAC = 0.25



def _log2_poly(w):
    bits = plsc.bitcast(w, jnp.int32)
    e = lax.shift_right_logical(bits, 23) - 127
    m_bits = jnp.bitwise_or(jnp.bitwise_and(bits, 0x007FFFFF), 0x3F800000)
    t = plsc.bitcast(m_bits, jnp.float32) - 1.0
    p = jnp.full((16,), _LOGC[5], jnp.float32)
    for c in (_LOGC[4], _LOGC[3], _LOGC[2], _LOGC[1], _LOGC[0]):
        p = p * t + c
    return e.astype(jnp.float32) + p


def _sc_loss_body(start, rows_per, C, x_hbm, t_hbm, out_hbm,
                  xrows, trows, accv):
    nc = plsc.get_sparse_core_info().num_cores
    wid = lax.axis_index("s") * nc + lax.axis_index("c")
    base = start + wid * rows_per
    lane = lax.iota(jnp.int32, 16)

    pltpu.sync_copy(x_hbm.at[pl.ds(base, rows_per)], xrows)
    pltpu.sync_copy(t_hbm.at[pl.ds(base, rows_per)], trows)

    def group(g, carry):
        corr_acc, b_acc, l_acc = carry
        rowidx = g * 16 + lane
        a = jnp.zeros((16,), jnp.float32)
        p = jnp.zeros((16,), jnp.float32)
        no = jnp.zeros((16,), jnp.int32)
        bsum = b_acc
        lsum = l_acc
        for c in range(C):
            cc = jnp.full((16,), c, jnp.int32)
            x = plsc.load_gather(xrows, [rowidx, cc])
            t = plsc.load_gather(trows, [rowidx, cc])
            absent = t == 0
            u = jnp.exp(-x)
            w = 1.0 + u
            s = 1.0 / w
            es = jnp.exp(s)
            a = a + jnp.where(absent, es, 0.0)
            p = p + jnp.where(absent, 0.0, 1.0 / es)
            no = no + t
            bsum = bsum + jnp.where(absent, x, 0.0)
            lsum = lsum + _log2_poly(w)
        nof = no.astype(jnp.float32)
        den = nof * (float(C) - nof)
        per = jnp.where(den > 0.0, (a * p) / jnp.maximum(den, 1.0), 0.0)
        return corr_acc + per, bsum, lsum

    zero = jnp.zeros((16,), jnp.float32)
    corr_acc, b_acc, l_acc = lax.fori_loop(
        0, rows_per // 16, group, (zero, zero, zero))
    accv[pl.ds(0, 16)] = corr_acc
    accv[pl.ds(16, 16)] = b_acc
    accv[pl.ds(32, 16)] = l_acc
    pltpu.sync_copy(accv, out_hbm.at[wid])


def _sc_loss_partials(logits, targets, start, rows):
    B, C = logits.shape
    info = plsc.get_sparse_core_info()
    nw = info.num_cores * info.num_subcores
    rows_per = rows // nw
    mesh = plsc.VectorSubcoreMesh(core_axis_name="c", subcore_axis_name="s")
    k = functools.partial(
        pl.kernel,
        mesh=mesh,
        compiler_params=pltpu.CompilerParams(
            needs_layout_passes=False, use_tc_tiling_on_sc=True),
        out_type=jax.ShapeDtypeStruct((nw, 48), jnp.float32),
        scratch_types=[
            pltpu.VMEM((rows_per, C), jnp.float32),
            pltpu.VMEM((rows_per, C), jnp.int32),
            pltpu.VMEM((48,), jnp.float32),
        ],
    )(functools.partial(_sc_loss_body, start, rows_per, C))
    return k(logits, targets)



def _tc_loss_body(x_ref, t_ref, o_ref):
    x = x_ref[:]
    y = t_ref[:].astype(jnp.float32)
    C = x.shape[1]

    u = jnp.exp(-x)
    w = 1.0 + u
    bce = jnp.sum(x * (1.0 - y) + jnp.log(w))
    s = 1.0 / w
    es = jnp.exp(s)
    a = jnp.sum(jnp.where(y == 0.0, es, 0.0), axis=1)
    p = jnp.sum(jnp.where(y == 0.0, 0.0, 1.0 / es), axis=1)
    n_o = jnp.sum(y, axis=1)
    den = n_o * (C - n_o)
    per = jnp.where(den > 0.0, (a * p) / jnp.maximum(den, 1.0), 0.0)
    corr = jnp.sum(per)

    i = pl.program_id(0)

    @pl.when(i == 0)
    def _():
        o_ref[:] = jnp.zeros_like(o_ref)

    col = lax.broadcasted_iota(jnp.int32, (1, 128), 1)
    o_ref[:] += jnp.where(col == 0, bce, 0.0) + jnp.where(col == 1, corr, 0.0)


def _tc_loss_partials(logits, targets, rows, grid=4):
    B, C = logits.shape
    blk = rows // grid
    out = pl.pallas_call(
        _tc_loss_body,
        grid=(grid,),
        in_specs=[
            pl.BlockSpec((blk, C), lambda i: (i, 0)),
            pl.BlockSpec((blk, C), lambda i: (i, 0)),
        ],
        out_specs=pl.BlockSpec((1, 128), lambda i: (0, 0)),
        out_shape=jax.ShapeDtypeStruct((1, 128), jnp.float32),
    )(logits, targets)
    return out[0, 0], out[0, 1]


def kernel(logits, targets):
    B, C = logits.shape
    sc_rows = int(B * _SC_FRAC) // 512 * 512
    tc_rows = B - sc_rows
    sc_parts = _sc_loss_partials(logits, targets, tc_rows, sc_rows)
    bce_tc, corr_tc = _tc_loss_partials(logits, targets, tc_rows)
    corr_sum = corr_tc + jnp.sum(sc_parts[:, 0:16])
    bce_sum = (bce_tc + jnp.sum(sc_parts[:, 16:32])
               + _LN2 * jnp.sum(sc_parts[:, 32:48]))
    bce_mean = bce_sum / (B * C)
    corr_mean = corr_sum / B
    return 0.8 * bce_mean + 0.2 * corr_mean

# --- scband reference (transcript-rebuilt; emitter-appended) ---
"""Pipeline reference for scband-mlecmodel-66683662238222 (READ-ONLY COPY).

The authoritative reference and input builder live on the scoring server;
editing this copy changes nothing except your own understanding.
"""

import jax, jax.numpy as jnp
import numpy as np

ALPHA = 0.2  # contribution of correlation loss in joint training (init alpha)


def setup_inputs(seed: int = 0) -> dict:
    key = jax.random.key(seed)
    k1, k2 = jax.random.split(key)
    logits = jax.random.normal(k1, (16384, 28), dtype=jnp.float32)
    targets = jax.random.randint(k2, (16384, 28), 0, 2, dtype=jnp.int32)
    return {"logits": logits, "targets": targets}


def _bce_with_logits(logits, y):
    # numerically stable binary cross entropy with logits, mean reduction
    return jnp.mean(jnp.maximum(logits, 0.0) - logits * y + jnp.log1p(jnp.exp(-jnp.abs(logits))))


def _inter_corr_loss(logits, y):
    # Vectorized form of MLECModel.inter_corr_loss with IDENTITY correlations
    # (correlation multiplier == 1 for every label pair).
    # per-sample: sum_{i in present, j in absent} exp(s_j - s_i) / (|present| * |absent|)
    s = jax.nn.sigmoid(logits)                     # [B, C]
    mask_o = y                                     # present labels (y == 1)
    mask_z = 1.0 - y                               # absent labels  (y == 0)
    # diff[b, i, j] = s[b, j] - s[b, i]  (absent minus present)
    diff = s[:, None, :] - s[:, :, None]           # [B, C, C]
    pair_mask = mask_o[:, :, None] * mask_z[:, None, :]
    num = jnp.sum(jnp.exp(diff) * pair_mask, axis=(1, 2))  # [B]
    n_o = jnp.sum(mask_o, axis=1)
    n_z = jnp.sum(mask_z, axis=1)
    denom = n_o * n_z
    per_sample = jnp.where(denom > 0, num / jnp.maximum(denom, 1.0), 0.0)
    return jnp.mean(per_sample)


def reference(logits, targets):
    """Joint loss: (1 - alpha) * BCE + alpha * inter-label-correlation loss."""
    y = targets.astype(jnp.float32)
    cel = _bce_with_logits(logits, y)
    corr = _inter_corr_loss(logits, y)
    loss = (1.0 - ALPHA) * cel + ALPHA * corr
    return loss

if __name__ == "__main__":
    import jax
    _d = setup_inputs()
    print(jax.jit(kernel)(*tuple(_d.values())))

</pallas_src>

<mosaic_0001>
#map = affine_map<(d0, d1) -> (0, 0)>
module attributes {stable_mosaic.version = 14 : i64} {
  func.func @_sc_loss_body(%arg0: i32, %arg1: i32, %arg2: memref<16384x28xf32, #tpu.memory_space<hbm>>, %arg3: memref<16384x28xi32, #tpu.memory_space<hbm>>, %arg4: memref<32x48xf32, #tpu.memory_space<hbm>>, %arg5: memref<128x28xf32, #tpu.memory_space<vmem>>, %arg6: memref<128x28xi32, #tpu.memory_space<vmem>>, %arg7: memref<48xf32, #tpu.memory_space<vmem>>) attributes {dimension_semantics = [#tpu.dimension_semantics<core_parallel>, #tpu.dimension_semantics<subcore_parallel>], iteration_bounds = array<i64: 2, 16>, scalar_prefetch = 0 : i64, scratch_operands = 3 : i64, tpu.core_type = #tpu.core_type<sc_vector_subcore>, window_params = [{transform_indices = #map}, {transform_indices = #map}, {transform_indices = #map}]} {
    %mul3A = arith.constant 2 : i32
    %mul3A_0 = arith.muli %arg1, %mul3A : i32
    %add3A = arith.addi %mul3A_0, %arg0 : i32
    %mul3A_1 = arith.constant 128 : i32
    %mul3A_2 = arith.muli %add3A, %mul3A_1 : i32
    %add3A_3 = arith.constant 12288 : i32
    %add3A_4 = arith.addi %add3A_3, %mul3A_2 : i32
    %iota3A = tpu.iota {dimensions = array<i32: 0>} : vector<16xi32>
    "tpu.region"() ({
      %run_scoped3A = tpu.sem_alloc : memref<!tpu.dma_semaphore, #tpu.memory_space<semaphore_mem>>
      %dma_start3A = arith.constant 0 : i32
      %dma_start3A_16 = tpu.memref_slice %arg2[%add3A_4, %dma_start3A] : memref<16384x28xf32, #tpu.memory_space<hbm>> -> memref<128x28xf32, #tpu.memory_space<hbm>>
      %dma_start3A_17 = arith.constant 0 : i32
      %dma_start3A_18 = tpu.memref_slice %arg2[%add3A_4, %dma_start3A_17] : memref<16384x28xf32, #tpu.memory_space<hbm>> -> memref<128x28xf32, #tpu.memory_space<hbm>>
      tpu.enqueue_dma source(%dma_start3A_18 : memref<128x28xf32, #tpu.memory_space<hbm>>) target(%arg5 : memref<128x28xf32, #tpu.memory_space<vmem>>) target_semaphore(%run_scoped3A : memref<!tpu.dma_semaphore, #tpu.memory_space<semaphore_mem>>)
      %dma_wait3A = arith.constant 0 : i32
      %dma_wait3A_19 = tpu.memref_slice %arg2[%add3A_4, %dma_wait3A] : memref<16384x28xf32, #tpu.memory_space<hbm>> -> memref<128x28xf32, #tpu.memory_space<hbm>>
      %dma_wait3A_20 = arith.constant 0 : i32
      %dma_wait3A_21 = tpu.memref_slice %arg2[%add3A_4, %dma_wait3A_20] : memref<16384x28xf32, #tpu.memory_space<hbm>> -> memref<128x28xf32, #tpu.memory_space<hbm>>
      tpu.wait_dma2 semaphore(%run_scoped3A : memref<!tpu.dma_semaphore, #tpu.memory_space<semaphore_mem>>) src(%dma_wait3A_21 : memref<128x28xf32, #tpu.memory_space<hbm>>) dst(%arg5 : memref<128x28xf32, #tpu.memory_space<vmem>>)
      tpu.yield
    }) : () -> ()
    "tpu.region"() ({
      %run_scoped3A = tpu.sem_alloc : memref<!tpu.dma_semaphore, #tpu.memory_space<semaphore_mem>>
      %dma_start3A = arith.constant 0 : i32
      %dma_start3A_16 = tpu.memref_slice %arg3[%add3A_4, %dma_start3A] : memref<16384x28xi32, #tpu.memory_space<hbm>> -> memref<128x28xi32, #tpu.memory_space<hbm>>
      %dma_start3A_17 = arith.constant 0 : i32
      %dma_start3A_18 = tpu.memref_slice %arg3[%add3A_4, %dma_start3A_17] : memref<16384x28xi32, #tpu.memory_space<hbm>> -> memref<128x28xi32, #tpu.memory_space<hbm>>
      tpu.enqueue_dma source(%dma_start3A_18 : memref<128x28xi32, #tpu.memory_space<hbm>>) target(%arg6 : memref<128x28xi32, #tpu.memory_space<vmem>>) target_semaphore(%run_scoped3A : memref<!tpu.dma_semaphore, #tpu.memory_space<semaphore_mem>>)
      %dma_wait3A = arith.constant 0 : i32
      %dma_wait3A_19 = tpu.memref_slice %arg3[%add3A_4, %dma_wait3A] : memref<16384x28xi32, #tpu.memory_space<hbm>> -> memref<128x28xi32, #tpu.memory_space<hbm>>
      %dma_wait3A_20 = arith.constant 0 : i32
      %dma_wait3A_21 = tpu.memref_slice %arg3[%add3A_4, %dma_wait3A_20] : memref<16384x28xi32, #tpu.memory_space<hbm>> -> memref<128x28xi32, #tpu.memory_space<hbm>>
      tpu.wait_dma2 semaphore(%run_scoped3A : memref<!tpu.dma_semaphore, #tpu.memory_space<semaphore_mem>>) src(%dma_wait3A_21 : memref<128x28xi32, #tpu.memory_space<hbm>>) dst(%arg6 : memref<128x28xi32, #tpu.memory_space<vmem>>)
      tpu.yield
    }) : () -> ()
    %broadcast_in_dim3A = arith.constant 0.000000e+00 : f32
    %broadcast_in_dim3A_5 = vector.broadcast %broadcast_in_dim3A : f32 to vector<16xf32>
    %scan3A = arith.constant 0 : i32
    %scan3A_6 = arith.constant 8 : i32
    %scan3A_7 = arith.addi %scan3A, %scan3A_6 : i32
    %scan3A_8 = arith.constant 1 : i32
    %scan3A_9:3 = scf.for %scan3A_16 = %scan3A to %scan3A_7 step %scan3A_8 iter_args(%scan3A_17 = %broadcast_in_dim3A_5, %scan3A_18 = %broadcast_in_dim3A_5, %scan3A_19 = %broadcast_in_dim3A_5) -> (vector<16xf32>, vector<16xf32>, vector<16xf32>)  : i32 {
      %mul3A_20 = arith.constant 16 : i32
      %mul3A_21 = arith.muli %scan3A_16, %mul3A_20 : i32
      %add3A_22 = vector.broadcast %mul3A_21 : i32 to vector<16xi32>
      %add3A_23 = arith.addi %add3A_22, %iota3A : vector<16xi32>
      %broadcast_in_dim3A_24 = arith.constant 0.000000e+00 : f32
      %broadcast_in_dim3A_25 = vector.broadcast %broadcast_in_dim3A_24 : f32 to vector<16xf32>
      %broadcast_in_dim3A_26 = arith.constant 0.000000e+00 : f32
      %broadcast_in_dim3A_27 = vector.broadcast %broadcast_in_dim3A_26 : f32 to vector<16xf32>
      %broadcast_in_dim3A_28 = arith.constant 0 : i32
      %broadcast_in_dim3A_29 = vector.broadcast %broadcast_in_dim3A_28 : i32 to vector<16xi32>
      %broadcast_in_dim3A_30 = arith.constant 0 : i32
      %broadcast_in_dim3A_31 = vector.broadcast %broadcast_in_dim3A_30 : i32 to vector<16xi32>
      %gather3A = tpu.vector_load_idx %arg5[%add3A_23, %broadcast_in_dim3A_31] : memref<128x28xf32, #tpu.memory_space<vmem>>[vector<16xi32>, vector<16xi32>], vector<16xf32>,
      %gather3A_32 = tpu.vector_load_idx %arg6[%add3A_23, %broadcast_in_dim3A_31] : memref<128x28xi32, #tpu.memory_space<vmem>>[vector<16xi32>, vector<16xi32>], vector<16xi32>,
      %eq3A = arith.constant 0 : i32
      %eq3A_33 = vector.broadcast %eq3A : i32 to vector<16xi32>
      %eq3A_34 = arith.cmpi eq, %gather3A_32, %eq3A_33 : vector<16xi32>
      %neg3A = arith.constant 0.000000e+00 : f32
      %neg3A_35 = vector.broadcast %neg3A : f32 to vector<16xf32>
      %neg3A_36 = arith.subf %neg3A_35, %gather3A : vector<16xf32>
      %exp3A = math.exp %neg3A_36 : vector<16xf32>
      %add3A_37 = arith.constant 1.000000e+00 : f32
      %add3A_38 = vector.broadcast %add3A_37 : f32 to vector<16xf32>
      %add3A_39 = arith.addf %add3A_38, %exp3A : vector<16xf32>
      %div3A = arith.constant 1.000000e+00 : f32
      %div3A_40 = vector.broadcast %div3A : f32 to vector<16xf32>
      %div3A_41 = arith.divf %div3A_40, %add3A_39 : vector<16xf32>
      %exp3A_42 = math.exp %div3A_41 : vector<16xf32>
      %jit3A = arith.constant 0.000000e+00 : f32
      %broadcast_in_dim3A_43 = vector.broadcast %jit3A : f32 to vector<16xf32>
      %select_n3A = arith.select %eq3A_34, %exp3A_42, %broadcast_in_dim3A_43 : vector<16xi1>, vector<16xf32>
      %add3A_44 = arith.addf %broadcast_in_dim3A_25, %select_n3A : vector<16xf32>
      %div3A_45 = arith.constant 1.000000e+00 : f32
      %div3A_46 = vector.broadcast %div3A_45 : f32 to vector<16xf32>
      %div3A_47 = arith.divf %div3A_46, %exp3A_42 : vector<16xf32>
      %jit3A_48 = arith.constant 0.000000e+00 : f32
      %broadcast_in_dim3A_49 = vector.broadcast %jit3A_48 : f32 to vector<16xf32>
      %select_n3A_50 = arith.select %eq3A_34, %broadcast_in_dim3A_49, %div3A_47 : vector<16xi1>, vector<16xf32>
      %add3A_51 = arith.addf %broadcast_in_dim3A_27, %select_n3A_50 : vector<16xf32>
      %add3A_52 = arith.addi %broadcast_in_dim3A_29, %gather3A_32 : vector<16xi32>
      %jit3A_53 = arith.constant 0.000000e+00 : f32
      %broadcast_in_dim3A_54 = vector.broadcast %jit3A_53 : f32 to vector<16xf32>
      %select_n3A_55 = arith.select %eq3A_34, %gather3A, %broadcast_in_dim3A_54 : vector<16xi1>, vector<16xf32>
      %add3A_56 = arith.addf %scan3A_18, %select_n3A_55 : vector<16xf32>
      %bitcast3A = vector.bitcast %add3A_39 : vector<16xf32> to vector<16xi32>
      %shift_right_logical3A = arith.constant 23 : i32
      %shift_right_logical3A_57 = vector.broadcast %shift_right_logical3A : i32 to vector<16xi32>
      %shift_right_logical3A_58 = arith.shrui %bitcast3A, %shift_right_logical3A_57 : vector<16xi32>
      %sub3A = arith.constant 127 : i32
      %sub3A_59 = vector.broadcast %sub3A : i32 to vector<16xi32>
      %sub3A_60 = arith.subi %shift_right_logical3A_58, %sub3A_59 : vector<16xi32>
      %and3A = arith.constant 8388607 : i32
      %and3A_61 = vector.broadcast %and3A : i32 to vector<16xi32>
      %and3A_62 = arith.andi %bitcast3A, %and3A_61 : vector<16xi32>
      %or3A = arith.constant 1065353216 : i32
      %or3A_63 = vector.broadcast %or3A : i32 to vector<16xi32>
      %or3A_64 = arith.ori %and3A_62, %or3A_63 : vector<16xi32>
      %bitcast3A_65 = vector.bitcast %or3A_64 : vector<16xi32> to vector<16xf32>
      %sub3A_66 = arith.constant 1.000000e+00 : f32
      %sub3A_67 = vector.broadcast %sub3A_66 : f32 to vector<16xf32>
      %sub3A_68 = arith.subf %bitcast3A_65, %sub3A_67 : vector<16xf32>
      %broadcast_in_dim3A_69 = arith.constant 0.0434283651 : f32
      %broadcast_in_dim3A_70 = vector.broadcast %broadcast_in_dim3A_69 : f32 to vector<16xf32>
      %mul3A_71 = arith.mulf %broadcast_in_dim3A_70, %sub3A_68 : vector<16xf32>
      %add3A_72 = arith.constant -0.187720492 : f32
      %add3A_73 = vector.broadcast %add3A_72 : f32 to vector<16xf32>
      %add3A_74 = arith.addf %mul3A_71, %add3A_73 : vector<16xf32>
      %mul3A_75 = arith.mulf %add3A_74, %sub3A_68 : vector<16xf32>
      %add3A_76 = arith.constant 0.408718944 : f32
      %add3A_77 = vector.broadcast %add3A_76 : f32 to vector<16xf32>
      %add3A_78 = arith.addf %mul3A_75, %add3A_77 : vector<16xf32>
      %mul3A_79 = arith.mulf %add3A_78, %sub3A_68 : vector<16xf32>
      %add3A_80 = arith.constant -0.705702602 : f32
      %add3A_81 = vector.broadcast %add3A_80 : f32 to vector<16xf32>
      %add3A_82 = arith.addf %mul3A_79, %add3A_81 : vector<16xf32>
      %mul3A_83 = arith.mulf %add3A_82, %sub3A_68 : vector<16xf32>
      %add3A_84 = arith.constant 1.44126713 : f32
      %add3A_85 = vector.broadcast %add3A_84 : f32 to vector<16xf32>
      %add3A_86 = arith.addf %mul3A_83, %add3A_85 : vector<16xf32>
      %mul3A_87 = arith.mulf %add3A_86, %sub3A_68 : vector<16xf32>
      %add3A_88 = arith.constant 3.19308565E-5 : f32
      %add3A_89 = vector.broadcast %add3A_88 : f32 to vector<16xf32>
      %add3A_90 = arith.addf %mul3A_87, %add3A_89 : vector<16xf32>
      %convert_element_type3A = arith.sitofp %sub3A_60 : vector<16xi32> to vector<16xf32>
      %add3A_91 = arith.addf %convert_element_type3A, %add3A_90 : vector<16xf32>
      %add3A_92 = arith.addf %scan3A_19, %add3A_91 : vector<16xf32>
      %broadcast_in_dim3A_93 = arith.constant 1 : i32
      %broadcast_in_dim3A_94 = vector.broadcast %broadcast_in_dim3A_93 : i32 to vector<16xi32>
      %gather3A_95 = tpu.vector_load_idx %arg5[%add3A_23, %broadcast_in_dim3A_94] : memref<128x28xf32, #tpu.memory_space<vmem>>[vector<16xi32>, vector<16xi32>], vector<16xf32>,
      %gather3A_96 = tpu.vector_load_idx %arg6[%add3A_23, %broadcast_in_dim3A_94] : memref<128x28xi32, #tpu.memory_space<vmem>>[vector<16xi32>, vector<16xi32>], vector<16xi32>,
      %eq3A_97 = arith.constant 0 : i32
      %eq3A_98 = vector.broadcast %eq3A_97 : i32 to vector<16xi32>
      %eq3A_99 = arith.cmpi eq, %gather3A_96, %eq3A_98 : vector<16xi32>
      %neg3A_100 = arith.constant 0.000000e+00 : f32
      %neg3A_101 = vector.broadcast %neg3A_100 : f32 to vector<16xf32>
      %neg3A_102 = arith.subf %neg3A_101, %gather3A_95 : vector<16xf32>
      %exp3A_103 = math.exp %neg3A_102 : vector<16xf32>
      %add3A_104 = arith.constant 1.000000e+00 : f32
      %add3A_105 = vector.broadcast %add3A_104 : f32 to vector<16xf32>
      %add3A_106 = arith.addf %add3A_105, %exp3A_103 : vector<16xf32>
      %div3A_107 = arith.constant 1.000000e+00 : f32
      %div3A_108 = vector.broadcast %div3A_107 : f32 to vector<16xf32>
      %div3A_109 = arith.divf %div3A_108, %add3A_106 : vector<16xf32>
      %exp3A_110 = math.exp %div3A_109 : vector<16xf32>
      %jit3A_111 = arith.constant 0.000000e+00 : f32
      %broadcast_in_dim3A_112 = vector.broadcast %jit3A_111 : f32 to vector<16xf32>
      %select_n3A_113 = arith.select %eq3A_99, %exp3A_110, %broadcast_in_dim3A_112 : vector<16xi1>, vector<16xf32>
      %add3A_114 = arith.addf %add3A_44, %select_n3A_113 : vector<16xf32>
      %div3A_115 = arith.constant 1.000000e+00 : f32
      %div3A_116 = vector.broadcast %div3A_115 : f32 to vector<16xf32>
      %div3A_117 = arith.divf %div3A_116, %exp3A_110 : vector<16xf32>
      %jit3A_118 = arith.constant 0.000000e+00 : f32
      %broadcast_in_dim3A_119 = vector.broadcast %jit3A_118 : f32 to vector<16xf32>
      %select_n3A_120 = arith.select %eq3A_99, %broadcast_in_dim3A_119, %div3A_117 : vector<16xi1>, vector<16xf32>
      %add3A_121 = arith.addf %add3A_51, %select_n3A_120 : vector<16xf32>
      %add3A_122 = arith.addi %add3A_52, %gather3A_96 : vector<16xi32>
      %jit3A_123 = arith.constant 0.000000e+00 : f32
      %broadcast_in_dim3A_124 = vector.broadcast %jit3A_123 : f32 to vector<16xf32>
      %select_n3A_125 = arith.select %eq3A_99, %gather3A_95, %broadcast_in_dim3A_124 : vector<16xi1>, vector<16xf32>
      %add3A_126 = arith.addf %add3A_56, %select_n3A_125 : vector<16xf32>
      %bitcast3A_127 = vector.bitcast %add3A_106 : vector<16xf32> to vector<16xi32>
      %shift_right_logical3A_128 = arith.constant 23 : i32
      %shift_right_logical3A_129 = vector.broadcast %shift_right_logical3A_128 : i32 to vector<16xi32>
      %shift_right_logical3A_130 = arith.shrui %bitcast3A_127, %shift_right_logical3A_129 : vector<16xi32>
      %sub3A_131 = arith.constant 127 : i32
      %sub3A_132 = vector.broadcast %sub3A_131 : i32 to vector<16xi32>
      %sub3A_133 = arith.subi %shift_right_logical3A_130, %sub3A_132 : vector<16xi32>
      %and3A_134 = arith.constant 8388607 : i32
      %and3A_135 = vector.broadcast %and3A_134 : i32 to vector<16xi32>
      %and3A_136 = arith.andi %bitcast3A_127, %and3A_135 : vector<16xi32>
      %or3A_137 = arith.constant 1065353216 : i32
      %or3A_138 = vector.broadcast %or3A_137 : i32 to vector<16xi32>
      %or3A_139 = arith.ori %and3A_136, %or3A_138 : vector<16xi32>
      %bitcast3A_140 = vector.bitcast %or3A_139 : vector<16xi32> to vector<16xf32>
      %sub3A_141 = arith.constant 1.000000e+00 : f32
      %sub3A_142 = vector.broadcast %sub3A_141 : f32 to vector<16xf32>
      %sub3A_143 = arith.subf %bitcast3A_140, %sub3A_142 : vector<16xf32>
      %broadcast_in_dim3A_144 = arith.constant 0.0434283651 : f32
      %broadcast_in_dim3A_145 = vector.broadcast %broadcast_in_dim3A_144 : f32 to vector<16xf32>
      %mul3A_146 = arith.mulf %broadcast_in_dim3A_145, %sub3A_143 : vector<16xf32>
      %add3A_147 = arith.constant -0.187720492 : f32
      %add3A_148 = vector.broadcast %add3A_147 : f32 to vector<16xf32>
      %add3A_149 = arith.addf %mul3A_146, %add3A_148 : vector<16xf32>
      %mul3A_150 = arith.mulf %add3A_149, %sub3A_143 : vector<16xf32>
      %add3A_151 = arith.constant 0.408718944 : f32
      %add3A_152 = vector.broadcast %add3A_151 : f32 to vector<16xf32>
      %add3A_153 = arith.addf %mul3A_150, %add3A_152 : vector<16xf32>
      %mul3A_154 = arith.mulf %add3A_153, %sub3A_143 : vector<16xf32>
      %add3A_155 = arith.constant -0.705702602 : f32
      %add3A_156 = vector.broadcast %add3A_155 : f32 to vector<16xf32>
      %add3A_157 = arith.addf %mul3A_154, %add3A_156 : vector<16xf32>
      %mul3A_158 = arith.mulf %add3A_157, %sub3A_143 : vector<16xf32>
      %add3A_159 = arith.constant 1.44126713 : f32
      %add3A_160 = vector.broadcast %add3A_159 : f32 to vector<16xf32>
      %add3A_161 = arith.addf %mul3A_158, %add3A_160 : vector<16xf32>
      %mul3A_162 = arith.mulf %add3A_161, %sub3A_143 : vector<16xf32>
      %add3A_163 = arith.constant 3.19308565E-5 : f32
      %add3A_164 = vector.broadcast %add3A_163 : f32 to vector<16xf32>
      %add3A_165 = arith.addf %mul3A_162, %add3A_164 : vector<16xf32>
      %convert_element_type3A_166 = arith.sitofp %sub3A_133 : vector<16xi32> to vector<16xf32>
      %add3A_167 = arith.addf %convert_element_type3A_166, %add3A_165 : vector<16xf32>
      %add3A_168 = arith.addf %add3A_92, %add3A_167 : vector<16xf32>
      %broadcast_in_dim3A_169 = arith.constant 2 : i32
      %broadcast_in_dim3A_170 = vector.broadcast %broadcast_in_dim3A_169 : i32 to vector<16xi32>
      %gather3A_171 = tpu.vector_load_idx %arg5[%add3A_23, %broadcast_in_dim3A_170] : memref<128x28xf32, #tpu.memory_space<vmem>>[vector<16xi32>, vector<16xi32>], vector<16xf32>,
      %gather3A_172 = tpu.vector_load_idx %arg6[%add3A_23, %broadcast_in_dim3A_170] : memref<128x28xi32, #tpu.memory_space<vmem>>[vector<16xi32>, vector<16xi32>], vector<16xi32>,
      %eq3A_173 = arith.constant 0 : i32
      %eq3A_174 = vector.broadcast %eq3A_173 : i32 to vector<16xi32>
      %eq3A_175 = arith.cmpi eq, %gather3A_172, %eq3A_174 : vector<16xi32>
      %neg3A_176 = arith.constant 0.000000e+00 : f32
      %neg3A_177 = vector.broadcast %neg3A_176 : f32 to vector<16xf32>
      %neg3A_178 = arith.subf %neg3A_177, %gather3A_171 : vector<16xf32>
      %exp3A_179 = math.exp %neg3A_178 : vector<16xf32>
      %add3A_180 = arith.constant 1.000000e+00 : f32
      %add3A_181 = vector.broadcast %add3A_180 : f32 to vector<16xf32>
      %add3A_182 = arith.addf %add3A_181, %exp3A_179 : vector<16xf32>
      %div3A_183 = arith.constant 1.000000e+00 : f32
      %div3A_184 = vector.broadcast %div3A_183 : f32 to vector<16xf32>
      %div3A_185 = arith.divf %div3A_184, %add3A_182 : vector<16xf32>
      %exp3A_186 = math.exp %div3A_185 : vector<16xf32>
      %jit3A_187 = arith.constant 0.000000e+00 : f32
      %broadcast_in_dim3A_188 = vector.broadcast %jit3A_187 : f32 to vector<16xf32>
      %select_n3A_189 = arith.select %eq3A_175, %exp3A_186, %broadcast_in_dim3A_188 : vector<16xi1>, vector<16xf32>
      %add3A_190 = arith.addf %add3A_114, %select_n3A_189 : vector<16xf32>
      %div3A_191 = arith.constant 1.000000e+00 : f32
      %div3A_192 = vector.broadcast %div3A_191 : f32 to vector<16xf32>
      %div3A_193 = arith.divf %div3A_192, %exp3A_186 : vector<16xf32>
      %jit3A_194 = arith.constant 0.000000e+00 : f32
      %broadcast_in_dim3A_195 = vector.broadcast %jit3A_194 : f32 to vector<16xf32>
      %select_n3A_196 = arith.select %eq3A_175, %broadcast_in_dim3A_195, %div3A_193 : vector<16xi1>, vector<16xf32>
      %add3A_197 = arith.addf %add3A_121, %select_n3A_196 : vector<16xf32>
      %add3A_198 = arith.addi %add3A_122, %gather3A_172 : vector<16xi32>
      %jit3A_199 = arith.constant 0.000000e+00 : f32
      %broadcast_in_dim3A_200 = vector.broadcast %jit3A_199 : f32 to vector<16xf32>
      %select_n3A_201 = arith.select %eq3A_175, %gather3A_171, %broadcast_in_dim3A_200 : vector<16xi1>, vector<16xf32>
      %add3A_202 = arith.addf %add3A_126, %select_n3A_201 : vector<16xf32>
      %bitcast3A_203 = vector.bitcast %add3A_182 : vector<16xf32> to vector<16xi32>
      %shift_right_logical3A_204 = arith.constant 23 : i32
      %shift_right_logical3A_205 = vector.broadcast %shift_right_logical3A_204 : i32 to vector<16xi32>
      %shift_right_logical3A_206 = arith.shrui %bitcast3A_203, %shift_right_logical3A_205 : vector<16xi32>
      %sub3A_207 = arith.constant 127 : i32
      %sub3A_208 = vector.broadcast %sub3A_207 : i32 to vector<16xi32>
      %sub3A_209 = arith.subi %shift_right_logical3A_206, %sub3A_208 : vector<16xi32>
      %and3A_210 = arith.constant 8388607 : i32
      %and3A_211 = vector.broadcast %and3A_210 : i32 to vector<16xi32>
      %and3A_212 = arith.andi %bitcast3A_203, %and3A_211 : vector<16xi32>
      %or3A_213 = arith.constant 1065353216 : i32
      %or3A_214 = vector.broadcast %or3A_213 : i32 to vector<16xi32>
      %or3A_215 = arith.ori %and3A_212, %or3A_214 : vector<16xi32>
      %bitcast3A_216 = vector.bitcast %or3A_215 : vector<16xi32> to vector<16xf32>
      %sub3A_217 = arith.constant 1.000000e+00 : f32
      %sub3A_218 = vector.broadcast %sub3A_217 : f32 to vector<16xf32>
      %sub3A_219 = arith.subf %bitcast3A_216, %sub3A_218 : vector<16xf32>
      %broadcast_in_dim3A_220 = arith.constant 0.0434283651 : f32
      %broadcast_in_dim3A_221 = vector.broadcast %broadcast_in_dim3A_220 : f32 to vector<16xf32>
      %mul3A_222 = arith.mulf %broadcast_in_dim3A_221, %sub3A_219 : vector<16xf32>
      %add3A_223 = arith.constant -0.187720492 : f32
      %add3A_224 = vector.broadcast %add3A_223 : f32 to vector<16xf32>
      %add3A_225 = arith.addf %mul3A_222, %add3A_224 : vector<16xf32>
      %mul3A_226 = arith.mulf %add3A_225, %sub3A_219 : vector<16xf32>
      %add3A_227 = arith.constant 0.408718944 : f32
      %add3A_228 = vector.broadcast %add3A_227 : f32 to vector<16xf32>
      %add3A_229 = arith.addf %mul3A_226, %add3A_228 : vector<16xf32>
      %mul3A_230 = arith.mulf %add3A_229, %sub3A_219 : vector<16xf32>
      %add3A_231 = arith.constant -0.705702602 : f32
      %add3A_232 = vector.broadcast %add3A_231 : f32 to vector<16xf32>
      %add3A_233 = arith.addf %mul3A_230, %add3A_232 : vector<16xf32>
      %mul3A_234 = arith.mulf %add3A_233, %sub3A_219 : vector<16xf32>
      %add3A_235 = arith.constant 1.44126713 : f32
      %add3A_236 = vector.broadcast %add3A_235 : f32 to vector<16xf32>
      %add3A_237 = arith.addf %mul3A_234, %add3A_236 : vector<16xf32>
      %mul3A_238 = arith.mulf %add3A_237, %sub3A_219 : vector<16xf32>
      %add3A_239 = arith.constant 3.19308565E-5 : f32
      %add3A_240 = vector.broadcast %add3A_239 : f32 to vector<16xf32>
      %add3A_241 = arith.addf %mul3A_238, %add3A_240 : vector<16xf32>
      %convert_element_type3A_242 = arith.sitofp %sub3A_209 : vector<16xi32> to vector<16xf32>
      %add3A_243 = arith.addf %convert_element_type3A_242, %add3A_241 : vector<16xf32>
      %add3A_244 = arith.addf %add3A_168, %add3A_243 : vector<16xf32>
      %broadcast_in_dim3A_245 = arith.constant 3 : i32
      %broadcast_in_dim3A_246 = vector.broadcast %broadcast_in_dim3A_245 : i32 to vector<16xi32>
      %gather3A_247 = tpu.vector_load_idx %arg5[%add3A_23, %broadcast_in_dim3A_246] : memref<128x28xf32, #tpu.memory_space<vmem>>[vector<16xi32>, vector<16xi32>], vector<16xf32>,
      %gather3A_248 = tpu.vector_load_idx %arg6[%add3A_23, %broadcast_in_dim3A_246] : memref<128x28xi32, #tpu.memory_space<vmem>>[vector<16xi32>, vector<16xi32>], vector<16xi32>,
      %eq3A_249 = arith.constant 0 : i32
      %eq3A_250 = vector.broadcast %eq3A_249 : i32 to vector<16xi32>
      %eq3A_251 = arith.cmpi eq, %gather3A_248, %eq3A_250 : vector<16xi32>
      %neg3A_252 = arith.constant 0.000000e+00 : f32
      %neg3A_253 = vector.broadcast %neg3A_252 : f32 to vector<16xf32>
      %neg3A_254 = arith.subf %neg3A_253, %gather3A_247 : vector<16xf32>
      %exp3A_255 = math.exp %neg3A_254 : vector<16xf32>
      %add3A_256 = arith.constant 1.000000e+00 : f32
      %add3A_257 = vector.broadcast %add3A_256 : f32 to vector<16xf32>
      %add3A_258 = arith.addf %add3A_257, %exp3A_255 : vector<16xf32>
      %div3A_259 = arith.constant 1.000000e+00 : f32
      %div3A_260 = vector.broadcast %div3A_259 : f32 to vector<16xf32>
      %div3A_261 = arith.divf %div3A_260, %add3A_258 : vector<16xf32>
      %exp3A_262 = math.exp %div3A_261 : vector<16xf32>
      %jit3A_263 = arith.constant 0.000000e+00 : f32
      %broadcast_in_dim3A_264 = vector.broadcast %jit3A_263 : f32 to vector<16xf32>
      %select_n3A_265 = arith.select %eq3A_251, %exp3A_262, %broadcast_in_dim3A_264 : vector<16xi1>, vector<16xf32>
      %add3A_266 = arith.addf %add3A_190, %select_n3A_265 : vector<16xf32>
      %div3A_267 = arith.constant 1.000000e+00 : f32
      %div3A_268 = vector.broadcast %div3A_267 : f32 to vector<16xf32>
      %div3A_269 = arith.divf %div3A_268, %exp3A_262 : vector<16xf32>
      %jit3A_270 = arith.constant 0.000000e+00 : f32
      %broadcast_in_dim3A_271 = vector.broadcast %jit3A_270 : f32 to vector<16xf32>
      %select_n3A_272 = arith.select %eq3A_251, %broadcast_in_dim3A_271, %div3A_269 : vector<16xi1>, vector<16xf32>
      %add3A_273 = arith.addf %add3A_197, %select_n3A_272 : vector<16xf32>
      %add3A_274 = arith.addi %add3A_198, %gather3A_248 : vector<16xi32>
      %jit3A_275 = arith.constant 0.000000e+00 : f32
      %broadcast_in_dim3A_276 = vector.broadcast %jit3A_275 : f32 to vector<16xf32>
      %select_n3A_277 = arith.select %eq3A_251, %gather3A_247, %broadcast_in_dim3A_276 : vector<16xi1>, vector<16xf32>
      %add3A_278 = arith.addf %add3A_202, %select_n3A_277 : vector<16xf32>
      %bitcast3A_279 = vector.bitcast %add3A_258 : vector<16xf32> to vector<16xi32>
      %shift_right_logical3A_280 = arith.constant 23 : i32
      %shift_right_logical3A_281 = vector.broadcast %shift_right_logical3A_280 : i32 to vector<16xi32>
      %shift_right_logical3A_282 = arith.shrui %bitcast3A_279, %shift_right_logical3A_281 : vector<16xi32>
      %sub3A_283 = arith.constant 127 : i32
      %sub3A_284 = vector.broadcast %sub3A_283 : i32 to vector<16xi32>
      %sub3A_285 = arith.subi %shift_right_logical3A_282, %sub3A_284 : vector<16xi32>
      %and3A_286 = arith.constant 8388607 : i32
      %and3A_287 = vector.broadcast %and3A_286 : i32 to vector<16xi32>
      %and3A_288 = arith.andi %bitcast3A_279, %and3A_287 : vector<16xi32>
      %or3A_289 = arith.constant 1065353216 : i32
      %or3A_290 = vector.broadcast %or3A_289 : i32 to vector<16xi32>
      %or3A_291 = arith.ori %and3A_288, %or3A_290 : vector<16xi32>
      %bitcast3A_292 = vector.bitcast %or3A_291 : vector<16xi32> to vector<16xf32>
      %sub3A_293 = arith.constant 1.000000e+00 : f32
      %sub3A_294 = vector.broadcast %sub3A_293 : f32 to vector<16xf32>
      %sub3A_295 = arith.subf %bitcast3A_292, %sub3A_294 : vector<16xf32>
      %broadcast_in_dim3A_296 = arith.constant 0.0434283651 : f32
      %broadcast_in_dim3A_297 = vector.broadcast %broadcast_in_dim3A_296 : f32 to vector<16xf32>
      %mul3A_298 = arith.mulf %broadcast_in_dim3A_297, %sub3A_295 : vector<16xf32>
      %add3A_299 = arith.constant -0.187720492 : f32
      %add3A_300 = vector.broadcast %add3A_299 : f32 to vector<16xf32>
      %add3A_301 = arith.addf %mul3A_298, %add3A_300 : vector<16xf32>
      %mul3A_302 = arith.mulf %add3A_301, %sub3A_295 : vector<16xf32>
      %add3A_303 = arith.constant 0.408718944 : f32
      %add3A_304 = vector.broadcast %add3A_303 : f32 to vector<16xf32>
      %add3A_305 = arith.addf %mul3A_302, %add3A_304 : vector<16xf32>
      %mul3A_306 = arith.mulf %add3A_305, %sub3A_295 : vector<16xf32>
      %add3A_307 = arith.constant -0.705702602 : f32
      %add3A_308 = vector.broadcast %add3A_307 : f32 to vector<16xf32>
      %add3A_309 = arith.addf %mul3A_306, %add3A_308 : vector<16xf32>
      %mul3A_310 = arith.mulf %add3A_309, %sub3A_295 : vector<16xf32>
      %add3A_311 = arith.constant 1.44126713 : f32
      %add3A_312 = vector.broadcast %add3A_311 : f32 to vector<16xf32>
      %add3A_313 = arith.addf %mul3A_310, %add3A_312 : vector<16xf32>
      %mul3A_314 = arith.mulf %add3A_313, %sub3A_295 : vector<16xf32>
      %add3A_315 = arith.constant 3.19308565E-5 : f32
      %add3A_316 = vector.broadcast %add3A_315 : f32 to vector<16xf32>
      %add3A_317 = arith.addf %mul3A_314, %add3A_316 : vector<16xf32>
      %convert_element_type3A_318 = arith.sitofp %sub3A_285 : vector<16xi32> to vector<16xf32>
      %add3A_319 = arith.addf %convert_element_type3A_318, %add3A_317 : vector<16xf32>
      %add3A_320 = arith.addf %add3A_244, %add3A_319 : vector<16xf32>
      %broadcast_in_dim3A_321 = arith.constant 4 : i32
      %broadcast_in_dim3A_322 = vector.broadcast %broadcast_in_dim3A_321 : i32 to vector<16xi32>
      %gather3A_323 = tpu.vector_load_idx %arg5[%add3A_23, %broadcast_in_dim3A_322] : memref<128x28xf32, #tpu.memory_space<vmem>>[vector<16xi32>, vector<16xi32>], vector<16xf32>,
      %gather3A_324 = tpu.vector_load_idx %arg6[%add3A_23, %broadcast_in_dim3A_322] : memref<128x28xi32, #tpu.memory_space<vmem>>[vector<16xi32>, vector<16xi32>], vector<16xi32>,
      %eq3A_325 = arith.constant 0 : i32
      %eq3A_326 = vector.broadcast %eq3A_325 : i32 to vector<16xi32>
      %eq3A_327 = arith.cmpi eq, %gather3A_324, %eq3A_326 : vector<16xi32>
      %neg3A_328 = arith.constant 0.000000e+00 : f32
      %neg3A_329 = vector.broadcast %neg3A_328 : f32 to vector<16xf32>
      %neg3A_330 = arith.subf %neg3A_329, %gather3A_323 : vector<16xf32>
      %exp3A_331 = math.exp %neg3A_330 : vector<16xf32>
      %add3A_332 = arith.constant 1.000000e+00 : f32
      %add3A_333 = vector.broadcast %add3A_332 : f32 to vector<16xf32>
      %add3A_334 = arith.addf %add3A_333, %exp3A_331 : vector<16xf32>
      %div3A_335 = arith.constant 1.000000e+00 : f32
      %div3A_336 = vector.broadcast %div3A_335 : f32 to vector<16xf32>
      %div3A_337 = arith.divf %div3A_336, %add3A_334 : vector<16xf32>
      %exp3A_338 = math.exp %div3A_337 : vector<16xf32>
      %jit3A_339 = arith.constant 0.000000e+00 : f32
      %broadcast_in_dim3A_340 = vector.broadcast %jit3A_339 : f32 to vector<16xf32>
      %select_n3A_341 = arith.select %eq3A_327, %exp3A_338, %broadcast_in_dim3A_340 : vector<16xi1>, vector<16xf32>
      %add3A_342 = arith.addf %add3A_266, %select_n3A_341 : vector<16xf32>
      %div3A_343 = arith.constant 1.000000e+00 : f32
      %div3A_344 = vector.broadcast %div3A_343 : f32 to vector<16xf32>
      %div3A_345 = arith.divf %div3A_344, %exp3A_338 : vector<16xf32>
      %jit3A_346 = arith.constant 0.000000e+00 : f32
      %broadcast_in_dim3A_347 = vector.broadcast %jit3A_346 : f32 to vector<16xf32>
      %select_n3A_348 = arith.select %eq3A_327, %broadcast_in_dim3A_347, %div3A_345 : vector<16xi1>, vector<16xf32>
      %add3A_349 = arith.addf %add3A_273, %select_n3A_348 : vector<16xf32>
      %add3A_350 = arith.addi %add3A_274, %gather3A_324 : vector<16xi32>
      %jit3A_351 = arith.constant 0.000000e+00 : f32
      %broadcast_in_dim3A_352 = vector.broadcast %jit3A_351 : f32 to vector<16xf32>
      %select_n3A_353 = arith.select %eq3A_327, %gather3A_323, %broadcast_in_dim3A_352 : vector<16xi1>, vector<16xf32>
      %add3A_354 = arith.addf %add3A_278, %select_n3A_353 : vector<16xf32>
      %bitcast3A_355 = vector.bitcast %add3A_334 : vector<16xf32> to vector<16xi32>
      %shift_right_logical3A_356 = arith.constant 23 : i32
      %shift_right_logical3A_357 = vector.broadcast %shift_right_logical3A_356 : i32 to vector<16xi32>
      %shift_right_logical3A_358 = arith.shrui %bitcast3A_355, %shift_right_logical3A_357 : vector<16xi32>
      %sub3A_359 = arith.constant 127 : i32
      %sub3A_360 = vector.broadcast %sub3A_359 : i32 to vector<16xi32>
      %sub3A_361 = arith.subi %shift_right_logical3A_358, %sub3A_360 : vector<16xi32>
      %and3A_362 = arith.constant 8388607 : i32
      %and3A_363 = vector.broadcast %and3A_362 : i32 to vector<16xi32>
      %and3A_364 = arith.andi %bitcast3A_355, %and3A_363 : vector<16xi32>
      %or3A_365 = arith.constant 1065353216 : i32
      %or3A_366 = vector.broadcast %or3A_365 : i32 to vector<16xi32>
      %or3A_367 = arith.ori %and3A_364, %or3A_366 : vector<16xi32>
      %bitcast3A_368 = vector.bitcast %or3A_367 : vector<16xi32> to vector<16xf32>
      %sub3A_369 = arith.constant 1.000000e+00 : f32
      %sub3A_370 = vector.broadcast %sub3A_369 : f32 to vector<16xf32>
      %sub3A_371 = arith.subf %bitcast3A_368, %sub3A_370 : vector<16xf32>
      %broadcast_in_dim3A_372 = arith.constant 0.0434283651 : f32
      %broadcast_in_dim3A_373 = vector.broadcast %broadcast_in_dim3A_372 : f32 to vector<16xf32>
      %mul3A_374 = arith.mulf %broadcast_in_dim3A_373, %sub3A_371 : vector<16xf32>
      %add3A_375 = arith.constant -0.187720492 : f32
      %add3A_376 = vector.broadcast %add3A_375 : f32 to vector<16xf32>
      %add3A_377 = arith.addf %mul3A_374, %add3A_376 : vector<16xf32>
      %mul3A_378 = arith.mulf %add3A_377, %sub3A_371 : vector<16xf32>
      %add3A_379 = arith.constant 0.408718944 : f32
      %add3A_380 = vector.broadcast %add3A_379 : f32 to vector<16xf32>
      %add3A_381 = arith.addf %mul3A_378, %add3A_380 : vector<16xf32>
      %mul3A_382 = arith.mulf %add3A_381, %sub3A_371 : vector<16xf32>
      %add3A_383 = arith.constant -0.705702602 : f32
      %add3A_384 = vector.broadcast %add3A_383 : f32 to vector<16xf32>
      %add3A_385 = arith.addf %mul3A_382, %add3A_384 : vector<16xf32>
      %mul3A_386 = arith.mulf %add3A_385, %sub3A_371 : vector<16xf32>
      %add3A_387 = arith.constant 1.44126713 : f32
      %add3A_388 = vector.broadcast %add3A_387 : f32 to vector<16xf32>
      %add3A_389 = arith.addf %mul3A_386, %add3A_388 : vector<16xf32>
      %mul3A_390 = arith.mulf %add3A_389, %sub3A_371 : vector<16xf32>
      %add3A_391 = arith.constant 3.19308565E-5 : f32
      %add3A_392 = vector.broadcast %add3A_391 : f32 to vector<16xf32>
      %add3A_393 = arith.addf %mul3A_390, %add3A_392 : vector<16xf32>
      %convert_element_type3A_394 = arith.sitofp %sub3A_361 : vector<16xi32> to vector<16xf32>
      %add3A_395 = arith.addf %convert_element_type3A_394, %add3A_393 : vector<16xf32>
      %add3A_396 = arith.addf %add3A_320, %add3A_395 : vector<16xf32>
      %broadcast_in_dim3A_397 = arith.constant 5 : i32
      %broadcast_in_dim3A_398 = vector.broadcast %broadcast_in_dim3A_397 : i32 to vector<16xi32>
      %gather3A_399 = tpu.vector_load_idx %arg5[%add3A_23, %broadcast_in_dim3A_398] : memref<128x28xf32, #tpu.memory_space<vmem>>[vector<16xi32>, vector<16xi32>], vector<16xf32>,
      %gather3A_400 = tpu.vector_load_idx %arg6[%add3A_23, %broadcast_in_dim3A_398] : memref<128x28xi32, #tpu.memory_space<vmem>>[vector<16xi32>, vector<16xi32>], vector<16xi32>,
      %eq3A_401 = arith.constant 0 : i32
      %eq3A_402 = vector.broadcast %eq3A_401 : i32 to vector<16xi32>
      %eq3A_403 = arith.cmpi eq, %gather3A_400, %eq3A_402 : vector<16xi32>
      %neg3A_404 = arith.constant 0.000000e+00 : f32
      %neg3A_405 = vector.broadcast %neg3A_404 : f32 to vector<16xf32>
      %neg3A_406 = arith.subf %neg3A_405, %gather3A_399 : vector<16xf32>
      %exp3A_407 = math.exp %neg3A_406 : vector<16xf32>
      %add3A_408 = arith.constant 1.000000e+00 : f32
      %add3A_409 = vector.broadcast %add3A_408 : f32 to vector<16xf32>
      %add3A_410 = arith.addf %add3A_409, %exp3A_407 : vector<16xf32>
      %div3A_411 = arith.constant 1.000000e+00 : f32
      %div3A_412 = vector.broadcast %div3A_411 : f32 to vector<16xf32>
      %div3A_413 = arith.divf %div3A_412, %add3A_410 : vector<16xf32>
      %exp3A_414 = math.exp %div3A_413 : vector<16xf32>
      %jit3A_415 = arith.constant 0.000000e+00 : f32
      %broadcast_in_dim3A_416 = vector.broadcast %jit3A_415 : f32 to vector<16xf32>
      %select_n3A_417 = arith.select %eq3A_403, %exp3A_414, %broadcast_in_dim3A_416 : vector<16xi1>, vector<16xf32>
      %add3A_418 = arith.addf %add3A_342, %select_n3A_417 : vector<16xf32>
      %div3A_419 = arith.constant 1.000000e+00 : f32
      %div3A_420 = vector.broadcast %div3A_419 : f32 to vector<16xf32>
      %div3A_421 = arith.divf %div3A_420, %exp3A_414 : vector<16xf32>
      %jit3A_422 = arith.constant 0.000000e+00 : f32
      %broadcast_in_dim3A_423 = vector.broadcast %jit3A_422 : f32 to vector<16xf32>
      %select_n3A_424 = arith.select %eq3A_403, %broadcast_in_dim3A_423, %div3A_421 : vector<16xi1>, vector<16xf32>
      %add3A_425 = arith.addf %add3A_349, %select_n3A_424 : vector<16xf32>
      %add3A_426 = arith.addi %add3A_350, %gather3A_400 : vector<16xi32>
      %jit3A_427 = arith.constant 0.000000e+00 : f32
      %broadcast_in_dim3A_428 = vector.broadcast %jit3A_427 : f32 to vector<16xf32>
      %select_n3A_429 = arith.select %eq3A_403, %gather3A_399, %broadcast_in_dim3A_428 : vector<16xi1>, vector<16xf32>
      %add3A_430 = arith.addf %add3A_354, %select_n3A_429 : vector<16xf32>
      %bitcast3A_431 = vector.bitcast %add3A_410 : vector<16xf32> to vector<16xi32>
      %shift_right_logical3A_432 = arith.constant 23 : i32
      %shift_right_logical3A_433 = vector.broadcast %shift_right_logical3A_432 : i32 to vector<16xi32>
      %shift_right_logical3A_434 = arith.shrui %bitcast3A_431, %shift_right_logical3A_433 : vector<16xi32>
      %sub3A_435 = arith.constant 127 : i32
      %sub3A_436 = vector.broadcast %sub3A_435 : i32 to vector<16xi32>
      %sub3A_437 = arith.subi %shift_right_logical3A_434, %sub3A_436 : vector<16xi32>
      %and3A_438 = arith.constant 8388607 : i32
      %and3A_439 = vector.broadcast %and3A_438 : i32 to vector<16xi32>
      %and3A_440 = arith.andi %bitcast3A_431, %and3A_439 : vector<16xi32>
      %or3A_441 = arith.constant 1065353216 : i32
      %or3A_442 = vector.broadcast %or3A_441 : i32 to vector<16xi32>
      %or3A_443 = arith.ori %and3A_440, %or3A_442 : vector<16xi32>
      %bitcast3A_444 = vector.bitcast %or3A_443 : vector<16xi32> to vector<16xf32>
      %sub3A_445 = arith.constant 1.000000e+00 : f32
      %sub3A_446 = vector.broadcast %sub3A_445 : f32 to vector<16xf32>
      %sub3A_447 = arith.subf %bitcast3A_444, %sub3A_446 : vector<16xf32>
      %broadcast_in_dim3A_448 = arith.constant 0.0434283651 : f32
      %broadcast_in_dim3A_449 = vector.broadcast %broadcast_in_dim3A_448 : f32 to vector<16xf32>
      %mul3A_450 = arith.mulf %broadcast_in_dim3A_449, %sub3A_447 : vector<16xf32>
      %add3A_451 = arith.constant -0.187720492 : f32
      %add3A_452 = vector.broadcast %add3A_451 : f32 to vector<16xf32>
      %add3A_453 = arith.addf %mul3A_450, %add3A_452 : vector<16xf32>
      %mul3A_454 = arith.mulf %add3A_453, %sub3A_447 : vector<16xf32>
      %add3A_455 = arith.constant 0.408718944 : f32
      %add3A_456 = vector.broadcast %add3A_455 : f32 to vector<16xf32>
      %add3A_457 = arith.addf %mul3A_454, %add3A_456 : vector<16xf32>
      %mul3A_458 = arith.mulf %add3A_457, %sub3A_447 : vector<16xf32>
      %add3A_459 = arith.constant -0.705702602 : f32
      %add3A_460 = vector.broadcast %add3A_459 : f32 to vector<16xf32>
      %add3A_461 = arith.addf %mul3A_458, %add3A_460 : vector<16xf32>
      %mul3A_462 = arith.mulf %add3A_461, %sub3A_447 : vector<16xf32>
      %add3A_463 = arith.constant 1.44126713 : f32
      %add3A_464 = vector.broadcast %add3A_463 : f32 to vector<16xf32>
      %add3A_465 = arith.addf %mul3A_462, %add3A_464 : vector<16xf32>
      %mul3A_466 = arith.mulf %add3A_465, %sub3A_447 : vector<16xf32>
      %add3A_467 = arith.constant 3.19308565E-5 : f32
      %add3A_468 = vector.broadcast %add3A_467 : f32 to vector<16xf32>
      %add3A_469 = arith.addf %mul3A_466, %add3A_468 : vector<16xf32>
      %convert_element_type3A_470 = arith.sitofp %sub3A_437 : vector<16xi32> to vector<16xf32>
      %add3A_471 = arith.addf %convert_element_type3A_470, %add3A_469 : vector<16xf32>
      %add3A_472 = arith.addf %add3A_396, %add3A_471 : vector<16xf32>
      %broadcast_in_dim3A_473 = arith.constant 6 : i32
      %broadcast_in_dim3A_474 = vector.broadcast %broadcast_in_dim3A_473 : i32 to vector<16xi32>
      %gather3A_475 = tpu.vector_load_idx %arg5[%add3A_23, %broadcast_in_dim3A_474] : memref<128x28xf32, #tpu.memory_space<vmem>>[vector<16xi32>, vector<16xi32>], vector<16xf32>,
      %gather3A_476 = tpu.vector_load_idx %arg6[%add3A_23, %broadcast_in_dim3A_474] : memref<128x28xi32, #tpu.memory_space<vmem>>[vector<16xi32>, vector<16xi32>], vector<16xi32>,
      %eq3A_477 = arith.constant 0 : i32
      %eq3A_478 = vector.broadcast %eq3A_477 : i32 to vector<16xi32>
      %eq3A_479 = arith.cmpi eq, %gather3A_476, %eq3A_478 : vector<16xi32>
      %neg3A_480 = arith.constant 0.000000e+00 : f32
      %neg3A_481 = vector.broadcast %neg3A_480 : f32 to vector<16xf32>
      %neg3A_482 = arith.subf %neg3A_481, %gather3A_475 : vector<16xf32>
      %exp3A_483 = math.exp %neg3A_482 : vector<16xf32>
      %add3A_484 = arith.constant 1.000000e+00 : f32
      %add3A_485 = vector.broadcast %add3A_484 : f32 to vector<16xf32>
      %add3A_486 = arith.addf %add3A_485, %exp3A_483 : vector<16xf32>
      %div3A_487 = arith.constant 1.000000e+00 : f32
      %div3A_488 = vector.broadcast %div3A_487 : f32 to vector<16xf32>
      %div3A_489 = arith.divf %div3A_488, %add3A_486 : vector<16xf32>
      %exp3A_490 = math.exp %div3A_489 : vector<16xf32>
      %jit3A_491 = arith.constant 0.000000e+00 : f32
      %broadcast_in_dim3A_492 = vector.broadcast %jit3A_491 : f32 to vector<16xf32>
      %select_n3A_493 = arith.select %eq3A_479, %exp3A_490, %broadcast_in_dim3A_492 : vector<16xi1>, vector<16xf32>
      %add3A_494 = arith.addf %add3A_418, %select_n3A_493 : vector<16xf32>
      %div3A_495 = arith.constant 1.000000e+00 : f32
      %div3A_496 = vector.broadcast %div3A_495 : f32 to vector<16xf32>
      %div3A_497 = arith.divf %div3A_496, %exp3A_490 : vector<16xf32>
      %jit3A_498 = arith.constant 0.000000e+00 : f32
      %broadcast_in_dim3A_499 = vector.broadcast %jit3A_498 : f32 to vector<16xf32>
      %select_n3A_500 = arith.select %eq3A_479, %broadcast_in_dim3A_499, %div3A_497 : vector<16xi1>, vector<16xf32>
      %add3A_501 = arith.addf %add3A_425, %select_n3A_500 : vector<16xf32>
      %add3A_502 = arith.addi %add3A_426, %gather3A_476 : vector<16xi32>
      %jit3A_503 = arith.constant 0.000000e+00 : f32
      %broadcast_in_dim3A_504 = vector.broadcast %jit3A_503 : f32 to vector<16xf32>
      %select_n3A_505 = arith.select %eq3A_479, %gather3A_475, %broadcast_in_dim3A_504 : vector<16xi1>, vector<16xf32>
      %add3A_506 = arith.addf %add3A_430, %select_n3A_505 : vector<16xf32>
      %bitcast3A_507 = vector.bitcast %add3A_486 : vector<16xf32> to vector<16xi32>
      %shift_right_logical3A_508 = arith.constant 23 : i32
      %shift_right_logical3A_509 = vector.broadcast %shift_right_logical3A_508 : i32 to vector<16xi32>
      %shift_right_logical3A_510 = arith.shrui %bitcast3A_507, %shift_right_logical3A_509 : vector<16xi32>
      %sub3A_511 = arith.constant 127 : i32
      %sub3A_512 = vector.broadcast %sub3A_511 : i32 to vector<16xi32>
      %sub3A_513 = arith.subi %shift_right_logical3A_510, %sub3A_512 : vector<16xi32>
      %and3A_514 = arith.constant 8388607 : i32
      %and3A_515 = vector.broadcast %and3A_514 : i32 to vector<16xi32>
      %and3A_516 = arith.andi %bitcast3A_507, %and3A_515 : vector<16xi32>
      %or3A_517 = arith.constant 1065353216 : i32
      %or3A_518 = vector.broadcast %or3A_517 : i32 to vector<16xi32>
      %or3A_519 = arith.ori %and3A_516, %or3A_518 : vector<16xi32>
      %bitcast3A_520 = vector.bitcast %or3A_519 : vector<16xi32> to vector<16xf32>
      %sub3A_521 = arith.constant 1.000000e+00 : f32
      %sub3A_522 = vector.broadcast %sub3A_521 : f32 to vector<16xf32>
      %sub3A_523 = arith.subf %bitcast3A_520, %sub3A_522 : vector<16xf32>
      %broadcast_in_dim3A_524 = arith.constant 0.0434283651 : f32
      %broadcast_in_dim3A_525 = vector.broadcast %broadcast_in_dim3A_524 : f32 to vector<16xf32>
      %mul3A_526 = arith.mulf %broadcast_in_dim3A_525, %sub3A_523 : vector<16xf32>
      %add3A_527 = arith.constant -0.187720492 : f32
      %add3A_528 = vector.broadcast %add3A_527 : f32 to vector<16xf32>
      %add3A_529 = arith.addf %mul3A_526, %add3A_528 : vector<16xf32>
      %mul3A_530 = arith.mulf %add3A_529, %sub3A_523 : vector<16xf32>
      %add3A_531 = arith.constant 0.408718944 : f32
      %add3A_532 = vector.broadcast %add3A_531 : f32 to vector<16xf32>
      %add3A_533 = arith.addf %mul3A_530, %add3A_532 : vector<16xf32>
      %mul3A_534 = arith.mulf %add3A_533, %sub3A_523 : vector<16xf32>
      %add3A_535 = arith.constant -0.705702602 : f32
      %add3A_536 = vector.broadcast %add3A_535 : f32 to vector<16xf32>
      %add3A_537 = arith.addf %mul3A_534, %add3A_536 : vector<16xf32>
      %mul3A_538 = arith.mulf %add3A_537, %sub3A_523 : vector<16xf32>
      %add3A_539 = arith.constant 1.44126713 : f32
      %add3A_540 = vector.broadcast %add3A_539 : f32 to vector<16xf32>
      %add3A_541 = arith.addf %mul3A_538, %add3A_540 : vector<16xf32>
      %mul3A_542 = arith.mulf %add3A_541, %sub3A_523 : vector<16xf32>
      %add3A_543 = arith.constant 3.19308565E-5 : f32
      %add3A_544 = vector.broadcast %add3A_543 : f32 to vector<16xf32>
      %add3A_545 = arith.addf %mul3A_542, %add3A_544 : vector<16xf32>
      %convert_element_type3A_546 = arith.sitofp %sub3A_513 : vector<16xi32> to vector<16xf32>
      %add3A_547 = arith.addf %convert_element_type3A_546, %add3A_545 : vector<16xf32>
      %add3A_548 = arith.addf %add3A_472, %add3A_547 : vector<16xf32>
      %broadcast_in_dim3A_549 = arith.constant 7 : i32
      %broadcast_in_dim3A_550 = vector.broadcast %broadcast_in_dim3A_549 : i32 to vector<16xi32>
      %gather3A_551 = tpu.vector_load_idx %arg5[%add3A_23, %broadcast_in_dim3A_550] : memref<128x28xf32, #tpu.memory_space<vmem>>[vector<16xi32>, vector<16xi32>], vector<16xf32>,
      %gather3A_552 = tpu.vector_load_idx %arg6[%add3A_23, %broadcast_in_dim3A_550] : memref<128x28xi32, #tpu.memory_space<vmem>>[vector<16xi32>, vector<16xi32>], vector<16xi32>,
      %eq3A_553 = arith.constant 0 : i32
      %eq3A_554 = vector.broadcast %eq3A_553 : i32 to vector<16xi32>
      %eq3A_555 = arith.cmpi eq, %gather3A_552, %eq3A_554 : vector<16xi32>
      %neg3A_556 = arith.constant 0.000000e+00 : f32
      %neg3A_557 = vector.broadcast %neg3A_556 : f32 to vector<16xf32>
      %neg3A_558 = arith.subf %neg3A_557, %gather3A_551 : vector<16xf32>
      %exp3A_559 = math.exp %neg3A_558 : vector<16xf32>
      %add3A_560 = arith.constant 1.000000e+00 : f32
      %add3A_561 = vector.broadcast %add3A_560 : f32 to vector<16xf32>
      %add3A_562 = arith.addf %add3A_561, %exp3A_559 : vector<16xf32>
      %div3A_563 = arith.constant 1.000000e+00 : f32
      %div3A_564 = vector.broadcast %div3A_563 : f32 to vector<16xf32>
      %div3A_565 = arith.divf %div3A_564, %add3A_562 : vector<16xf32>
      %exp3A_566 = math.exp %div3A_565 : vector<16xf32>
      %jit3A_567 = arith.constant 0.000000e+00 : f32
      %broadcast_in_dim3A_568 = vector.broadcast %jit3A_567 : f32 to vector<16xf32>
      %select_n3A_569 = arith.select %eq3A_555, %exp3A_566, %broadcast_in_dim3A_568 : vector<16xi1>, vector<16xf32>
      %add3A_570 = arith.addf %add3A_494, %select_n3A_569 : vector<16xf32>
      %div3A_571 = arith.constant 1.000000e+00 : f32
      %div3A_572 = vector.broadcast %div3A_571 : f32 to vector<16xf32>
      %div3A_573 = arith.divf %div3A_572, %exp3A_566 : vector<16xf32>
      %jit3A_574 = arith.constant 0.000000e+00 : f32
      %broadcast_in_dim3A_575 = vector.broadcast %jit3A_574 : f32 to vector<16xf32>
      %select_n3A_576 = arith.select %eq3A_555, %broadcast_in_dim3A_575, %div3A_573 : vector<16xi1>, vector<16xf32>
      %add3A_577 = arith.addf %add3A_501, %select_n3A_576 : vector<16xf32>
      %add3A_578 = arith.addi %add3A_502, %gather3A_552 : vector<16xi32>
      %jit3A_579 = arith.constant 0.000000e+00 : f32
      %broadcast_in_dim3A_580 = vector.broadcast %jit3A_579 : f32 to vector<16xf32>
      %select_n3A_581 = arith.select %eq3A_555, %gather3A_551, %broadcast_in_dim3A_580 : vector<16xi1>, vector<16xf32>
      %add3A_582 = arith.addf %add3A_506, %select_n3A_581 : vector<16xf32>
      %bitcast3A_583 = vector.bitcast %add3A_562 : vector<16xf32> to vector<16xi32>
      %shift_right_logical3A_584 = arith.constant 23 : i32
      %shift_right_logical3A_585 = vector.broadcast %shift_right_logical3A_584 : i32 to vector<16xi32>
      %shift_right_logical3A_586 = arith.shrui %bitcast3A_583, %shift_right_logical3A_585 : vector<16xi32>
      %sub3A_587 = arith.constant 127 : i32
      %sub3A_588 = vector.broadcast %sub3A_587 : i32 to vector<16xi32>
      %sub3A_589 = arith.subi %shift_right_logical3A_586, %sub3A_588 : vector<16xi32>
      %and3A_590 = arith.constant 8388607 : i32
      %and3A_591 = vector.broadcast %and3A_590 : i32 to vector<16xi32>
      %and3A_592 = arith.andi %bitcast3A_583, %and3A_591 : vector<16xi32>
      %or3A_593 = arith.constant 1065353216 : i32
      %or3A_594 = vector.broadcast %or3A_593 : i32 to vector<16xi32>
      %or3A_595 = arith.ori %and3A_592, %or3A_594 : vector<16xi32>
      %bitcast3A_596 = vector.bitcast %or3A_595 : vector<16xi32> to vector<16xf32>
      %sub3A_597 = arith.constant 1.000000e+00 : f32
      %sub3A_598 = vector.broadcast %sub3A_597 : f32 to vector<16xf32>
      %sub3A_599 = arith.subf %bitcast3A_596, %sub3A_598 : vector<16xf32>
      %broadcast_in_dim3A_600 = arith.constant 0.0434283651 : f32
      %broadcast_in_dim3A_601 = vector.broadcast %broadcast_in_dim3A_600 : f32 to vector<16xf32>
      %mul3A_602 = arith.mulf %broadcast_in_dim3A_601, %sub3A_599 : vector<16xf32>
      %add3A_603 = arith.constant -0.187720492 : f32
      %add3A_604 = vector.broadcast %add3A_603 : f32 to vector<16xf32>
      %add3A_605 = arith.addf %mul3A_602, %add3A_604 : vector<16xf32>
      %mul3A_606 = arith.mulf %add3A_605, %sub3A_599 : vector<16xf32>
      %add3A_607 = arith.constant 0.408718944 : f32
      %add3A_608 = vector.broadcast %add3A_607 : f32 to vector<16xf32>
      %add3A_609 = arith.addf %mul3A_606, %add3A_608 : vector<16xf32>
      %mul3A_610 = arith.mulf %add3A_609, %sub3A_599 : vector<16xf32>
      %add3A_611 = arith.constant -0.705702602 : f32
      %add3A_612 = vector.broadcast %add3A_611 : f32 to vector<16xf32>
      %add3A_613 = arith.addf %mul3A_610, %add3A_612 : vector<16xf32>
      %mul3A_614 = arith.mulf %add3A_613, %sub3A_599 : vector<16xf32>
      %add3A_615 = arith.constant 1.44126713 : f32
      %add3A_616 = vector.broadcast %add3A_615 : f32 to vector<16xf32>
      %add3A_617 = arith.addf %mul3A_614, %add3A_616 : vector<16xf32>
      %mul3A_618 = arith.mulf %add3A_617, %sub3A_599 : vector<16xf32>
      %add3A_619 = arith.constant 3.19308565E-5 : f32
      %add3A_620 = vector.broadcast %add3A_619 : f32 to vector<16xf32>
      %add3A_621 = arith.addf %mul3A_618, %add3A_620 : vector<16xf32>
      %convert_element_type3A_622 = arith.sitofp %sub3A_589 : vector<16xi32> to vector<16xf32>
      %add3A_623 = arith.addf %convert_element_type3A_622, %add3A_621 : vector<16xf32>
      %add3A_624 = arith.addf %add3A_548, %add3A_623 : vector<16xf32>
      %broadcast_in_dim3A_625 = arith.constant 8 : i32
      %broadcast_in_dim3A_626 = vector.broadcast %broadcast_in_dim3A_625 : i32 to vector<16xi32>
      %gather3A_627 = tpu.vector_load_idx %arg5[%add3A_23, %broadcast_in_dim3A_626] : memref<128x28xf32, #tpu.memory_space<vmem>>[vector<16xi32>, vector<16xi32>], vector<16xf32>,
      %gather3A_628 = tpu.vector_load_idx %arg6[%add3A_23, %broadcast_in_dim3A_626] : memref<128x28xi32, #tpu.memory_space<vmem>>[vector<16xi32>, vector<16xi32>], vector<16xi32>,
      %eq3A_629 = arith.constant 0 : i32
      %eq3A_630 = vector.broadcast %eq3A_629 : i32 to vector<16xi32>
      %eq3A_631 = arith.cmpi eq, %gather3A_628, %eq3A_630 : vector<16xi32>
      %neg3A_632 = arith.constant 0.000000e+00 : f32
      %neg3A_633 = vector.broadcast %neg3A_632 : f32 to vector<16xf32>
      %neg3A_634 = arith.subf %neg3A_633, %gather3A_627 : vector<16xf32>
      %exp3A_635 = math.exp %neg3A_634 : vector<16xf32>
      %add3A_636 = arith.constant 1.000000e+00 : f32
      %add3A_637 = vector.broadcast %add3A_636 : f32 to vector<16xf32>
      %add3A_638 = arith.addf %add3A_637, %exp3A_635 : vector<16xf32>
      %div3A_639 = arith.constant 1.000000e+00 : f32
      %div3A_640 = vector.broadcast %div3A_639 : f32 to vector<16xf32>
      %div3A_641 = arith.divf %div3A_640, %add3A_638 : vector<16xf32>
      %exp3A_642 = math.exp %div3A_641 : vector<16xf32>
      %jit3A_643 = arith.constant 0.000000e+00 : f32
      %broadcast_in_dim3A_644 = vector.broadcast %jit3A_643 : f32 to vector<16xf32>
      %select_n3A_645 = arith.select %eq3A_631, %exp3A_642, %broadcast_in_dim3A_644 : vector<16xi1>, vector<16xf32>
      %add3A_646 = arith.addf %add3A_570, %select_n3A_645 : vector<16xf32>
      %div3A_647 = arith.constant 1.000000e+00 : f32
      %div3A_648 = vector.broadcast %div3A_647 : f32 to vector<16xf32>
      %div3A_649 = arith.divf %div3A_648, %exp3A_642 : vector<16xf32>
      %jit3A_650 = arith.constant 0.000000e+00 : f32
      %broadcast_in_dim3A_651 = vector.broadcast %jit3A_650 : f32 to vector<16xf32>
      %select_n3A_652 = arith.select %eq3A_631, %broadcast_in_dim3A_651, %div3A_649 : vector<16xi1>, vector<16xf32>
      %add3A_653 = arith.addf %add3A_577, %select_n3A_652 : vector<16xf32>
      %add3A_654 = arith.addi %add3A_578, %gather3A_628 : vector<16xi32>
      %jit3A_655 = arith.constant 0.000000e+00 : f32
      %broadcast_in_dim3A_656 = vector.broadcast %jit3A_655 : f32 to vector<16xf32>
      %select_n3A_657 = arith.select %eq3A_631, %gather3A_627, %broadcast_in_dim3A_656 : vector<16xi1>, vector<16xf32>
      %add3A_658 = arith.addf %add3A_582, %select_n3A_657 : vector<16xf32>
      %bitcast3A_659 = vector.bitcast %add3A_638 : vector<16xf32> to vector<16xi32>
      %shift_right_logical3A_660 = arith.constant 23 : i32
      %shift_right_logical3A_661 = vector.broadcast %shift_right_logical3A_660 : i32 to vector<16xi32>
      %shift_right_logical3A_662 = arith.shrui %bitcast3A_659, %shift_right_logical3A_661 : vector<16xi32>
      %sub3A_663 = arith.constant 127 : i32
      %sub3A_664 = vector.broadcast %sub3A_663 : i32 to vector<16xi32>
      %sub3A_665 = arith.subi %shift_right_logical3A_662, %sub3A_664 : vector<16xi32>
      %and3A_666 = arith.constant 8388607 : i32
      %and3A_667 = vector.broadcast %and3A_666 : i32 to vector<16xi32>
      %and3A_668 = arith.andi %bitcast3A_659, %and3A_667 : vector<16xi32>
      %or3A_669 = arith.constant 1065353216 : i32
      %or3A_670 = vector.broadcast %or3A_669 : i32 to vector<16xi32>
      %or3A_671 = arith.ori %and3A_668, %or3A_670 : vector<16xi32>
      %bitcast3A_672 = vector.bitcast %or3A_671 : vector<16xi32> to vector<16xf32>
      %sub3A_673 = arith.constant 1.000000e+00 : f32
      %sub3A_674 = vector.broadcast %sub3A_673 : f32 to vector<16xf32>
      %sub3A_675 = arith.subf %bitcast3A_672, %sub3A_674 : vector<16xf32>
      %broadcast_in_dim3A_676 = arith.constant 0.0434283651 : f32
      %broadcast_in_dim3A_677 = vector.broadcast %broadcast_in_dim3A_676 : f32 to vector<16xf32>
      %mul3A_678 = arith.mulf %broadcast_in_dim3A_677, %sub3A_675 : vector<16xf32>
      %add3A_679 = arith.constant -0.187720492 : f32
      %add3A_680 = vector.broadcast %add3A_679 : f32 to vector<16xf32>
      %add3A_681 = arith.addf %mul3A_678, %add3A_680 : vector<16xf32>
      %mul3A_682 = arith.mulf %add3A_681, %sub3A_675 : vector<16xf32>
      %add3A_683 = arith.constant 0.408718944 : f32
      %add3A_684 = vector.broadcast %add3A_683 : f32 to vector<16xf32>
      %add3A_685 = arith.addf %mul3A_682, %add3A_684 : vector<16xf32>
      %mul3A_686 = arith.mulf %add3A_685, %sub3A_675 : vector<16xf32>
      %add3A_687 = arith.constant -0.705702602 : f32
      %add3A_688 = vector.broadcast %add3A_687 : f32 to vector<16xf32>
      %add3A_689 = arith.addf %mul3A_686, %add3A_688 : vector<16xf32>
      %mul3A_690 = arith.mulf %add3A_689, %sub3A_675 : vector<16xf32>
      %add3A_691 = arith.constant 1.44126713 : f32
      %add3A_692 = vector.broadcast %add3A_691 : f32 to vector<16xf32>
      %add3A_693 = arith.addf %mul3A_690, %add3A_692 : vector<16xf32>
      %mul3A_694 = arith.mulf %add3A_693, %sub3A_675 : vector<16xf32>
      %add3A_695 = arith.constant 3.19308565E-5 : f32
      %add3A_696 = vector.broadcast %add3A_695 : f32 to vector<16xf32>
      %add3A_697 = arith.addf %mul3A_694, %add3A_696 : vector<16xf32>
      %convert_element_type3A_698 = arith.sitofp %sub3A_665 : vector<16xi32> to vector<16xf32>
      %add3A_699 = arith.addf %convert_element_type3A_698, %add3A_697 : vector<16xf32>
      %add3A_700 = arith.addf %add3A_624, %add3A_699 : vector<16xf32>
      %broadcast_in_dim3A_701 = arith.constant 9 : i32
      %broadcast_in_dim3A_702 = vector.broadcast %broadcast_in_dim3A_701 : i32 to vector<16xi32>
      %gather3A_703 = tpu.vector_load_idx %arg5[%add3A_23, %broadcast_in_dim3A_702] : memref<128x28xf32, #tpu.memory_space<vmem>>[vector<16xi32>, vector<16xi32>], vector<16xf32>,
      %gather3A_704 = tpu.vector_load_idx %arg6[%add3A_23, %broadcast_in_dim3A_702] : memref<128x28xi32, #tpu.memory_space<vmem>>[vector<16xi32>, vector<16xi32>], vector<16xi32>,
      %eq3A_705 = arith.constant 0 : i32
      %eq3A_706 = vector.broadcast %eq3A_705 : i32 to vector<16xi32>
      %eq3A_707 = arith.cmpi eq, %gather3A_704, %eq3A_706 : vector<16xi32>
      %neg3A_708 = arith.constant 0.000000e+00 : f32
      %neg3A_709 = vector.broadcast %neg3A_708 : f32 to vector<16xf32>
      %neg3A_710 = arith.subf %neg3A_709, %gather3A_703 : vector<16xf32>
      %exp3A_711 = math.exp %neg3A_710 : vector<16xf32>
      %add3A_712 = arith.constant 1.000000e+00 : f32
      %add3A_713 = vector.broadcast %add3A_712 : f32 to vector<16xf32>
      %add3A_714 = arith.addf %add3A_713, %exp3A_711 : vector<16xf32>
      %div3A_715 = arith.constant 1.000000e+00 : f32
      %div3A_716 = vector.broadcast %div3A_715 : f32 to vector<16xf32>
      %div3A_717 = arith.divf %div3A_716, %add3A_714 : vector<16xf32>
      %exp3A_718 = math.exp %div3A_717 : vector<16xf32>
      %jit3A_719 = arith.constant 0.000000e+00 : f32
      %broadcast_in_dim3A_720 = vector.broadcast %jit3A_719 : f32 to vector<16xf32>
      %select_n3A_721 = arith.select %eq3A_707, %exp3A_718, %broadcast_in_dim3A_720 : vector<16xi1>, vector<16xf32>
      %add3A_722 = arith.addf %add3A_646, %select_n3A_721 : vector<16xf32>
      %div3A_723 = arith.constant 1.000000e+00 : f32
      %div3A_724 = vector.broadcast %div3A_723 : f32 to vector<16xf32>
      %div3A_725 = arith.divf %div3A_724, %exp3A_718 : vector<16xf32>
      %jit3A_726 = arith.constant 0.000000e+00 : f32
      %broadcast_in_dim3A_727 = vector.broadcast %jit3A_726 : f32 to vector<16xf32>
      %select_n3A_728 = arith.select %eq3A_707, %broadcast_in_dim3A_727, %div3A_725 : vector<16xi1>, vector<16xf32>
      %add3A_729 = arith.addf %add3A_653, %select_n3A_728 : vector<16xf32>
      %add3A_730 = arith.addi %add3A_654, %gather3A_704 : vector<16xi32>
      %jit3A_731 = arith.constant 0.000000e+00 : f32
      %broadcast_in_dim3A_732 = vector.broadcast %jit3A_731 : f32 to vector<16xf32>
      %select_n3A_733 = arith.select %eq3A_707, %gather3A_703, %broadcast_in_dim3A_732 : vector<16xi1>, vector<16xf32>
      %add3A_734 = arith.addf %add3A_658, %select_n3A_733 : vector<16xf32>
      %bitcast3A_735 = vector.bitcast %add3A_714 : vector<16xf32> to vector<16xi32>
      %shift_right_logical3A_736 = arith.constant 23 : i32
      %shift_right_logical3A_737 = vector.broadcast %shift_right_logical3A_736 : i32 to vector<16xi32>
      %shift_right_logical3A_738 = arith.shrui %bitcast3A_735, %shift_right_logical3A_737 : vector<16xi32>
      %sub3A_739 = arith.constant 127 : i32
      %sub3A_740 = vector.broadcast %sub3A_739 : i32 to vector<16xi32>
      %sub3A_741 = arith.subi %shift_right_logical3A_738, %sub3A_740 : vector<16xi32>
      %and3A_742 = arith.constant 8388607 : i32
      %and3A_743 = vector.broadcast %and3A_742 : i32 to vector<16xi32>
      %and3A_744 = arith.andi %bitcast3A_735, %and3A_743 : vector<16xi32>
      %or3A_745 = arith.constant 1065353216 : i32
      %or3A_746 = vector.broadcast %or3A_745 : i32 to vector<16xi32>
      %or3A_747 = arith.ori %and3A_744, %or3A_746 : vector<16xi32>
      %bitcast3A_748 = vector.bitcast %or3A_747 : vector<16xi32> to vector<16xf32>
      %sub3A_749 = arith.constant 1.000000e+00 : f32
      %sub3A_750 = vector.broadcast %sub3A_749 : f32 to vector<16xf32>
      %sub3A_751 = arith.subf %bitcast3A_748, %sub3A_750 : vector<16xf32>
      %broadcast_in_dim3A_752 = arith.constant 0.0434283651 : f32
      %broadcast_in_dim3A_753 = vector.broadcast %broadcast_in_dim3A_752 : f32 to vector<16xf32>
      %mul3A_754 = arith.mulf %broadcast_in_dim3A_753, %sub3A_751 : vector<16xf32>
      %add3A_755 = arith.constant -0.187720492 : f32
      %add3A_756 = vector.broadcast %add3A_755 : f32 to vector<16xf32>
      %add3A_757 = arith.addf %mul3A_754, %add3A_756 : vector<16xf32>
      %mul3A_758 = arith.mulf %add3A_757, %sub3A_751 : vector<16xf32>
      %add3A_759 = arith.constant 0.408718944 : f32
      %add3A_760 = vector.broadcast %add3A_759 : f32 to vector<16xf32>
      %add3A_761 = arith.addf %mul3A_758, %add3A_760 : vector<16xf32>
      %mul3A_762 = arith.mulf %add3A_761, %sub3A_751 : vector<16xf32>
      %add3A_763 = arith.constant -0.705702602 : f32
      %add3A_764 = vector.broadcast %add3A_763 : f32 to vector<16xf32>
      %add3A_765 = arith.addf %mul3A_762, %add3A_764 : vector<16xf32>
      %mul3A_766 = arith.mulf %add3A_765, %sub3A_751 : vector<16xf32>
      %add3A_767 = arith.constant 1.44126713 : f32
      %add3A_768 = vector.broadcast %add3A_767 : f32 to vector<16xf32>
      %add3A_769 = arith.addf %mul3A_766, %add3A_768 : vector<16xf32>
      %mul3A_770 = arith.mulf %add3A_769, %sub3A_751 : vector<16xf32>
      %add3A_771 = arith.constant 3.19308565E-5 : f32
      %add3A_772 = vector.broadcast %add3A_771 : f32 to vector<16xf32>
      %add3A_773 = arith.addf %mul3A_770, %add3A_772 : vector<16xf32>
      %convert_element_type3A_774 = arith.sitofp %sub3A_741 : vector<16xi32> to vector<16xf32>
      %add3A_775 = arith.addf %convert_element_type3A_774, %add3A_773 : vector<16xf32>
      %add3A_776 = arith.addf %add3A_700, %add3A_775 : vector<16xf32>
      %broadcast_in_dim3A_777 = arith.constant 10 : i32
      %broadcast_in_dim3A_778 = vector.broadcast %broadcast_in_dim3A_777 : i32 to vector<16xi32>
      %gather3A_779 = tpu.vector_load_idx %arg5[%add3A_23, %broadcast_in_dim3A_778] : memref<128x28xf32, #tpu.memory_space<vmem>>[vector<16xi32>, vector<16xi32>], vector<16xf32>,
      %gather3A_780 = tpu.vector_load_idx %arg6[%add3A_23, %broadcast_in_dim3A_778] : memref<128x28xi32, #tpu.memory_space<vmem>>[vector<16xi32>, vector<16xi32>], vector<16xi32>,
      %eq3A_781 = arith.constant 0 : i32
      %eq3A_782 = vector.broadcast %eq3A_781 : i32 to vector<16xi32>
      %eq3A_783 = arith.cmpi eq, %gather3A_780, %eq3A_782 : vector<16xi32>
      %neg3A_784 = arith.constant 0.000000e+00 : f32
      %neg3A_785 = vector.broadcast %neg3A_784 : f32 to vector<16xf32>
      %neg3A_786 = arith.subf %neg3A_785, %gather3A_779 : vector<16xf32>
      %exp3A_787 = math.exp %neg3A_786 : vector<16xf32>
      %add3A_788 = arith.constant 1.000000e+00 : f32
      %add3A_789 = vector.broadcast %add3A_788 : f32 to vector<16xf32>
      %add3A_790 = arith.addf %add3A_789, %exp3A_787 : vector<16xf32>
      %div3A_791 = arith.constant 1.000000e+00 : f32
      %div3A_792 = vector.broadcast %div3A_791 : f32 to vector<16xf32>
      %div3A_793 = arith.divf %div3A_792, %add3A_790 : vector<16xf32>
      %exp3A_794 = math.exp %div3A_793 : vector<16xf32>
      %jit3A_795 = arith.constant 0.000000e+00 : f32
      %broadcast_in_dim3A_796 = vector.broadcast %jit3A_795 : f32 to vector<16xf32>
      %select_n3A_797 = arith.select %eq3A_783, %exp3A_794, %broadcast_in_dim3A_796 : vector<16xi1>, vector<16xf32>
      %add3A_798 = arith.addf %add3A_722, %select_n3A_797 : vector<16xf32>
      %div3A_799 = arith.constant 1.000000e+00 : f32
      %div3A_800 = vector.broadcast %div3A_799 : f32 to vector<16xf32>
      %div3A_801 = arith.divf %div3A_800, %exp3A_794 : vector<16xf32>
      %jit3A_802 = arith.constant 0.000000e+00 : f32
      %broadcast_in_dim3A_803 = vector.broadcast %jit3A_802 : f32 to vector<16xf32>
      %select_n3A_804 = arith.select %eq3A_783, %broadcast_in_dim3A_803, %div3A_801 : vector<16xi1>, vector<16xf32>
      %add3A_805 = arith.addf %add3A_729, %select_n3A_804 : vector<16xf32>
      %add3A_806 = arith.addi %add3A_730, %gather3A_780 : vector<16xi32>
      %jit3A_807 = arith.constant 0.000000e+00 : f32
      %broadcast_in_dim3A_808 = vector.broadcast %jit3A_807 : f32 to vector<16xf32>
      %select_n3A_809 = arith.select %eq3A_783, %gather3A_779, %broadcast_in_dim3A_808 : vector<16xi1>, vector<16xf32>
      %add3A_810 = arith.addf %add3A_734, %select_n3A_809 : vector<16xf32>
      %bitcast3A_811 = vector.bitcast %add3A_790 : vector<16xf32> to vector<16xi32>
      %shift_right_logical3A_812 = arith.constant 23 : i32
      %shift_right_logical3A_813 = vector.broadcast %shift_right_logical3A_812 : i32 to vector<16xi32>
      %shift_right_logical3A_814 = arith.shrui %bitcast3A_811, %shift_right_logical3A_813 : vector<16xi32>
      %sub3A_815 = arith.constant 127 : i32
      %sub3A_816 = vector.broadcast %sub3A_815 : i32 to vector<16xi32>
      %sub3A_817 = arith.subi %shift_right_logical3A_814, %sub3A_816 : vector<16xi32>
      %and3A_818 = arith.constant 8388607 : i32
      %and3A_819 = vector.broadcast %and3A_818 : i32 to vector<16xi32>
      %and3A_820 = arith.andi %bitcast3A_811, %and3A_819 : vector<16xi32>
      %or3A_821 = arith.constant 1065353216 : i32
      %or3A_822 = vector.broadcast %or3A_821 : i32 to vector<16xi32>
      %or3A_823 = arith.ori %and3A_820, %or3A_822 : vector<16xi32>
      %bitcast3A_824 = vector.bitcast %or3A_823 : vector<16xi32> to vector<16xf32>
      %sub3A_825 = arith.constant 1.000000e+00 : f32
      %sub3A_826 = vector.broadcast %sub3A_825 : f32 to vector<16xf32>
      %sub3A_827 = arith.subf %bitcast3A_824, %sub3A_826 : vector<16xf32>
      %broadcast_in_dim3A_828 = arith.constant 0.0434283651 : f32
      %broadcast_in_dim3A_829 = vector.broadcast %broadcast_in_dim3A_828 : f32 to vector<16xf32>
      %mul3A_830 = arith.mulf %broadcast_in_dim3A_829, %sub3A_827 : vector<16xf32>
      %add3A_831 = arith.constant -0.187720492 : f32
      %add3A_832 = vector.broadcast %add3A_831 : f32 to vector<16xf32>
      %add3A_833 = arith.addf %mul3A_830, %add3A_832 : vector<16xf32>
      %mul3A_834 = arith.mulf %add3A_833, %sub3A_827 : vector<16xf32>
      %add3A_835 = arith.constant 0.408718944 : f32
      %add3A_836 = vector.broadcast %add3A_835 : f32 to vector<16xf32>
      %add3A_837 = arith.addf %mul3A_834, %add3A_836 : vector<16xf32>
      %mul3A_838 = arith.mulf %add3A_837, %sub3A_827 : vector<16xf32>
      %add3A_839 = arith.constant -0.705702602 : f32
      %add3A_840 = vector.broadcast %add3A_839 : f32 to vector<16xf32>
      %add3A_841 = arith.addf %mul3A_838, %add3A_840 : vector<16xf32>
      %mul3A_842 = arith.mulf %add3A_841, %sub3A_827 : vector<16xf32>
      %add3A_843 = arith.constant 1.44126713 : f32
      %add3A_844 = vector.broadcast %add3A_843 : f32 to vector<16xf32>
      %add3A_845 = arith.addf %mul3A_842, %add3A_844 : vector<16xf32>
      %mul3A_846 = arith.mulf %add3A_845, %sub3A_827 : vector<16xf32>
      %add3A_847 = arith.constant 3.19308565E-5 : f32
      %add3A_848 = vector.broadcast %add3A_847 : f32 to vector<16xf32>
      %add3A_849 = arith.addf %mul3A_846, %add3A_848 : vector<16xf32>
      %convert_element_type3A_850 = arith.sitofp %sub3A_817 : vector<16xi32> to vector<16xf32>
      %add3A_851 = arith.addf %convert_element_type3A_850, %add3A_849 : vector<16xf32>
      %add3A_852 = arith.addf %add3A_776, %add3A_851 : vector<16xf32>
      %broadcast_in_dim3A_853 = arith.constant 11 : i32
      %broadcast_in_dim3A_854 = vector.broadcast %broadcast_in_dim3A_853 : i32 to vector<16xi32>
      %gather3A_855 = tpu.vector_load_idx %arg5[%add3A_23, %broadcast_in_dim3A_854] : memref<128x28xf32, #tpu.memory_space<vmem>>[vector<16xi32>, vector<16xi32>], vector<16xf32>,
      %gather3A_856 = tpu.vector_load_idx %arg6[%add3A_23, %broadcast_in_dim3A_854] : memref<128x28xi32, #tpu.memory_space<vmem>>[vector<16xi32>, vector<16xi32>], vector<16xi32>,
      %eq3A_857 = arith.constant 0 : i32
      %eq3A_858 = vector.broadcast %eq3A_857 : i32 to vector<16xi32>
      %eq3A_859 = arith.cmpi eq, %gather3A_856, %eq3A_858 : vector<16xi32>
      %neg3A_860 = arith.constant 0.000000e+00 : f32
      %neg3A_861 = vector.broadcast %neg3A_860 : f32 to vector<16xf32>
      %neg3A_862 = arith.subf %neg3A_861, %gather3A_855 : vector<16xf32>
      %exp3A_863 = math.exp %neg3A_862 : vector<16xf32>
      %add3A_864 = arith.constant 1.000000e+00 : f32
      %add3A_865 = vector.broadcast %add3A_864 : f32 to vector<16xf32>
      %add3A_866 = arith.addf %add3A_865, %exp3A_863 : vector<16xf32>
      %div3A_867 = arith.constant 1.000000e+00 : f32
      %div3A_868 = vector.broadcast %div3A_867 : f32 to vector<16xf32>
      %div3A_869 = arith.divf %div3A_868, %add3A_866 : vector<16xf32>
      %exp3A_870 = math.exp %div3A_869 : vector<16xf32>
      %jit3A_871 = arith.constant 0.000000e+00 : f32
      %broadcast_in_dim3A_872 = vector.broadcast %jit3A_871 : f32 to vector<16xf32>
      %select_n3A_873 = arith.select %eq3A_859, %exp3A_870, %broadcast_in_dim3A_872 : vector<16xi1>, vector<16xf32>
      %add3A_874 = arith.addf %add3A_798, %select_n3A_873 : vector<16xf32>
      %div3A_875 = arith.constant 1.000000e+00 : f32
      %div3A_876 = vector.broadcast %div3A_875 : f32 to vector<16xf32>
      %div3A_877 = arith.divf %div3A_876, %exp3A_870 : vector<16xf32>
      %jit3A_878 = arith.constant 0.000000e+00 : f32
      %broadcast_in_dim3A_879 = vector.broadcast %jit3A_878 : f32 to vector<16xf32>
      %select_n3A_880 = arith.select %eq3A_859, %broadcast_in_dim3A_879, %div3A_877 : vector<16xi1>, vector<16xf32>
      %add3A_881 = arith.addf %add3A_805, %select_n3A_880 : vector<16xf32>
      %add3A_882 = arith.addi %add3A_806, %gather3A_856 : vector<16xi32>
      %jit3A_883 = arith.constant 0.000000e+00 : f32
      %broadcast_in_dim3A_884 = vector.broadcast %jit3A_883 : f32 to vector<16xf32>
      %select_n3A_885 = arith.select %eq3A_859, %gather3A_855, %broadcast_in_dim3A_884 : vector<16xi1>, vector<16xf32>
      %add3A_886 = arith.addf %add3A_810, %select_n3A_885 : vector<16xf32>
      %bitcast3A_887 = vector.bitcast %add3A_866 : vector<16xf32> to vector<16xi32>
      %shift_right_logical3A_888 = arith.constant 23 : i32
      %shift_right_logical3A_889 = vector.broadcast %shift_right_logical3A_888 : i32 to vector<16xi32>
      %shift_right_logical3A_890 = arith.shrui %bitcast3A_887, %shift_right_logical3A_889 : vector<16xi32>
      %sub3A_891 = arith.constant 127 : i32
      %sub3A_892 = vector.broadcast %sub3A_891 : i32 to vector<16xi32>
      %sub3A_893 = arith.subi %shift_right_logical3A_890, %sub3A_892 : vector<16xi32>
      %and3A_894 = arith.constant 8388607 : i32
      %and3A_895 = vector.broadcast %and3A_894 : i32 to vector<16xi32>
      %and3A_896 = arith.andi %bitcast3A_887, %and3A_895 : vector<16xi32>
      %or3A_897 = arith.constant 1065353216 : i32
      %or3A_898 = vector.broadcast %or3A_897 : i32 to vector<16xi32>
      %or3A_899 = arith.ori %and3A_896, %or3A_898 : vector<16xi32>
      %bitcast3A_900 = vector.bitcast %or3A_899 : vector<16xi32> to vector<16xf32>
      %sub3A_901 = arith.constant 1.000000e+00 : f32
      %sub3A_902 = vector.broadcast %sub3A_901 : f32 to vector<16xf32>
      %sub3A_903 = arith.subf %bitcast3A_900, %sub3A_902 : vector<16xf32>
      %broadcast_in_dim3A_904 = arith.constant 0.0434283651 : f32
      %broadcast_in_dim3A_905 = vector.broadcast %broadcast_in_dim3A_904 : f32 to vector<16xf32>
      %mul3A_906 = arith.mulf %broadcast_in_dim3A_905, %sub3A_903 : vector<16xf32>
      %add3A_907 = arith.constant -0.187720492 : f32
      %add3A_908 = vector.broadcast %add3A_907 : f32 to vector<16xf32>
      %add3A_909 = arith.addf %mul3A_906, %add3A_908 : vector<16xf32>
      %mul3A_910 = arith.mulf %add3A_909, %sub3A_903 : vector<16xf32>
      %add3A_911 = arith.constant 0.408718944 : f32
      %add3A_912 = vector.broadcast %add3A_911 : f32 to vector<16xf32>
      %add3A_913 = arith.addf %mul3A_910, %add3A_912 : vector<16xf32>
      %mul3A_914 = arith.mulf %add3A_913, %sub3A_903 : vector<16xf32>
      %add3A_915 = arith.constant -0.705702602 : f32
      %add3A_916 = vector.broadcast %add3A_915 : f32 to vector<16xf32>
      %add3A_917 = arith.addf %mul3A_914, %add3A_916 : vector<16xf32>
      %mul3A_918 = arith.mulf %add3A_917, %sub3A_903 : vector<16xf32>
      %add3A_919 = arith.constant 1.44126713 : f32
      %add3A_920 = vector.broadcast %add3A_919 : f32 to vector<16xf32>
      %add3A_921 = arith.addf %mul3A_918, %add3A_920 : vector<16xf32>
      %mul3A_922 = arith.mulf %add3A_921, %sub3A_903 : vector<16xf32>
      %add3A_923 = arith.constant 3.19308565E-5 : f32
      %add3A_924 = vector.broadcast %add3A_923 : f32 to vector<16xf32>
      %add3A_925 = arith.addf %mul3A_922, %add3A_924 : vector<16xf32>
      %convert_element_type3A_926 = arith.sitofp %sub3A_893 : vector<16xi32> to vector<16xf32>
      %add3A_927 = arith.addf %convert_element_type3A_926, %add3A_925 : vector<16xf32>
      %add3A_928 = arith.addf %add3A_852, %add3A_927 : vector<16xf32>
      %broadcast_in_dim3A_929 = arith.constant 12 : i32
      %broadcast_in_dim3A_930 = vector.broadcast %broadcast_in_dim3A_929 : i32 to vector<16xi32>
      %gather3A_931 = tpu.vector_load_idx %arg5[%add3A_23, %broadcast_in_dim3A_930] : memref<128x28xf32, #tpu.memory_space<vmem>>[vector<16xi32>, vector<16xi32>], vector<16xf32>,
      %gather3A_932 = tpu.vector_load_idx %arg6[%add3A_23, %broadcast_in_dim3A_930] : memref<128x28xi32, #tpu.memory_space<vmem>>[vector<16xi32>, vector<16xi32>], vector<16xi32>,
      %eq3A_933 = arith.constant 0 : i32
      %eq3A_934 = vector.broadcast %eq3A_933 : i32 to vector<16xi32>
      %eq3A_935 = arith.cmpi eq, %gather3A_932, %eq3A_934 : vector<16xi32>
      %neg3A_936 = arith.constant 0.000000e+00 : f32
      %neg3A_937 = vector.broadcast %neg3A_936 : f32 to vector<16xf32>
      %neg3A_938 = arith.subf %neg3A_937, %gather3A_931 : vector<16xf32>
      %exp3A_939 = math.exp %neg3A_938 : vector<16xf32>
      %add3A_940 = arith.constant 1.000000e+00 : f32
      %add3A_941 = vector.broadcast %add3A_940 : f32 to vector<16xf32>
      %add3A_942 = arith.addf %add3A_941, %exp3A_939 : vector<16xf32>
      %div3A_943 = arith.constant 1.000000e+00 : f32
      %div3A_944 = vector.broadcast %div3A_943 : f32 to vector<16xf32>
      %div3A_945 = arith.divf %div3A_944, %add3A_942 : vector<16xf32>
      %exp3A_946 = math.exp %div3A_945 : vector<16xf32>
      %jit3A_947 = arith.constant 0.000000e+00 : f32
      %broadcast_in_dim3A_948 = vector.broadcast %jit3A_947 : f32 to vector<16xf32>
      %select_n3A_949 = arith.select %eq3A_935, %exp3A_946, %broadcast_in_dim3A_948 : vector<16xi1>, vector<16xf32>
      %add3A_950 = arith.addf %add3A_874, %select_n3A_949 : vector<16xf32>
      %div3A_951 = arith.constant 1.000000e+00 : f32
      %div3A_952 = vector.broadcast %div3A_951 : f32 to vector<16xf32>
      %div3A_953 = arith.divf %div3A_952, %exp3A_946 : vector<16xf32>
      %jit3A_954 = arith.constant 0.000000e+00 : f32
      %broadcast_in_dim3A_955 = vector.broadcast %jit3A_954 : f32 to vector<16xf32>
      %select_n3A_956 = arith.select %eq3A_935, %broadcast_in_dim3A_955, %div3A_953 : vector<16xi1>, vector<16xf32>
      %add3A_957 = arith.addf %add3A_881, %select_n3A_956 : vector<16xf32>
      %add3A_958 = arith.addi %add3A_882, %gather3A_932 : vector<16xi32>
      %jit3A_959 = arith.constant 0.000000e+00 : f32
      %broadcast_in_dim3A_960 = vector.broadcast %jit3A_959 : f32 to vector<16xf32>
      %select_n3A_961 = arith.select %eq3A_935, %gather3A_931, %broadcast_in_dim3A_960 : vector<16xi1>, vector<16xf32>
      %add3A_962 = arith.addf %add3A_886, %select_n3A_961 : vector<16xf32>
      %bitcast3A_963 = vector.bitcast %add3A_942 : vector<16xf32> to vector<16xi32>
      %shift_right_logical3A_964 = arith.constant 23 : i32
      %shift_right_logical3A_965 = vector.broadcast %shift_right_logical3A_964 : i32 to vector<16xi32>
      %shift_right_logical3A_966 = arith.shrui %bitcast3A_963, %shift_right_logical3A_965 : vector<16xi32>
      %sub3A_967 = arith.constant 127 : i32
      %sub3A_968 = vector.broadcast %sub3A_967 : i32 to vector<16xi32>
      %sub3A_969 = arith.subi %shift_right_logical3A_966, %sub3A_968 : vector<16xi32>
      %and3A_970 = arith.constant 8388607 : i32
      %and3A_971 = vector.broadcast %and3A_970 : i32 to vector<16xi32>
      %and3A_972 = arith.andi %bitcast3A_963, %and3A_971 : vector<16xi32>
      %or3A_973 = arith.constant 1065353216 : i32
      %or3A_974 = vector.broadcast %or3A_973 : i32 to vector<16xi32>
      %or3A_975 = arith.ori %and3A_972, %or3A_974 : vector<16xi32>
      %bitcast3A_976 = vector.bitcast %or3A_975 : vector<16xi32> to vector<16xf32>
      %sub3A_977 = arith.constant 1.000000e+00 : f32
      %sub3A_978 = vector.broadcast %sub3A_977 : f32 to vector<16xf32>
      %sub3A_979 = arith.subf %bitcast3A_976, %sub3A_978 : vector<16xf32>
      %broadcast_in_dim3A_980 = arith.constant 0.0434283651 : f32
      %broadcast_in_dim3A_981 = vector.broadcast %broadcast_in_dim3A_980 : f32 to vector<16xf32>
      %mul3A_982 = arith.mulf %broadcast_in_dim3A_981, %sub3A_979 : vector<16xf32>
      %add3A_983 = arith.constant -0.187720492 : f32
      %add3A_984 = vector.broadcast %add3A_983 : f32 to vector<16xf32>
      %add3A_985 = arith.addf %mul3A_982, %add3A_984 : vector<16xf32>
      %mul3A_986 = arith.mulf %add3A_985, %sub3A_979 : vector<16xf32>
      %add3A_987 = arith.constant 0.408718944 : f32
      %add3A_988 = vector.broadcast %add3A_987 : f32 to vector<16xf32>
      %add3A_989 = arith.addf %mul3A_986, %add3A_988 : vector<16xf32>
      %mul3A_990 = arith.mulf %add3A_989, %sub3A_979 : vector<16xf32>
      %add3A_991 = arith.constant -0.705702602 : f32
      %add3A_992 = vector.broadcast %add3A_991 : f32 to vector<16xf32>
      %add3A_993 = arith.addf %mul3A_990, %add3A_992 : vector<16xf32>
      %mul3A_994 = arith.mulf %add3A_993, %sub3A_979 : vector<16xf32>
      %add3A_995 = arith.constant 1.44126713 : f32
      %add3A_996 = vector.broadcast %add3A_995 : f32 to vector<16xf32>
      %add3A_997 = arith.addf %mul3A_994, %add3A_996 : vector<16xf32>
      %mul3A_998 = arith.mulf %add3A_997, %sub3A_979 : vector<16xf32>
      %add3A_999 = arith.constant 3.19308565E-5 : f32
      %add3A_1000 = vector.broadcast %add3A_999 : f32 to vector<16xf32>
      %add3A_1001 = arith.addf %mul3A_998, %add3A_1000 : vector<16xf32>
      %convert_element_type3A_1002 = arith.sitofp %sub3A_969 : vector<16xi32> to vector<16xf32>
      %add3A_1003 = arith.addf %convert_element_type3A_1002, %add3A_1001 : vector<16xf32>
      %add3A_1004 = arith.addf %add3A_928, %add3A_1003 : vector<16xf32>
      %broadcast_in_dim3A_1005 = arith.constant 13 : i32
      %broadcast_in_dim3A_1006 = vector.broadcast %broadcast_in_dim3A_1005 : i32 to vector<16xi32>
      %gather3A_1007 = tpu.vector_load_idx %arg5[%add3A_23, %broadcast_in_dim3A_1006] : memref<128x28xf32, #tpu.memory_space<vmem>>[vector<16xi32>, vector<16xi32>], vector<16xf32>,
      %gather3A_1008 = tpu.vector_load_idx %arg6[%add3A_23, %broadcast_in_dim3A_1006] : memref<128x28xi32, #tpu.memory_space<vmem>>[vector<16xi32>, vector<16xi32>], vector<16xi32>,
      %eq3A_1009 = arith.constant 0 : i32
      %eq3A_1010 = vector.broadcast %eq3A_1009 : i32 to vector<16xi32>
      %eq3A_1011 = arith.cmpi eq, %gather3A_1008, %eq3A_1010 : vector<16xi32>
      %neg3A_1012 = arith.constant 0.000000e+00 : f32
      %neg3A_1013 = vector.broadcast %neg3A_1012 : f32 to vector<16xf32>
      %neg3A_1014 = arith.subf %neg3A_1013, %gather3A_1007 : vector<16xf32>
      %exp3A_1015 = math.exp %neg3A_1014 : vector<16xf32>
      %add3A_1016 = arith.constant 1.000000e+00 : f32
      %add3A_1017 = vector.broadcast %add3A_1016 : f32 to vector<16xf32>
      %add3A_1018 = arith.addf %add3A_1017, %exp3A_1015 : vector<16xf32>
      %div3A_1019 = arith.constant 1.000000e+00 : f32
      %div3A_1020 = vector.broadcast %div3A_1019 : f32 to vector<16xf32>
      %div3A_1021 = arith.divf %div3A_1020, %add3A_1018 : vector<16xf32>
      %exp3A_1022 = math.exp %div3A_1021 : vector<16xf32>
      %jit3A_1023 = arith.constant 0.000000e+00 : f32
      %broadcast_in_dim3A_1024 = vector.broadcast %jit3A_1023 : f32 to vector<16xf32>
      %select_n3A_1025 = arith.select %eq3A_1011, %exp3A_1022, %broadcast_in_dim3A_1024 : vector<16xi1>, vector<16xf32>
      %add3A_1026 = arith.addf %add3A_950, %select_n3A_1025 : vector<16xf32>
      %div3A_1027 = arith.constant 1.000000e+00 : f32
      %div3A_1028 = vector.broadcast %div3A_1027 : f32 to vector<16xf32>
      %div3A_1029 = arith.divf %div3A_1028, %exp3A_1022 : vector<16xf32>
      %jit3A_1030 = arith.constant 0.000000e+00 : f32
      %broadcast_in_dim3A_1031 = vector.broadcast %jit3A_1030 : f32 to vector<16xf32>
      %select_n3A_1032 = arith.select %eq3A_1011, %broadcast_in_dim3A_1031, %div3A_1029 : vector<16xi1>, vector<16xf32>
      %add3A_1033 = arith.addf %add3A_957, %select_n3A_1032 : vector<16xf32>
      %add3A_1034 = arith.addi %add3A_958, %gather3A_1008 : vector<16xi32>
      %jit3A_1035 = arith.constant 0.000000e+00 : f32
      %broadcast_in_dim3A_1036 = vector.broadcast %jit3A_1035 : f32 to vector<16xf32>
      %select_n3A_1037 = arith.select %eq3A_1011, %gather3A_1007, %broadcast_in_dim3A_1036 : vector<16xi1>, vector<16xf32>
      %add3A_1038 = arith.addf %add3A_962, %select_n3A_1037 : vector<16xf32>
      %bitcast3A_1039 = vector.bitcast %add3A_1018 : vector<16xf32> to vector<16xi32>
      %shift_right_logical3A_1040 = arith.constant 23 : i32
      %shift_right_logical3A_1041 = vector.broadcast %shift_right_logical3A_1040 : i32 to vector<16xi32>
      %shift_right_logical3A_1042 = arith.shrui %bitcast3A_1039, %shift_right_logical3A_1041 : vector<16xi32>
      %sub3A_1043 = arith.constant 127 : i32
      %sub3A_1044 = vector.broadcast %sub3A_1043 : i32 to vector<16xi32>
      %sub3A_1045 = arith.subi %shift_right_logical3A_1042, %sub3A_1044 : vector<16xi32>
      %and3A_1046 = arith.constant 8388607 : i32
      %and3A_1047 = vector.broadcast %and3A_1046 : i32 to vector<16xi32>
      %and3A_1048 = arith.andi %bitcast3A_1039, %and3A_1047 : vector<16xi32>
      %or3A_1049 = arith.constant 1065353216 : i32
      %or3A_1050 = vector.broadcast %or3A_1049 : i32 to vector<16xi32>
      %or3A_1051 = arith.ori %and3A_1048, %or3A_1050 : vector<16xi32>
      %bitcast3A_1052 = vector.bitcast %or3A_1051 : vector<16xi32> to vector<16xf32>
      %sub3A_1053 = arith.constant 1.000000e+00 : f32
      %sub3A_1054 = vector.broadcast %sub3A_1053 : f32 to vector<16xf32>
      %sub3A_1055 = arith.subf %bitcast3A_1052, %sub3A_1054 : vector<16xf32>
      %broadcast_in_dim3A_1056 = arith.constant 0.0434283651 : f32
      %broadcast_in_dim3A_1057 = vector.broadcast %broadcast_in_dim3A_1056 : f32 to vector<16xf32>
      %mul3A_1058 = arith.mulf %broadcast_in_dim3A_1057, %sub3A_1055 : vector<16xf32>
      %add3A_1059 = arith.constant -0.187720492 : f32
      %add3A_1060 = vector.broadcast %add3A_1059 : f32 to vector<16xf32>
      %add3A_1061 = arith.addf %mul3A_1058, %add3A_1060 : vector<16xf32>
      %mul3A_1062 = arith.mulf %add3A_1061, %sub3A_1055 : vector<16xf32>
      %add3A_1063 = arith.constant 0.408718944 : f32
      %add3A_1064 = vector.broadcast %add3A_1063 : f32 to vector<16xf32>
      %add3A_1065 = arith.addf %mul3A_1062, %add3A_1064 : vector<16xf32>
      %mul3A_1066 = arith.mulf %add3A_1065, %sub3A_1055 : vector<16xf32>
      %add3A_1067 = arith.constant -0.705702602 : f32
      %add3A_1068 = vector.broadcast %add3A_1067 : f32 to vector<16xf32>
      %add3A_1069 = arith.addf %mul3A_1066, %add3A_1068 : vector<16xf32>
      %mul3A_1070 = arith.mulf %add3A_1069, %sub3A_1055 : vector<16xf32>
      %add3A_1071 = arith.constant 1.44126713 : f32
      %add3A_1072 = vector.broadcast %add3A_1071 : f32 to vector<16xf32>
      %add3A_1073 = arith.addf %mul3A_1070, %add3A_1072 : vector<16xf32>
      %mul3A_1074 = arith.mulf %add3A_1073, %sub3A_1055 : vector<16xf32>
      %add3A_1075 = arith.constant 3.19308565E-5 : f32
      %add3A_1076 = vector.broadcast %add3A_1075 : f32 to vector<16xf32>
      %add3A_1077 = arith.addf %mul3A_1074, %add3A_1076 : vector<16xf32>
      %convert_element_type3A_1078 = arith.sitofp %sub3A_1045 : vector<16xi32> to vector<16xf32>
      %add3A_1079 = arith.addf %convert_element_type3A_1078, %add3A_1077 : vector<16xf32>
      %add3A_1080 = arith.addf %add3A_1004, %add3A_1079 : vector<16xf32>
      %broadcast_in_dim3A_1081 = arith.constant 14 : i32
      %broadcast_in_dim3A_1082 = vector.broadcast %broadcast_in_dim3A_1081 : i32 to vector<16xi32>
      %gather3A_1083 = tpu.vector_load_idx %arg5[%add3A_23, %broadcast_in_dim3A_1082] : memref<128x28xf32, #tpu.memory_space<vmem>>[vector<16xi32>, vector<16xi32>], vector<16xf32>,
      %gather3A_1084 = tpu.vector_load_idx %arg6[%add3A_23, %broadcast_in_dim3A_1082] : memref<128x28xi32, #tpu.memory_space<vmem>>[vector<16xi32>, vector<16xi32>], vector<16xi32>,
      %eq3A_1085 = arith.constant 0 : i32
      %eq3A_1086 = vector.broadcast %eq3A_1085 : i32 to vector<16xi32>
      %eq3A_1087 = arith.cmpi eq, %gather3A_1084, %eq3A_1086 : vector<16xi32>
      %neg3A_1088 = arith.constant 0.000000e+00 : f32
      %neg3A_1089 = vector.broadcast %neg3A_1088 : f32 to vector<16xf32>
      %neg3A_1090 = arith.subf %neg3A_1089, %gather3A_1083 : vector<16xf32>
      %exp3A_1091 = math.exp %neg3A_1090 : vector<16xf32>
      %add3A_1092 = arith.constant 1.000000e+00 : f32
      %add3A_1093 = vector.broadcast %add3A_1092 : f32 to vector<16xf32>
      %add3A_1094 = arith.addf %add3A_1093, %exp3A_1091 : vector<16xf32>
      %div3A_1095 = arith.constant 1.000000e+00 : f32
      %div3A_1096 = vector.broadcast %div3A_1095 : f32 to vector<16xf32>
      %div3A_1097 = arith.divf %div3A_1096, %add3A_1094 : vector<16xf32>
      %exp3A_1098 = math.exp %div3A_1097 : vector<16xf32>
      %jit3A_1099 = arith.constant 0.000000e+00 : f32
      %broadcast_in_dim3A_1100 = vector.broadcast %jit3A_1099 : f32 to vector<16xf32>
      %select_n3A_1101 = arith.select %eq3A_1087, %exp3A_1098, %broadcast_in_dim3A_1100 : vector<16xi1>, vector<16xf32>
      %add3A_1102 = arith.addf %add3A_1026, %select_n3A_1101 : vector<16xf32>
      %div3A_1103 = arith.constant 1.000000e+00 : f32
      %div3A_1104 = vector.broadcast %div3A_1103 : f32 to vector<16xf32>
      %div3A_1105 = arith.divf %div3A_1104, %exp3A_1098 : vector<16xf32>
      %jit3A_1106 = arith.constant 0.000000e+00 : f32
      %broadcast_in_dim3A_1107 = vector.broadcast %jit3A_1106 : f32 to vector<16xf32>
      %select_n3A_1108 = arith.select %eq3A_1087, %broadcast_in_dim3A_1107, %div3A_1105 : vector<16xi1>, vector<16xf32>
      %add3A_1109 = arith.addf %add3A_1033, %select_n3A_1108 : vector<16xf32>
      %add3A_1110 = arith.addi %add3A_1034, %gather3A_1084 : vector<16xi32>
      %jit3A_1111 = arith.constant 0.000000e+00 : f32
      %broadcast_in_dim3A_1112 = vector.broadcast %jit3A_1111 : f32 to vector<16xf32>
      %select_n3A_1113 = arith.select %eq3A_1087, %gather3A_1083, %broadcast_in_dim3A_1112 : vector<16xi1>, vector<16xf32>
      %add3A_1114 = arith.addf %add3A_1038, %select_n3A_1113 : vector<16xf32>
      %bitcast3A_1115 = vector.bitcast %add3A_1094 : vector<16xf32> to vector<16xi32>
      %shift_right_logical3A_1116 = arith.constant 23 : i32
      %shift_right_logical3A_1117 = vector.broadcast %shift_right_logical3A_1116 : i32 to vector<16xi32>
      %shift_right_logical3A_1118 = arith.shrui %bitcast3A_1115, %shift_right_logical3A_1117 : vector<16xi32>
      %sub3A_1119 = arith.constant 127 : i32
      %sub3A_1120 = vector.broadcast %sub3A_1119 : i32 to vector<16xi32>
      %sub3A_1121 = arith.subi %shift_right_logical3A_1118, %sub3A_1120 : vector<16xi32>
      %and3A_1122 = arith.constant 8388607 : i32
      %and3A_1123 = vector.broadcast %and3A_1122 : i32 to vector<16xi32>
      %and3A_1124 = arith.andi %bitcast3A_1115, %and3A_1123 : vector<16xi32>
      %or3A_1125 = arith.constant 1065353216 : i32
      %or3A_1126 = vector.broadcast %or3A_1125 : i32 to vector<16xi32>
      %or3A_1127 = arith.ori %and3A_1124, %or3A_1126 : vector<16xi32>
      %bitcast3A_1128 = vector.bitcast %or3A_1127 : vector<16xi32> to vector<16xf32>
      %sub3A_1129 = arith.constant 1.000000e+00 : f32
      %sub3A_1130 = vector.broadcast %sub3A_1129 : f32 to vector<16xf32>
      %sub3A_1131 = arith.subf %bitcast3A_1128, %sub3A_1130 : vector<16xf32>
      %broadcast_in_dim3A_1132 = arith.constant 0.0434283651 : f32
      %broadcast_in_dim3A_1133 = vector.broadcast %broadcast_in_dim3A_1132 : f32 to vector<16xf32>
      %mul3A_1134 = arith.mulf %broadcast_in_dim3A_1133, %sub3A_1131 : vector<16xf32>
      %add3A_1135 = arith.constant -0.187720492 : f32
      %add3A_1136 = vector.broadcast %add3A_1135 : f32 to vector<16xf32>
      %add3A_1137 = arith.addf %mul3A_1134, %add3A_1136 : vector<16xf32>
      %mul3A_1138 = arith.mulf %add3A_1137, %sub3A_1131 : vector<16xf32>
      %add3A_1139 = arith.constant 0.408718944 : f32
      %add3A_1140 = vector.broadcast %add3A_1139 : f32 to vector<16xf32>
      %add3A_1141 = arith.addf %mul3A_1138, %add3A_1140 : vector<16xf32>
      %mul3A_1142 = arith.mulf %add3A_1141, %sub3A_1131 : vector<16xf32>
      %add3A_1143 = arith.constant -0.705702602 : f32
      %add3A_1144 = vector.broadcast %add3A_1143 : f32 to vector<16xf32>
      %add3A_1145 = arith.addf %mul3A_1142, %add3A_1144 : vector<16xf32>
      %mul3A_1146 = arith.mulf %add3A_1145, %sub3A_1131 : vector<16xf32>
      %add3A_1147 = arith.constant 1.44126713 : f32
      %add3A_1148 = vector.broadcast %add3A_1147 : f32 to vector<16xf32>
      %add3A_1149 = arith.addf %mul3A_1146, %add3A_1148 : vector<16xf32>
      %mul3A_1150 = arith.mulf %add3A_1149, %sub3A_1131 : vector<16xf32>
      %add3A_1151 = arith.constant 3.19308565E-5 : f32
      %add3A_1152 = vector.broadcast %add3A_1151 : f32 to vector<16xf32>
      %add3A_1153 = arith.addf %mul3A_1150, %add3A_1152 : vector<16xf32>
      %convert_element_type3A_1154 = arith.sitofp %sub3A_1121 : vector<16xi32> to vector<16xf32>
      %add3A_1155 = arith.addf %convert_element_type3A_1154, %add3A_1153 : vector<16xf32>
      %add3A_1156 = arith.addf %add3A_1080, %add3A_1155 : vector<16xf32>
      %broadcast_in_dim3A_1157 = arith.constant 15 : i32
      %broadcast_in_dim3A_1158 = vector.broadcast %broadcast_in_dim3A_1157 : i32 to vector<16xi32>
      %gather3A_1159 = tpu.vector_load_idx %arg5[%add3A_23, %broadcast_in_dim3A_1158] : memref<128x28xf32, #tpu.memory_space<vmem>>[vector<16xi32>, vector<16xi32>], vector<16xf32>,
      %gather3A_1160 = tpu.vector_load_idx %arg6[%add3A_23, %broadcast_in_dim3A_1158] : memref<128x28xi32, #tpu.memory_space<vmem>>[vector<16xi32>, vector<16xi32>], vector<16xi32>,
      %eq3A_1161 = arith.constant 0 : i32
      %eq3A_1162 = vector.broadcast %eq3A_1161 : i32 to vector<16xi32>
      %eq3A_1163 = arith.cmpi eq, %gather3A_1160, %eq3A_1162 : vector<16xi32>
      %neg3A_1164 = arith.constant 0.000000e+00 : f32
      %neg3A_1165 = vector.broadcast %neg3A_1164 : f32 to vector<16xf32>
      %neg3A_1166 = arith.subf %neg3A_1165, %gather3A_1159 : vector<16xf32>
      %exp3A_1167 = math.exp %neg3A_1166 : vector<16xf32>
      %add3A_1168 = arith.constant 1.000000e+00 : f32
      %add3A_1169 = vector.broadcast %add3A_1168 : f32 to vector<16xf32>
      %add3A_1170 = arith.addf %add3A_1169, %exp3A_1167 : vector<16xf32>
      %div3A_1171 = arith.constant 1.000000e+00 : f32
      %div3A_1172 = vector.broadcast %div3A_1171 : f32 to vector<16xf32>
      %div3A_1173 = arith.divf %div3A_1172, %add3A_1170 : vector<16xf32>
      %exp3A_1174 = math.exp %div3A_1173 : vector<16xf32>
      %jit3A_1175 = arith.constant 0.000000e+00 : f32
      %broadcast_in_dim3A_1176 = vector.broadcast %jit3A_1175 : f32 to vector<16xf32>
      %select_n3A_1177 = arith.select %eq3A_1163, %exp3A_1174, %broadcast_in_dim3A_1176 : vector<16xi1>, vector<16xf32>
      %add3A_1178 = arith.addf %add3A_1102, %select_n3A_1177 : vector<16xf32>
      %div3A_1179 = arith.constant 1.000000e+00 : f32
      %div3A_1180 = vector.broadcast %div3A_1179 : f32 to vector<16xf32>
      %div3A_1181 = arith.divf %div3A_1180, %exp3A_1174 : vector<16xf32>
      %jit3A_1182 = arith.constant 0.000000e+00 : f32
      %broadcast_in_dim3A_1183 = vector.broadcast %jit3A_1182 : f32 to vector<16xf32>
      %select_n3A_1184 = arith.select %eq3A_1163, %broadcast_in_dim3A_1183, %div3A_1181 : vector<16xi1>, vector<16xf32>
      %add3A_1185 = arith.addf %add3A_1109, %select_n3A_1184 : vector<16xf32>
      %add3A_1186 = arith.addi %add3A_1110, %gather3A_1160 : vector<16xi32>
      %jit3A_1187 = arith.constant 0.000000e+00 : f32
      %broadcast_in_dim3A_1188 = vector.broadcast %jit3A_1187 : f32 to vector<16xf32>
      %select_n3A_1189 = arith.select %eq3A_1163, %gather3A_1159, %broadcast_in_dim3A_1188 : vector<16xi1>, vector<16xf32>
      %add3A_1190 = arith.addf %add3A_1114, %select_n3A_1189 : vector<16xf32>
      %bitcast3A_1191 = vector.bitcast %add3A_1170 : vector<16xf32> to vector<16xi32>
      %shift_right_logical3A_1192 = arith.constant 23 : i32
      %shift_right_logical3A_1193 = vector.broadcast %shift_right_logical3A_1192 : i32 to vector<16xi32>
      %shift_right_logical3A_1194 = arith.shrui %bitcast3A_1191, %shift_right_logical3A_1193 : vector<16xi32>
      %sub3A_1195 = arith.constant 127 : i32
      %sub3A_1196 = vector.broadcast %sub3A_1195 : i32 to vector<16xi32>
      %sub3A_1197 = arith.subi %shift_right_logical3A_1194, %sub3A_1196 : vector<16xi32>
      %and3A_1198 = arith.constant 8388607 : i32
      %and3A_1199 = vector.broadcast %and3A_1198 : i32 to vector<16xi32>
      %and3A_1200 = arith.andi %bitcast3A_1191, %and3A_1199 : vector<16xi32>
      %or3A_1201 = arith.constant 1065353216 : i32
      %or3A_1202 = vector.broadcast %or3A_1201 : i32 to vector<16xi32>
      %or3A_1203 = arith.ori %and3A_1200, %or3A_1202 : vector<16xi32>
      %bitcast3A_1204 = vector.bitcast %or3A_1203 : vector<16xi32> to vector<16xf32>
      %sub3A_1205 = arith.constant 1.000000e+00 : f32
      %sub3A_1206 = vector.broadcast %sub3A_1205 : f32 to vector<16xf32>
      %sub3A_1207 = arith.subf %bitcast3A_1204, %sub3A_1206 : vector<16xf32>
      %broadcast_in_dim3A_1208 = arith.constant 0.0434283651 : f32
      %broadcast_in_dim3A_1209 = vector.broadcast %broadcast_in_dim3A_1208 : f32 to vector<16xf32>
      %mul3A_1210 = arith.mulf %broadcast_in_dim3A_1209, %sub3A_1207 : vector<16xf32>
      %add3A_1211 = arith.constant -0.187720492 : f32
      %add3A_1212 = vector.broadcast %add3A_1211 : f32 to vector<16xf32>
      %add3A_1213 = arith.addf %mul3A_1210, %add3A_1212 : vector<16xf32>
      %mul3A_1214 = arith.mulf %add3A_1213, %sub3A_1207 : vector<16xf32>
      %add3A_1215 = arith.constant 0.408718944 : f32
      %add3A_1216 = vector.broadcast %add3A_1215 : f32 to vector<16xf32>
      %add3A_1217 = arith.addf %mul3A_1214, %add3A_1216 : vector<16xf32>
      %mul3A_1218 = arith.mulf %add3A_1217, %sub3A_1207 : vector<16xf32>
      %add3A_1219 = arith.constant -0.705702602 : f32
      %add3A_1220 = vector.broadcast %add3A_1219 : f32 to vector<16xf32>
      %add3A_1221 = arith.addf %mul3A_1218, %add3A_1220 : vector<16xf32>
      %mul3A_1222 = arith.mulf %add3A_1221, %sub3A_1207 : vector<16xf32>
      %add3A_1223 = arith.constant 1.44126713 : f32
      %add3A_1224 = vector.broadcast %add3A_1223 : f32 to vector<16xf32>
      %add3A_1225 = arith.addf %mul3A_1222, %add3A_1224 : vector<16xf32>
      %mul3A_1226 = arith.mulf %add3A_1225, %sub3A_1207 : vector<16xf32>
      %add3A_1227 = arith.constant 3.19308565E-5 : f32
      %add3A_1228 = vector.broadcast %add3A_1227 : f32 to vector<16xf32>
      %add3A_1229 = arith.addf %mul3A_1226, %add3A_1228 : vector<16xf32>
      %convert_element_type3A_1230 = arith.sitofp %sub3A_1197 : vector<16xi32> to vector<16xf32>
      %add3A_1231 = arith.addf %convert_element_type3A_1230, %add3A_1229 : vector<16xf32>
      %add3A_1232 = arith.addf %add3A_1156, %add3A_1231 : vector<16xf32>
      %broadcast_in_dim3A_1233 = arith.constant 16 : i32
      %broadcast_in_dim3A_1234 = vector.broadcast %broadcast_in_dim3A_1233 : i32 to vector<16xi32>
      %gather3A_1235 = tpu.vector_load_idx %arg5[%add3A_23, %broadcast_in_dim3A_1234] : memref<128x28xf32, #tpu.memory_space<vmem>>[vector<16xi32>, vector<16xi32>], vector<16xf32>,
      %gather3A_1236 = tpu.vector_load_idx %arg6[%add3A_23, %broadcast_in_dim3A_1234] : memref<128x28xi32, #tpu.memory_space<vmem>>[vector<16xi32>, vector<16xi32>], vector<16xi32>,
      %eq3A_1237 = arith.constant 0 : i32
      %eq3A_1238 = vector.broadcast %eq3A_1237 : i32 to vector<16xi32>
      %eq3A_1239 = arith.cmpi eq, %gather3A_1236, %eq3A_1238 : vector<16xi32>
      %neg3A_1240 = arith.constant 0.000000e+00 : f32
      %neg3A_1241 = vector.broadcast %neg3A_1240 : f32 to vector<16xf32>
      %neg3A_1242 = arith.subf %neg3A_1241, %gather3A_1235 : vector<16xf32>
      %exp3A_1243 = math.exp %neg3A_1242 : vector<16xf32>
      %add3A_1244 = arith.constant 1.000000e+00 : f32
      %add3A_1245 = vector.broadcast %add3A_1244 : f32 to vector<16xf32>
      %add3A_1246 = arith.addf %add3A_1245, %exp3A_1243 : vector<16xf32>
      %div3A_1247 = arith.constant 1.000000e+00 : f32
      %div3A_1248 = vector.broadcast %div3A_1247 : f32 to vector<16xf32>
      %div3A_1249 = arith.divf %div3A_1248, %add3A_1246 : vector<16xf32>
      %exp3A_1250 = math.exp %div3A_1249 : vector<16xf32>
      %jit3A_1251 = arith.constant 0.000000e+00 : f32
      %broadcast_in_dim3A_1252 = vector.broadcast %jit3A_1251 : f32 to vector<16xf32>
      %select_n3A_1253 = arith.select %eq3A_1239, %exp3A_1250, %broadcast_in_dim3A_1252 : vector<16xi1>, vector<16xf32>
      %add3A_1254 = arith.addf %add3A_1178, %select_n3A_1253 : vector<16xf32>
      %div3A_1255 = arith.constant 1.000000e+00 : f32
      %div3A_1256 = vector.broadcast %div3A_1255 : f32 to vector<16xf32>
      %div3A_1257 = arith.divf %div3A_1256, %exp3A_1250 : vector<16xf32>
      %jit3A_1258 = arith.constant 0.000000e+00 : f32
      %broadcast_in_dim3A_1259 = vector.broadcast %jit3A_1258 : f32 to vector<16xf32>
      %select_n3A_1260 = arith.select %eq3A_1239, %broadcast_in_dim3A_1259, %div3A_1257 : vector<16xi1>, vector<16xf32>
      %add3A_1261 = arith.addf %add3A_1185, %select_n3A_1260 : vector<16xf32>
      %add3A_1262 = arith.addi %add3A_1186, %gather3A_1236 : vector<16xi32>
      %jit3A_1263 = arith.constant 0.000000e+00 : f32
      %broadcast_in_dim3A_1264 = vector.broadcast %jit3A_1263 : f32 to vector<16xf32>
      %select_n3A_1265 = arith.select %eq3A_1239, %gather3A_1235, %broadcast_in_dim3A_1264 : vector<16xi1>, vector<16xf32>
      %add3A_1266 = arith.addf %add3A_1190, %select_n3A_1265 : vector<16xf32>
      %bitcast3A_1267 = vector.bitcast %add3A_1246 : vector<16xf32> to vector<16xi32>
      %shift_right_logical3A_1268 = arith.constant 23 : i32
      %shift_right_logical3A_1269 = vector.broadcast %shift_right_logical3A_1268 : i32 to vector<16xi32>
      %shift_right_logical3A_1270 = arith.shrui %bitcast3A_1267, %shift_right_logical3A_1269 : vector<16xi32>
      %sub3A_1271 = arith.constant 127 : i32
      %sub3A_1272 = vector.broadcast %sub3A_1271 : i32 to vector<16xi32>
      %sub3A_1273 = arith.subi %shift_right_logical3A_1270, %sub3A_1272 : vector<16xi32>
      %and3A_1274 = arith.constant 8388607 : i32
      %and3A_1275 = vector.broadcast %and3A_1274 : i32 to vector<16xi32>
      %and3A_1276 = arith.andi %bitcast3A_1267, %and3A_1275 : vector<16xi32>
      %or3A_1277 = arith.constant 1065353216 : i32
      %or3A_1278 = vector.broadcast %or3A_1277 : i32 to vector<16xi32>
      %or3A_1279 = arith.ori %and3A_1276, %or3A_1278 : vector<16xi32>
      %bitcast3A_1280 = vector.bitcast %or3A_1279 : vector<16xi32> to vector<16xf32>
      %sub3A_1281 = arith.constant 1.000000e+00 : f32
      %sub3A_1282 = vector.broadcast %sub3A_1281 : f32 to vector<16xf32>
      %sub3A_1283 = arith.subf %bitcast3A_1280, %sub3A_1282 : vector<16xf32>
      %broadcast_in_dim3A_1284 = arith.constant 0.0434283651 : f32
      %broadcast_in_dim3A_1285 = vector.broadcast %broadcast_in_dim3A_1284 : f32 to vector<16xf32>
      %mul3A_1286 = arith.mulf %broadcast_in_dim3A_1285, %sub3A_1283 : vector<16xf32>
      %add3A_1287 = arith.constant -0.187720492 : f32
      %add3A_1288 = vector.broadcast %add3A_1287 : f32 to vector<16xf32>
      %add3A_1289 = arith.addf %mul3A_1286, %add3A_1288 : vector<16xf32>
      %mul3A_1290 = arith.mulf %add3A_1289, %sub3A_1283 : vector<16xf32>
      %add3A_1291 = arith.constant 0.408718944 : f32
      %add3A_1292 = vector.broadcast %add3A_1291 : f32 to vector<16xf32>
      %add3A_1293 = arith.addf %mul3A_1290, %add3A_1292 : vector<16xf32>
      %mul3A_1294 = arith.mulf %add3A_1293, %sub3A_1283 : vector<16xf32>
      %add3A_1295 = arith.constant -0.705702602 : f32
      %add3A_1296 = vector.broadcast %add3A_1295 : f32 to vector<16xf32>
      %add3A_1297 = arith.addf %mul3A_1294, %add3A_1296 : vector<16xf32>
      %mul3A_1298 = arith.mulf %add3A_1297, %sub3A_1283 : vector<16xf32>
      %add3A_1299 = arith.constant 1.44126713 : f32
      %add3A_1300 = vector.broadcast %add3A_1299 : f32 to vector<16xf32>
      %add3A_1301 = arith.addf %mul3A_1298, %add3A_1300 : vector<16xf32>
      %mul3A_1302 = arith.mulf %add3A_1301, %sub3A_1283 : vector<16xf32>
      %add3A_1303 = arith.constant 3.19308565E-5 : f32
      %add3A_1304 = vector.broadcast %add3A_1303 : f32 to vector<16xf32>
      %add3A_1305 = arith.addf %mul3A_1302, %add3A_1304 : vector<16xf32>
      %convert_element_type3A_1306 = arith.sitofp %sub3A_1273 : vector<16xi32> to vector<16xf32>
      %add3A_1307 = arith.addf %convert_element_type3A_1306, %add3A_1305 : vector<16xf32>
      %add3A_1308 = arith.addf %add3A_1232, %add3A_1307 : vector<16xf32>
      %broadcast_in_dim3A_1309 = arith.constant 17 : i32
      %broadcast_in_dim3A_1310 = vector.broadcast %broadcast_in_dim3A_1309 : i32 to vector<16xi32>
      %gather3A_1311 = tpu.vector_load_idx %arg5[%add3A_23, %broadcast_in_dim3A_1310] : memref<128x28xf32, #tpu.memory_space<vmem>>[vector<16xi32>, vector<16xi32>], vector<16xf32>,
      %gather3A_1312 = tpu.vector_load_idx %arg6[%add3A_23, %broadcast_in_dim3A_1310] : memref<128x28xi32, #tpu.memory_space<vmem>>[vector<16xi32>, vector<16xi32>], vector<16xi32>,
      %eq3A_1313 = arith.constant 0 : i32
      %eq3A_1314 = vector.broadcast %eq3A_1313 : i32 to vector<16xi32>
      %eq3A_1315 = arith.cmpi eq, %gather3A_1312, %eq3A_1314 : vector<16xi32>
      %neg3A_1316 = arith.constant 0.000000e+00 : f32
      %neg3A_1317 = vector.broadcast %neg3A_1316 : f32 to vector<16xf32>
      %neg3A_1318 = arith.subf %neg3A_1317, %gather3A_1311 : vector<16xf32>
      %exp3A_1319 = math.exp %neg3A_1318 : vector<16xf32>
      %add3A_1320 = arith.constant 1.000000e+00 : f32
      %add3A_1321 = vector.broadcast %add3A_1320 : f32 to vector<16xf32>
      %add3A_1322 = arith.addf %add3A_1321, %exp3A_1319 : vector<16xf32>
      %div3A_1323 = arith.constant 1.000000e+00 : f32
      %div3A_1324 = vector.broadcast %div3A_1323 : f32 to vector<16xf32>
      %div3A_1325 = arith.divf %div3A_1324, %add3A_1322 : vector<16xf32>
      %exp3A_1326 = math.exp %div3A_1325 : vector<16xf32>
      %jit3A_1327 = arith.constant 0.000000e+00 : f32
      %broadcast_in_dim3A_1328 = vector.broadcast %jit3A_1327 : f32 to vector<16xf32>
      %select_n3A_1329 = arith.select %eq3A_1315, %exp3A_1326, %broadcast_in_dim3A_1328 : vector<16xi1>, vector<16xf32>
      %add3A_1330 = arith.addf %add3A_1254, %select_n3A_1329 : vector<16xf32>
      %div3A_1331 = arith.constant 1.000000e+00 : f32
      %div3A_1332 = vector.broadcast %div3A_1331 : f32 to vector<16xf32>
      %div3A_1333 = arith.divf %div3A_1332, %exp3A_1326 : vector<16xf32>
      %jit3A_1334 = arith.constant 0.000000e+00 : f32
      %broadcast_in_dim3A_1335 = vector.broadcast %jit3A_1334 : f32 to vector<16xf32>
      %select_n3A_1336 = arith.select %eq3A_1315, %broadcast_in_dim3A_1335, %div3A_1333 : vector<16xi1>, vector<16xf32>
      %add3A_1337 = arith.addf %add3A_1261, %select_n3A_1336 : vector<16xf32>
      %add3A_1338 = arith.addi %add3A_1262, %gather3A_1312 : vector<16xi32>
      %jit3A_1339 = arith.constant 0.000000e+00 : f32
      %broadcast_in_dim3A_1340 = vector.broadcast %jit3A_1339 : f32 to vector<16xf32>
      %select_n3A_1341 = arith.select %eq3A_1315, %gather3A_1311, %broadcast_in_dim3A_1340 : vector<16xi1>, vector<16xf32>
      %add3A_1342 = arith.addf %add3A_1266, %select_n3A_1341 : vector<16xf32>
      %bitcast3A_1343 = vector.bitcast %add3A_1322 : vector<16xf32> to vector<16xi32>
      %shift_right_logical3A_1344 = arith.constant 23 : i32
      %shift_right_logical3A_1345 = vector.broadcast %shift_right_logical3A_1344 : i32 to vector<16xi32>
      %shift_right_logical3A_1346 = arith.shrui %bitcast3A_1343, %shift_right_logical3A_1345 : vector<16xi32>
      %sub3A_1347 = arith.constant 127 : i32
      %sub3A_1348 = vector.broadcast %sub3A_1347 : i32 to vector<16xi32>
      %sub3A_1349 = arith.subi %shift_right_logical3A_1346, %sub3A_1348 : vector<16xi32>
      %and3A_1350 = arith.constant 8388607 : i32
      %and3A_1351 = vector.broadcast %and3A_1350 : i32 to vector<16xi32>
      %and3A_1352 = arith.andi %bitcast3A_1343, %and3A_1351 : vector<16xi32>
      %or3A_1353 = arith.constant 1065353216 : i32
      %or3A_1354 = vector.broadcast %or3A_1353 : i32 to vector<16xi32>
      %or3A_1355 = arith.ori %and3A_1352, %or3A_1354 : vector<16xi32>
      %bitcast3A_1356 = vector.bitcast %or3A_1355 : vector<16xi32> to vector<16xf32>
      %sub3A_1357 = arith.constant 1.000000e+00 : f32
      %sub3A_1358 = vector.broadcast %sub3A_1357 : f32 to vector<16xf32>
      %sub3A_1359 = arith.subf %bitcast3A_1356, %sub3A_1358 : vector<16xf32>
      %broadcast_in_dim3A_1360 = arith.constant 0.0434283651 : f32
      %broadcast_in_dim3A_1361 = vector.broadcast %broadcast_in_dim3A_1360 : f32 to vector<16xf32>
      %mul3A_1362 = arith.mulf %broadcast_in_dim3A_1361, %sub3A_1359 : vector<16xf32>
      %add3A_1363 = arith.constant -0.187720492 : f32
      %add3A_1364 = vector.broadcast %add3A_1363 : f32 to vector<16xf32>
      %add3A_1365 = arith.addf %mul3A_1362, %add3A_1364 : vector<16xf32>
      %mul3A_1366 = arith.mulf %add3A_1365, %sub3A_1359 : vector<16xf32>
      %add3A_1367 = arith.constant 0.408718944 : f32
      %add3A_1368 = vector.broadcast %add3A_1367 : f32 to vector<16xf32>
      %add3A_1369 = arith.addf %mul3A_1366, %add3A_1368 : vector<16xf32>
      %mul3A_1370 = arith.mulf %add3A_1369, %sub3A_1359 : vector<16xf32>
      %add3A_1371 = arith.constant -0.705702602 : f32
      %add3A_1372 = vector.broadcast %add3A_1371 : f32 to vector<16xf32>
      %add3A_1373 = arith.addf %mul3A_1370, %add3A_1372 : vector<16xf32>
      %mul3A_1374 = arith.mulf %add3A_1373, %sub3A_1359 : vector<16xf32>
      %add3A_1375 = arith.constant 1.44126713 : f32
      %add3A_1376 = vector.broadcast %add3A_1375 : f32 to vector<16xf32>
      %add3A_1377 = arith.addf %mul3A_1374, %add3A_1376 : vector<16xf32>
      %mul3A_1378 = arith.mulf %add3A_1377, %sub3A_1359 : vector<16xf32>
      %add3A_1379 = arith.constant 3.19308565E-5 : f32
      %add3A_1380 = vector.broadcast %add3A_1379 : f32 to vector<16xf32>
      %add3A_1381 = arith.addf %mul3A_1378, %add3A_1380 : vector<16xf32>
      %convert_element_type3A_1382 = arith.sitofp %sub3A_1349 : vector<16xi32> to vector<16xf32>
      %add3A_1383 = arith.addf %convert_element_type3A_1382, %add3A_1381 : vector<16xf32>
      %add3A_1384 = arith.addf %add3A_1308, %add3A_1383 : vector<16xf32>
      %broadcast_in_dim3A_1385 = arith.constant 18 : i32
      %broadcast_in_dim3A_1386 = vector.broadcast %broadcast_in_dim3A_1385 : i32 to vector<16xi32>
      %gather3A_1387 = tpu.vector_load_idx %arg5[%add3A_23, %broadcast_in_dim3A_1386] : memref<128x28xf32, #tpu.memory_space<vmem>>[vector<16xi32>, vector<16xi32>], vector<16xf32>,
      %gather3A_1388 = tpu.vector_load_idx %arg6[%add3A_23, %broadcast_in_dim3A_1386] : memref<128x28xi32, #tpu.memory_space<vmem>>[vector<16xi32>, vector<16xi32>], vector<16xi32>,
      %eq3A_1389 = arith.constant 0 : i32
      %eq3A_1390 = vector.broadcast %eq3A_1389 : i32 to vector<16xi32>
      %eq3A_1391 = arith.cmpi eq, %gather3A_1388, %eq3A_1390 : vector<16xi32>
      %neg3A_1392 = arith.constant 0.000000e+00 : f32
      %neg3A_1393 = vector.broadcast %neg3A_1392 : f32 to vector<16xf32>
      %neg3A_1394 = arith.subf %neg3A_1393, %gather3A_1387 : vector<16xf32>
      %exp3A_1395 = math.exp %neg3A_1394 : vector<16xf32>
      %add3A_1396 = arith.constant 1.000000e+00 : f32
      %add3A_1397 = vector.broadcast %add3A_1396 : f32 to vector<16xf32>
      %add3A_1398 = arith.addf %add3A_1397, %exp3A_1395 : vector<16xf32>
      %div3A_1399 = arith.constant 1.000000e+00 : f32
      %div3A_1400 = vector.broadcast %div3A_1399 : f32 to vector<16xf32>
      %div3A_1401 = arith.divf %div3A_1400, %add3A_1398 : vector<16xf32>
      %exp3A_1402 = math.exp %div3A_1401 : vector<16xf32>
      %jit3A_1403 = arith.constant 0.000000e+00 : f32
      %broadcast_in_dim3A_1404 = vector.broadcast %jit3A_1403 : f32 to vector<16xf32>
      %select_n3A_1405 = arith.select %eq3A_1391, %exp3A_1402, %broadcast_in_dim3A_1404 : vector<16xi1>, vector<16xf32>
      %add3A_1406 = arith.addf %add3A_1330, %select_n3A_1405 : vector<16xf32>
      %div3A_1407 = arith.constant 1.000000e+00 : f32
      %div3A_1408 = vector.broadcast %div3A_1407 : f32 to vector<16xf32>
      %div3A_1409 = arith.divf %div3A_1408, %exp3A_1402 : vector<16xf32>
      %jit3A_1410 = arith.constant 0.000000e+00 : f32
      %broadcast_in_dim3A_1411 = vector.broadcast %jit3A_1410 : f32 to vector<16xf32>
      %select_n3A_1412 = arith.select %eq3A_1391, %broadcast_in_dim3A_1411, %div3A_1409 : vector<16xi1>, vector<16xf32>
      %add3A_1413 = arith.addf %add3A_1337, %select_n3A_1412 : vector<16xf32>
      %add3A_1414 = arith.addi %add3A_1338, %gather3A_1388 : vector<16xi32>
      %jit3A_1415 = arith.constant 0.000000e+00 : f32
      %broadcast_in_dim3A_1416 = vector.broadcast %jit3A_1415 : f32 to vector<16xf32>
      %select_n3A_1417 = arith.select %eq3A_1391, %gather3A_1387, %broadcast_in_dim3A_1416 : vector<16xi1>, vector<16xf32>
      %add3A_1418 = arith.addf %add3A_1342, %select_n3A_1417 : vector<16xf32>
      %bitcast3A_1419 = vector.bitcast %add3A_1398 : vector<16xf32> to vector<16xi32>
      %shift_right_logical3A_1420 = arith.constant 23 : i32
      %shift_right_logical3A_1421 = vector.broadcast %shift_right_logical3A_1420 : i32 to vector<16xi32>
      %shift_right_logical3A_1422 = arith.shrui %bitcast3A_1419, %shift_right_logical3A_1421 : vector<16xi32>
      %sub3A_1423 = arith.constant 127 : i32
      %sub3A_1424 = vector.broadcast %sub3A_1423 : i32 to vector<16xi32>
      %sub3A_1425 = arith.subi %shift_right_logical3A_1422, %sub3A_1424 : vector<16xi32>
      %and3A_1426 = arith.constant 8388607 : i32
      %and3A_1427 = vector.broadcast %and3A_1426 : i32 to vector<16xi32>
      %and3A_1428 = arith.andi %bitcast3A_1419, %and3A_1427 : vector<16xi32>
      %or3A_1429 = arith.constant 1065353216 : i32
      %or3A_1430 = vector.broadcast %or3A_1429 : i32 to vector<16xi32>
      %or3A_1431 = arith.ori %and3A_1428, %or3A_1430 : vector<16xi32>
      %bitcast3A_1432 = vector.bitcast %or3A_1431 : vector<16xi32> to vector<16xf32>
      %sub3A_1433 = arith.constant 1.000000e+00 : f32
      %sub3A_1434 = vector.broadcast %sub3A_1433 : f32 to vector<16xf32>
      %sub3A_1435 = arith.subf %bitcast3A_1432, %sub3A_1434 : vector<16xf32>
      %broadcast_in_dim3A_1436 = arith.constant 0.0434283651 : f32
      %broadcast_in_dim3A_1437 = vector.broadcast %broadcast_in_dim3A_1436 : f32 to vector<16xf32>
      %mul3A_1438 = arith.mulf %broadcast_in_dim3A_1437, %sub3A_1435 : vector<16xf32>
      %add3A_1439 = arith.constant -0.187720492 : f32
      %add3A_1440 = vector.broadcast %add3A_1439 : f32 to vector<16xf32>
      %add3A_1441 = arith.addf %mul3A_1438, %add3A_1440 : vector<16xf32>
      %mul3A_1442 = arith.mulf %add3A_1441, %sub3A_1435 : vector<16xf32>
      %add3A_1443 = arith.constant 0.408718944 : f32
      %add3A_1444 = vector.broadcast %add3A_1443 : f32 to vector<16xf32>
      %add3A_1445 = arith.addf %mul3A_1442, %add3A_1444 : vector<16xf32>
      %mul3A_1446 = arith.mulf %add3A_1445, %sub3A_1435 : vector<16xf32>
      %add3A_1447 = arith.constant -0.705702602 : f32
      %add3A_1448 = vector.broadcast %add3A_1447 : f32 to vector<16xf32>
      %add3A_1449 = arith.addf %mul3A_1446, %add3A_1448 : vector<16xf32>
      %mul3A_1450 = arith.mulf %add3A_1449, %sub3A_1435 : vector<16xf32>
      %add3A_1451 = arith.constant 1.44126713 : f32
      %add3A_1452 = vector.broadcast %add3A_1451 : f32 to vector<16xf32>
      %add3A_1453 = arith.addf %mul3A_1450, %add3A_1452 : vector<16xf32>
      %mul3A_1454 = arith.mulf %add3A_1453, %sub3A_1435 : vector<16xf32>
      %add3A_1455 = arith.constant 3.19308565E-5 : f32
      %add3A_1456 = vector.broadcast %add3A_1455 : f32 to vector<16xf32>
      %add3A_1457 = arith.addf %mul3A_1454, %add3A_1456 : vector<16xf32>
      %convert_element_type3A_1458 = arith.sitofp %sub3A_1425 : vector<16xi32> to vector<16xf32>
      %add3A_1459 = arith.addf %convert_element_type3A_1458, %add3A_1457 : vector<16xf32>
      %add3A_1460 = arith.addf %add3A_1384, %add3A_1459 : vector<16xf32>
      %broadcast_in_dim3A_1461 = arith.constant 19 : i32
      %broadcast_in_dim3A_1462 = vector.broadcast %broadcast_in_dim3A_1461 : i32 to vector<16xi32>
      %gather3A_1463 = tpu.vector_load_idx %arg5[%add3A_23, %broadcast_in_dim3A_1462] : memref<128x28xf32, #tpu.memory_space<vmem>>[vector<16xi32>, vector<16xi32>], vector<16xf32>,
      %gather3A_1464 = tpu.vector_load_idx %arg6[%add3A_23, %broadcast_in_dim3A_1462] : memref<128x28xi32, #tpu.memory_space<vmem>>[vector<16xi32>, vector<16xi32>], vector<16xi32>,
      %eq3A_1465 = arith.constant 0 : i32
      %eq3A_1466 = vector.broadcast %eq3A_1465 : i32 to vector<16xi32>
      %eq3A_1467 = arith.cmpi eq, %gather3A_1464, %eq3A_1466 : vector<16xi32>
      %neg3A_1468 = arith.constant 0.000000e+00 : f32
      %neg3A_1469 = vector.broadcast %neg3A_1468 : f32 to vector<16xf32>
      %neg3A_1470 = arith.subf %neg3A_1469, %gather3A_1463 : vector<16xf32>
      %exp3A_1471 = math.exp %neg3A_1470 : vector<16xf32>
      %add3A_1472 = arith.constant 1.000000e+00 : f32
      %add3A_1473 = vector.broadcast %add3A_1472 : f32 to vector<16xf32>
      %add3A_1474 = arith.addf %add3A_1473, %exp3A_1471 : vector<16xf32>
      %div3A_1475 = arith.constant 1.000000e+00 : f32
      %div3A_1476 = vector.broadcast %div3A_1475 : f32 to vector<16xf32>
      %div3A_1477 = arith.divf %div3A_1476, %add3A_1474 : vector<16xf32>
      %exp3A_1478 = math.exp %div3A_1477 : vector<16xf32>
      %jit3A_1479 = arith.constant 0.000000e+00 : f32
      %broadcast_in_dim3A_1480 = vector.broadcast %jit3A_1479 : f32 to vector<16xf32>
      %select_n3A_1481 = arith.select %eq3A_1467, %exp3A_1478, %broadcast_in_dim3A_1480 : vector<16xi1>, vector<16xf32>
      %add3A_1482 = arith.addf %add3A_1406, %select_n3A_1481 : vector<16xf32>
      %div3A_1483 = arith.constant 1.000000e+00 : f32
      %div3A_1484 = vector.broadcast %div3A_1483 : f32 to vector<16xf32>
      %div3A_1485 = arith.divf %div3A_1484, %exp3A_1478 : vector<16xf32>
      %jit3A_1486 = arith.constant 0.000000e+00 : f32
      %broadcast_in_dim3A_1487 = vector.broadcast %jit3A_1486 : f32 to vector<16xf32>
      %select_n3A_1488 = arith.select %eq3A_1467, %broadcast_in_dim3A_1487, %div3A_1485 : vector<16xi1>, vector<16xf32>
      %add3A_1489 = arith.addf %add3A_1413, %select_n3A_1488 : vector<16xf32>
      %add3A_1490 = arith.addi %add3A_1414, %gather3A_1464 : vector<16xi32>
      %jit3A_1491 = arith.constant 0.000000e+00 : f32
      %broadcast_in_dim3A_1492 = vector.broadcast %jit3A_1491 : f32 to vector<16xf32>
      %select_n3A_1493 = arith.select %eq3A_1467, %gather3A_1463, %broadcast_in_dim3A_1492 : vector<16xi1>, vector<16xf32>
      %add3A_1494 = arith.addf %add3A_1418, %select_n3A_1493 : vector<16xf32>
      %bitcast3A_1495 = vector.bitcast %add3A_1474 : vector<16xf32> to vector<16xi32>
      %shift_right_logical3A_1496 = arith.constant 23 : i32
      %shift_right_logical3A_1497 = vector.broadcast %shift_right_logical3A_1496 : i32 to vector<16xi32>
      %shift_right_logical3A_1498 = arith.shrui %bitcast3A_1495, %shift_right_logical3A_1497 : vector<16xi32>
      %sub3A_1499 = arith.constant 127 : i32
      %sub3A_1500 = vector.broadcast %sub3A_1499 : i32 to vector<16xi32>
      %sub3A_1501 = arith.subi %shift_right_logical3A_1498, %sub3A_1500 : vector<16xi32>
      %and3A_1502 = arith.constant 8388607 : i32
      %and3A_1503 = vector.broadcast %and3A_1502 : i32 to vector<16xi32>
      %and3A_1504 = arith.andi %bitcast3A_1495, %and3A_1503 : vector<16xi32>
      %or3A_1505 = arith.constant 1065353216 : i32
      %or3A_1506 = vector.broadcast %or3A_1505 : i32 to vector<16xi32>
      %or3A_1507 = arith.ori %and3A_1504, %or3A_1506 : vector<16xi32>
      %bitcast3A_1508 = vector.bitcast %or3A_1507 : vector<16xi32> to vector<16xf32>
      %sub3A_1509 = arith.constant 1.000000e+00 : f32
      %sub3A_1510 = vector.broadcast %sub3A_1509 : f32 to vector<16xf32>
      %sub3A_1511 = arith.subf %bitcast3A_1508, %sub3A_1510 : vector<16xf32>
      %broadcast_in_dim3A_1512 = arith.constant 0.0434283651 : f32
      %broadcast_in_dim3A_1513 = vector.broadcast %broadcast_in_dim3A_1512 : f32 to vector<16xf32>
      %mul3A_1514 = arith.mulf %broadcast_in_dim3A_1513, %sub3A_1511 : vector<16xf32>
      %add3A_1515 = arith.constant -0.187720492 : f32
      %add3A_1516 = vector.broadcast %add3A_1515 : f32 to vector<16xf32>
      %add3A_1517 = arith.addf %mul3A_1514, %add3A_1516 : vector<16xf32>
      %mul3A_1518 = arith.mulf %add3A_1517, %sub3A_1511 : vector<16xf32>
      %add3A_1519 = arith.constant 0.408718944 : f32
      %add3A_1520 = vector.broadcast %add3A_1519 : f32 to vector<16xf32>
      %add3A_1521 = arith.addf %mul3A_1518, %add3A_1520 : vector<16xf32>
      %mul3A_1522 = arith.mulf %add3A_1521, %sub3A_1511 : vector<16xf32>
      %add3A_1523 = arith.constant -0.705702602 : f32
      %add3A_1524 = vector.broadcast %add3A_1523 : f32 to vector<16xf32>
      %add3A_1525 = arith.addf %mul3A_1522, %add3A_1524 : vector<16xf32>
      %mul3A_1526 = arith.mulf %add3A_1525, %sub3A_1511 : vector<16xf32>
      %add3A_1527 = arith.constant 1.44126713 : f32
      %add3A_1528 = vector.broadcast %add3A_1527 : f32 to vector<16xf32>
      %add3A_1529 = arith.addf %mul3A_1526, %add3A_1528 : vector<16xf32>
      %mul3A_1530 = arith.mulf %add3A_1529, %sub3A_1511 : vector<16xf32>
      %add3A_1531 = arith.constant 3.19308565E-5 : f32
      %add3A_1532 = vector.broadcast %add3A_1531 : f32 to vector<16xf32>
      %add3A_1533 = arith.addf %mul3A_1530, %add3A_1532 : vector<16xf32>
      %convert_element_type3A_1534 = arith.sitofp %sub3A_1501 : vector<16xi32> to vector<16xf32>
      %add3A_1535 = arith.addf %convert_element_type3A_1534, %add3A_1533 : vector<16xf32>
      %add3A_1536 = arith.addf %add3A_1460, %add3A_1535 : vector<16xf32>
      %broadcast_in_dim3A_1537 = arith.constant 20 : i32
      %broadcast_in_dim3A_1538 = vector.broadcast %broadcast_in_dim3A_1537 : i32 to vector<16xi32>
      %gather3A_1539 = tpu.vector_load_idx %arg5[%add3A_23, %broadcast_in_dim3A_1538] : memref<128x28xf32, #tpu.memory_space<vmem>>[vector<16xi32>, vector<16xi32>], vector<16xf32>,
      %gather3A_1540 = tpu.vector_load_idx %arg6[%add3A_23, %broadcast_in_dim3A_1538] : memref<128x28xi32, #tpu.memory_space<vmem>>[vector<16xi32>, vector<16xi32>], vector<16xi32>,
      %eq3A_1541 = arith.constant 0 : i32
      %eq3A_1542 = vector.broadcast %eq3A_1541 : i32 to vector<16xi32>
      %eq3A_1543 = arith.cmpi eq, %gather3A_1540, %eq3A_1542 : vector<16xi32>
      %neg3A_1544 = arith.constant 0.000000e+00 : f32
      %neg3A_1545 = vector.broadcast %neg3A_1544 : f32 to vector<16xf32>
      %neg3A_1546 = arith.subf %neg3A_1545, %gather3A_1539 : vector<16xf32>
      %exp3A_1547 = math.exp %neg3A_1546 : vector<16xf32>
      %add3A_1548 = arith.constant 1.000000e+00 : f32
      %add3A_1549 = vector.broadcast %add3A_1548 : f32 to vector<16xf32>
      %add3A_1550 = arith.addf %add3A_1549, %exp3A_1547 : vector<16xf32>
      %div3A_1551 = arith.constant 1.000000e+00 : f32
      %div3A_1552 = vector.broadcast %div3A_1551 : f32 to vector<16xf32>
      %div3A_1553 = arith.divf %div3A_1552, %add3A_1550 : vector<16xf32>
      %exp3A_1554 = math.exp %div3A_1553 : vector<16xf32>
      %jit3A_1555 = arith.constant 0.000000e+00 : f32
      %broadcast_in_dim3A_1556 = vector.broadcast %jit3A_1555 : f32 to vector<16xf32>
      %select_n3A_1557 = arith.select %eq3A_1543, %exp3A_1554, %broadcast_in_dim3A_1556 : vector<16xi1>, vector<16xf32>
      %add3A_1558 = arith.addf %add3A_1482, %select_n3A_1557 : vector<16xf32>
      %div3A_1559 = arith.constant 1.000000e+00 : f32
      %div3A_1560 = vector.broadcast %div3A_1559 : f32 to vector<16xf32>
      %div3A_1561 = arith.divf %div3A_1560, %exp3A_1554 : vector<16xf32>
      %jit3A_1562 = arith.constant 0.000000e+00 : f32
      %broadcast_in_dim3A_1563 = vector.broadcast %jit3A_1562 : f32 to vector<16xf32>
      %select_n3A_1564 = arith.select %eq3A_1543, %broadcast_in_dim3A_1563, %div3A_1561 : vector<16xi1>, vector<16xf32>
      %add3A_1565 = arith.addf %add3A_1489, %select_n3A_1564 : vector<16xf32>
      %add3A_1566 = arith.addi %add3A_1490, %gather3A_1540 : vector<16xi32>
      %jit3A_1567 = arith.constant 0.000000e+00 : f32
      %broadcast_in_dim3A_1568 = vector.broadcast %jit3A_1567 : f32 to vector<16xf32>
      %select_n3A_1569 = arith.select %eq3A_1543, %gather3A_1539, %broadcast_in_dim3A_1568 : vector<16xi1>, vector<16xf32>
      %add3A_1570 = arith.addf %add3A_1494, %select_n3A_1569 : vector<16xf32>
      %bitcast3A_1571 = vector.bitcast %add3A_1550 : vector<16xf32> to vector<16xi32>
      %shift_right_logical3A_1572 = arith.constant 23 : i32
      %shift_right_logical3A_1573 = vector.broadcast %shift_right_logical3A_1572 : i32 to vector<16xi32>
      %shift_right_logical3A_1574 = arith.shrui %bitcast3A_1571, %shift_right_logical3A_1573 : vector<16xi32>
      %sub3A_1575 = arith.constant 127 : i32
      %sub3A_1576 = vector.broadcast %sub3A_1575 : i32 to vector<16xi32>
      %sub3A_1577 = arith.subi %shift_right_logical3A_1574, %sub3A_1576 : vector<16xi32>
      %and3A_1578 = arith.constant 8388607 : i32
      %and3A_1579 = vector.broadcast %and3A_1578 : i32 to vector<16xi32>
      %and3A_1580 = arith.andi %bitcast3A_1571, %and3A_1579 : vector<16xi32>
      %or3A_1581 = arith.constant 1065353216 : i32
      %or3A_1582 = vector.broadcast %or3A_1581 : i32 to vector<16xi32>
      %or3A_1583 = arith.ori %and3A_1580, %or3A_1582 : vector<16xi32>
      %bitcast3A_1584 = vector.bitcast %or3A_1583 : vector<16xi32> to vector<16xf32>
      %sub3A_1585 = arith.constant 1.000000e+00 : f32
      %sub3A_1586 = vector.broadcast %sub3A_1585 : f32 to vector<16xf32>
      %sub3A_1587 = arith.subf %bitcast3A_1584, %sub3A_1586 : vector<16xf32>
      %broadcast_in_dim3A_1588 = arith.constant 0.0434283651 : f32
      %broadcast_in_dim3A_1589 = vector.broadcast %broadcast_in_dim3A_1588 : f32 to vector<16xf32>
      %mul3A_1590 = arith.mulf %broadcast_in_dim3A_1589, %sub3A_1587 : vector<16xf32>
      %add3A_1591 = arith.constant -0.187720492 : f32
      %add3A_1592 = vector.broadcast %add3A_1591 : f32 to vector<16xf32>
      %add3A_1593 = arith.addf %mul3A_1590, %add3A_1592 : vector<16xf32>
      %mul3A_1594 = arith.mulf %add3A_1593, %sub3A_1587 : vector<16xf32>
      %add3A_1595 = arith.constant 0.408718944 : f32
      %add3A_1596 = vector.broadcast %add3A_1595 : f32 to vector<16xf32>
      %add3A_1597 = arith.addf %mul3A_1594, %add3A_1596 : vector<16xf32>
      %mul3A_1598 = arith.mulf %add3A_1597, %sub3A_1587 : vector<16xf32>
      %add3A_1599 = arith.constant -0.705702602 : f32
      %add3A_1600 = vector.broadcast %add3A_1599 : f32 to vector<16xf32>
      %add3A_1601 = arith.addf %mul3A_1598, %add3A_1600 : vector<16xf32>
      %mul3A_1602 = arith.mulf %add3A_1601, %sub3A_1587 : vector<16xf32>
      %add3A_1603 = arith.constant 1.44126713 : f32
      %add3A_1604 = vector.broadcast %add3A_1603 : f32 to vector<16xf32>
      %add3A_1605 = arith.addf %mul3A_1602, %add3A_1604 : vector<16xf32>
      %mul3A_1606 = arith.mulf %add3A_1605, %sub3A_1587 : vector<16xf32>
      %add3A_1607 = arith.constant 3.19308565E-5 : f32
      %add3A_1608 = vector.broadcast %add3A_1607 : f32 to vector<16xf32>
      %add3A_1609 = arith.addf %mul3A_1606, %add3A_1608 : vector<16xf32>
      %convert_element_type3A_1610 = arith.sitofp %sub3A_1577 : vector<16xi32> to vector<16xf32>
      %add3A_1611 = arith.addf %convert_element_type3A_1610, %add3A_1609 : vector<16xf32>
      %add3A_1612 = arith.addf %add3A_1536, %add3A_1611 : vector<16xf32>
      %broadcast_in_dim3A_1613 = arith.constant 21 : i32
      %broadcast_in_dim3A_1614 = vector.broadcast %broadcast_in_dim3A_1613 : i32 to vector<16xi32>
      %gather3A_1615 = tpu.vector_load_idx %arg5[%add3A_23, %broadcast_in_dim3A_1614] : memref<128x28xf32, #tpu.memory_space<vmem>>[vector<16xi32>, vector<16xi32>], vector<16xf32>,
      %gather3A_1616 = tpu.vector_load_idx %arg6[%add3A_23, %broadcast_in_dim3A_1614] : memref<128x28xi32, #tpu.memory_space<vmem>>[vector<16xi32>, vector<16xi32>], vector<16xi32>,
      %eq3A_1617 = arith.constant 0 : i32
      %eq3A_1618 = vector.broadcast %eq3A_1617 : i32 to vector<16xi32>
      %eq3A_1619 = arith.cmpi eq, %gather3A_1616, %eq3A_1618 : vector<16xi32>
      %neg3A_1620 = arith.constant 0.000000e+00 : f32
      %neg3A_1621 = vector.broadcast %neg3A_1620 : f32 to vector<16xf32>
      %neg3A_1622 = arith.subf %neg3A_1621, %gather3A_1615 : vector<16xf32>
      %exp3A_1623 = math.exp %neg3A_1622 : vector<16xf32>
      %add3A_1624 = arith.constant 1.000000e+00 : f32
      %add3A_1625 = vector.broadcast %add3A_1624 : f32 to vector<16xf32>
      %add3A_1626 = arith.addf %add3A_1625, %exp3A_1623 : vector<16xf32>
      %div3A_1627 = arith.constant 1.000000e+00 : f32
      %div3A_1628 = vector.broadcast %div3A_1627 : f32 to vector<16xf32>
      %div3A_1629 = arith.divf %div3A_1628, %add3A_1626 : vector<16xf32>
      %exp3A_1630 = math.exp %div3A_1629 : vector<16xf32>
      %jit3A_1631 = arith.constant 0.000000e+00 : f32
      %broadcast_in_dim3A_1632 = vector.broadcast %jit3A_1631 : f32 to vector<16xf32>
      %select_n3A_1633 = arith.select %eq3A_1619, %exp3A_1630, %broadcast_in_dim3A_1632 : vector<16xi1>, vector<16xf32>
      %add3A_1634 = arith.addf %add3A_1558, %select_n3A_1633 : vector<16xf32>
      %div3A_1635 = arith.constant 1.000000e+00 : f32
      %div3A_1636 = vector.broadcast %div3A_1635 : f32 to vector<16xf32>
      %div3A_1637 = arith.divf %div3A_1636, %exp3A_1630 : vector<16xf32>
      %jit3A_1638 = arith.constant 0.000000e+00 : f32
      %broadcast_in_dim3A_1639 = vector.broadcast %jit3A_1638 : f32 to vector<16xf32>
      %select_n3A_1640 = arith.select %eq3A_1619, %broadcast_in_dim3A_1639, %div3A_1637 : vector<16xi1>, vector<16xf32>
      %add3A_1641 = arith.addf %add3A_1565, %select_n3A_1640 : vector<16xf32>
      %add3A_1642 = arith.addi %add3A_1566, %gather3A_1616 : vector<16xi32>
      %jit3A_1643 = arith.constant 0.000000e+00 : f32
      %broadcast_in_dim3A_1644 = vector.broadcast %jit3A_1643 : f32 to vector<16xf32>
      %select_n3A_1645 = arith.select %eq3A_1619, %gather3A_1615, %broadcast_in_dim3A_1644 : vector<16xi1>, vector<16xf32>
      %add3A_1646 = arith.addf %add3A_1570, %select_n3A_1645 : vector<16xf32>
      %bitcast3A_1647 = vector.bitcast %add3A_1626 : vector<16xf32> to vector<16xi32>
      %shift_right_logical3A_1648 = arith.constant 23 : i32
      %shift_right_logical3A_1649 = vector.broadcast %shift_right_logical3A_1648 : i32 to vector<16xi32>
      %shift_right_logical3A_1650 = arith.shrui %bitcast3A_1647, %shift_right_logical3A_1649 : vector<16xi32>
      %sub3A_1651 = arith.constant 127 : i32
      %sub3A_1652 = vector.broadcast %sub3A_1651 : i32 to vector<16xi32>
      %sub3A_1653 = arith.subi %shift_right_logical3A_1650, %sub3A_1652 : vector<16xi32>
      %and3A_1654 = arith.constant 8388607 : i32
      %and3A_1655 = vector.broadcast %and3A_1654 : i32 to vector<16xi32>
      %and3A_1656 = arith.andi %bitcast3A_1647, %and3A_1655 : vector<16xi32>
      %or3A_1657 = arith.constant 1065353216 : i32
      %or3A_1658 = vector.broadcast %or3A_1657 : i32 to vector<16xi32>
      %or3A_1659 = arith.ori %and3A_1656, %or3A_1658 : vector<16xi32>
      %bitcast3A_1660 = vector.bitcast %or3A_1659 : vector<16xi32> to vector<16xf32>
      %sub3A_1661 = arith.constant 1.000000e+00 : f32
      %sub3A_1662 = vector.broadcast %sub3A_1661 : f32 to vector<16xf32>
      %sub3A_1663 = arith.subf %bitcast3A_1660, %sub3A_1662 : vector<16xf32>
      %broadcast_in_dim3A_1664 = arith.constant 0.0434283651 : f32
      %broadcast_in_dim3A_1665 = vector.broadcast %broadcast_in_dim3A_1664 : f32 to vector<16xf32>
      %mul3A_1666 = arith.mulf %broadcast_in_dim3A_1665, %sub3A_1663 : vector<16xf32>
      %add3A_1667 = arith.constant -0.187720492 : f32
      %add3A_1668 = vector.broadcast %add3A_1667 : f32 to vector<16xf32>
      %add3A_1669 = arith.addf %mul3A_1666, %add3A_1668 : vector<16xf32>
      %mul3A_1670 = arith.mulf %add3A_1669, %sub3A_1663 : vector<16xf32>
      %add3A_1671 = arith.constant 0.408718944 : f32
      %add3A_1672 = vector.broadcast %add3A_1671 : f32 to vector<16xf32>
      %add3A_1673 = arith.addf %mul3A_1670, %add3A_1672 : vector<16xf32>
      %mul3A_1674 = arith.mulf %add3A_1673, %sub3A_1663 : vector<16xf32>
      %add3A_1675 = arith.constant -0.705702602 : f32
      %add3A_1676 = vector.broadcast %add3A_1675 : f32 to vector<16xf32>
      %add3A_1677 = arith.addf %mul3A_1674, %add3A_1676 : vector<16xf32>
      %mul3A_1678 = arith.mulf %add3A_1677, %sub3A_1663 : vector<16xf32>
      %add3A_1679 = arith.constant 1.44126713 : f32
      %add3A_1680 = vector.broadcast %add3A_1679 : f32 to vector<16xf32>
      %add3A_1681 = arith.addf %mul3A_1678, %add3A_1680 : vector<16xf32>
      %mul3A_1682 = arith.mulf %add3A_1681, %sub3A_1663 : vector<16xf32>
      %add3A_1683 = arith.constant 3.19308565E-5 : f32
      %add3A_1684 = vector.broadcast %add3A_1683 : f32 to vector<16xf32>
      %add3A_1685 = arith.addf %mul3A_1682, %add3A_1684 : vector<16xf32>
      %convert_element_type3A_1686 = arith.sitofp %sub3A_1653 : vector<16xi32> to vector<16xf32>
      %add3A_1687 = arith.addf %convert_element_type3A_1686, %add3A_1685 : vector<16xf32>
      %add3A_1688 = arith.addf %add3A_1612, %add3A_1687 : vector<16xf32>
      %broadcast_in_dim3A_1689 = arith.constant 22 : i32
      %broadcast_in_dim3A_1690 = vector.broadcast %broadcast_in_dim3A_1689 : i32 to vector<16xi32>
      %gather3A_1691 = tpu.vector_load_idx %arg5[%add3A_23, %broadcast_in_dim3A_1690] : memref<128x28xf32, #tpu.memory_space<vmem>>[vector<16xi32>, vector<16xi32>], vector<16xf32>,
      %gather3A_1692 = tpu.vector_load_idx %arg6[%add3A_23, %broadcast_in_dim3A_1690] : memref<128x28xi32, #tpu.memory_space<vmem>>[vector<16xi32>, vector<16xi32>], vector<16xi32>,
      %eq3A_1693 = arith.constant 0 : i32
      %eq3A_1694 = vector.broadcast %eq3A_1693 : i32 to vector<16xi32>
      %eq3A_1695 = arith.cmpi eq, %gather3A_1692, %eq3A_1694 : vector<16xi32>
      %neg3A_1696 = arith.constant 0.000000e+00 : f32
      %neg3A_1697 = vector.broadcast %neg3A_1696 : f32 to vector<16xf32>
      %neg3A_1698 = arith.subf %neg3A_1697, %gather3A_1691 : vector<16xf32>
      %exp3A_1699 = math.exp %neg3A_1698 : vector<16xf32>
      %add3A_1700 = arith.constant 1.000000e+00 : f32
      %add3A_1701 = vector.broadcast %add3A_1700 : f32 to vector<16xf32>
      %add3A_1702 = arith.addf %add3A_1701, %exp3A_1699 : vector<16xf32>
      %div3A_1703 = arith.constant 1.000000e+00 : f32
      %div3A_1704 = vector.broadcast %div3A_1703 : f32 to vector<16xf32>
      %div3A_1705 = arith.divf %div3A_1704, %add3A_1702 : vector<16xf32>
      %exp3A_1706 = math.exp %div3A_1705 : vector<16xf32>
      %jit3A_1707 = arith.constant 0.000000e+00 : f32
      %broadcast_in_dim3A_1708 = vector.broadcast %jit3A_1707 : f32 to vector<16xf32>
      %select_n3A_1709 = arith.select %eq3A_1695, %exp3A_1706, %broadcast_in_dim3A_1708 : vector<16xi1>, vector<16xf32>
      %add3A_1710 = arith.addf %add3A_1634, %select_n3A_1709 : vector<16xf32>
      %div3A_1711 = arith.constant 1.000000e+00 : f32
      %div3A_1712 = vector.broadcast %div3A_1711 : f32 to vector<16xf32>
      %div3A_1713 = arith.divf %div3A_1712, %exp3A_1706 : vector<16xf32>
      %jit3A_1714 = arith.constant 0.000000e+00 : f32
      %broadcast_in_dim3A_1715 = vector.broadcast %jit3A_1714 : f32 to vector<16xf32>
      %select_n3A_1716 = arith.select %eq3A_1695, %broadcast_in_dim3A_1715, %div3A_1713 : vector<16xi1>, vector<16xf32>
      %add3A_1717 = arith.addf %add3A_1641, %select_n3A_1716 : vector<16xf32>
      %add3A_1718 = arith.addi %add3A_1642, %gather3A_1692 : vector<16xi32>
      %jit3A_1719 = arith.constant 0.000000e+00 : f32
      %broadcast_in_dim3A_1720 = vector.broadcast %jit3A_1719 : f32 to vector<16xf32>
      %select_n3A_1721 = arith.select %eq3A_1695, %gather3A_1691, %broadcast_in_dim3A_1720 : vector<16xi1>, vector<16xf32>
      %add3A_1722 = arith.addf %add3A_1646, %select_n3A_1721 : vector<16xf32>
      %bitcast3A_1723 = vector.bitcast %add3A_1702 : vector<16xf32> to vector<16xi32>
      %shift_right_logical3A_1724 = arith.constant 23 : i32
      %shift_right_logical3A_1725 = vector.broadcast %shift_right_logical3A_1724 : i32 to vector<16xi32>
      %shift_right_logical3A_1726 = arith.shrui %bitcast3A_1723, %shift_right_logical3A_1725 : vector<16xi32>
      %sub3A_1727 = arith.constant 127 : i32
      %sub3A_1728 = vector.broadcast %sub3A_1727 : i32 to vector<16xi32>
      %sub3A_1729 = arith.subi %shift_right_logical3A_1726, %sub3A_1728 : vector<16xi32>
      %and3A_1730 = arith.constant 8388607 : i32
      %and3A_1731 = vector.broadcast %and3A_1730 : i32 to vector<16xi32>
      %and3A_1732 = arith.andi %bitcast3A_1723, %and3A_1731 : vector<16xi32>
      %or3A_1733 = arith.constant 1065353216 : i32
      %or3A_1734 = vector.broadcast %or3A_1733 : i32 to vector<16xi32>
      %or3A_1735 = arith.ori %and3A_1732, %or3A_1734 : vector<16xi32>
      %bitcast3A_1736 = vector.bitcast %or3A_1735 : vector<16xi32> to vector<16xf32>
      %sub3A_1737 = arith.constant 1.000000e+00 : f32
      %sub3A_1738 = vector.broadcast %sub3A_1737 : f32 to vector<16xf32>
      %sub3A_1739 = arith.subf %bitcast3A_1736, %sub3A_1738 : vector<16xf32>
      %broadcast_in_dim3A_1740 = arith.constant 0.0434283651 : f32
      %broadcast_in_dim3A_1741 = vector.broadcast %broadcast_in_dim3A_1740 : f32 to vector<16xf32>
      %mul3A_1742 = arith.mulf %broadcast_in_dim3A_1741, %sub3A_1739 : vector<16xf32>
      %add3A_1743 = arith.constant -0.187720492 : f32
      %add3A_1744 = vector.broadcast %add3A_1743 : f32 to vector<16xf32>
      %add3A_1745 = arith.addf %mul3A_1742, %add3A_1744 : vector<16xf32>
      %mul3A_1746 = arith.mulf %add3A_1745, %sub3A_1739 : vector<16xf32>
      %add3A_1747 = arith.constant 0.408718944 : f32
      %add3A_1748 = vector.broadcast %add3A_1747 : f32 to vector<16xf32>
      %add3A_1749 = arith.addf %mul3A_1746, %add3A_1748 : vector<16xf32>
      %mul3A_1750 = arith.mulf %add3A_1749, %sub3A_1739 : vector<16xf32>
      %add3A_1751 = arith.constant -0.705702602 : f32
      %add3A_1752 = vector.broadcast %add3A_1751 : f32 to vector<16xf32>
      %add3A_1753 = arith.addf %mul3A_1750, %add3A_1752 : vector<16xf32>
      %mul3A_1754 = arith.mulf %add3A_1753, %sub3A_1739 : vector<16xf32>
      %add3A_1755 = arith.constant 1.44126713 : f32
      %add3A_1756 = vector.broadcast %add3A_1755 : f32 to vector<16xf32>
      %add3A_1757 = arith.addf %mul3A_1754, %add3A_1756 : vector<16xf32>
      %mul3A_1758 = arith.mulf %add3A_1757, %sub3A_1739 : vector<16xf32>
      %add3A_1759 = arith.constant 3.19308565E-5 : f32
      %add3A_1760 = vector.broadcast %add3A_1759 : f32 to vector<16xf32>
      %add3A_1761 = arith.addf %mul3A_1758, %add3A_1760 : vector<16xf32>
      %convert_element_type3A_1762 = arith.sitofp %sub3A_1729 : vector<16xi32> to vector<16xf32>
      %add3A_1763 = arith.addf %convert_element_type3A_1762, %add3A_1761 : vector<16xf32>
      %add3A_1764 = arith.addf %add3A_1688, %add3A_1763 : vector<16xf32>
      %broadcast_in_dim3A_1765 = arith.constant 23 : i32
      %broadcast_in_dim3A_1766 = vector.broadcast %broadcast_in_dim3A_1765 : i32 to vector<16xi32>
      %gather3A_1767 = tpu.vector_load_idx %arg5[%add3A_23, %broadcast_in_dim3A_1766] : memref<128x28xf32, #tpu.memory_space<vmem>>[vector<16xi32>, vector<16xi32>], vector<16xf32>,
      %gather3A_1768 = tpu.vector_load_idx %arg6[%add3A_23, %broadcast_in_dim3A_1766] : memref<128x28xi32, #tpu.memory_space<vmem>>[vector<16xi32>, vector<16xi32>], vector<16xi32>,
      %eq3A_1769 = arith.constant 0 : i32
      %eq3A_1770 = vector.broadcast %eq3A_1769 : i32 to vector<16xi32>
      %eq3A_1771 = arith.cmpi eq, %gather3A_1768, %eq3A_1770 : vector<16xi32>
      %neg3A_1772 = arith.constant 0.000000e+00 : f32
      %neg3A_1773 = vector.broadcast %neg3A_1772 : f32 to vector<16xf32>
      %neg3A_1774 = arith.subf %neg3A_1773, %gather3A_1767 : vector<16xf32>
      %exp3A_1775 = math.exp %neg3A_1774 : vector<16xf32>
      %add3A_1776 = arith.constant 1.000000e+00 : f32
      %add3A_1777 = vector.broadcast %add3A_1776 : f32 to vector<16xf32>
      %add3A_1778 = arith.addf %add3A_1777, %exp3A_1775 : vector<16xf32>
      %div3A_1779 = arith.constant 1.000000e+00 : f32
      %div3A_1780 = vector.broadcast %div3A_1779 : f32 to vector<16xf32>
      %div3A_1781 = arith.divf %div3A_1780, %add3A_1778 : vector<16xf32>
      %exp3A_1782 = math.exp %div3A_1781 : vector<16xf32>
      %jit3A_1783 = arith.constant 0.000000e+00 : f32
      %broadcast_in_dim3A_1784 = vector.broadcast %jit3A_1783 : f32 to vector<16xf32>
      %select_n3A_1785 = arith.select %eq3A_1771, %exp3A_1782, %broadcast_in_dim3A_1784 : vector<16xi1>, vector<16xf32>
      %add3A_1786 = arith.addf %add3A_1710, %select_n3A_1785 : vector<16xf32>
      %div3A_1787 = arith.constant 1.000000e+00 : f32
      %div3A_1788 = vector.broadcast %div3A_1787 : f32 to vector<16xf32>
      %div3A_1789 = arith.divf %div3A_1788, %exp3A_1782 : vector<16xf32>
      %jit3A_1790 = arith.constant 0.000000e+00 : f32
      %broadcast_in_dim3A_1791 = vector.broadcast %jit3A_1790 : f32 to vector<16xf32>
      %select_n3A_1792 = arith.select %eq3A_1771, %broadcast_in_dim3A_1791, %div3A_1789 : vector<16xi1>, vector<16xf32>
      %add3A_1793 = arith.addf %add3A_1717, %select_n3A_1792 : vector<16xf32>
      %add3A_1794 = arith.addi %add3A_1718, %gather3A_1768 : vector<16xi32>
      %jit3A_1795 = arith.constant 0.000000e+00 : f32
      %broadcast_in_dim3A_1796 = vector.broadcast %jit3A_1795 : f32 to vector<16xf32>
      %select_n3A_1797 = arith.select %eq3A_1771, %gather3A_1767, %broadcast_in_dim3A_1796 : vector<16xi1>, vector<16xf32>
      %add3A_1798 = arith.addf %add3A_1722, %select_n3A_1797 : vector<16xf32>
      %bitcast3A_1799 = vector.bitcast %add3A_1778 : vector<16xf32> to vector<16xi32>
      %shift_right_logical3A_1800 = arith.constant 23 : i32
      %shift_right_logical3A_1801 = vector.broadcast %shift_right_logical3A_1800 : i32 to vector<16xi32>
      %shift_right_logical3A_1802 = arith.shrui %bitcast3A_1799, %shift_right_logical3A_1801 : vector<16xi32>
      %sub3A_1803 = arith.constant 127 : i32
      %sub3A_1804 = vector.broadcast %sub3A_1803 : i32 to vector<16xi32>
      %sub3A_1805 = arith.subi %shift_right_logical3A_1802, %sub3A_1804 : vector<16xi32>
      %and3A_1806 = arith.constant 8388607 : i32
      %and3A_1807 = vector.broadcast %and3A_1806 : i32 to vector<16xi32>
      %and3A_1808 = arith.andi %bitcast3A_1799, %and3A_1807 : vector<16xi32>
      %or3A_1809 = arith.constant 1065353216 : i32
      %or3A_1810 = vector.broadcast %or3A_1809 : i32 to vector<16xi32>
      %or3A_1811 = arith.ori %and3A_1808, %or3A_1810 : vector<16xi32>
      %bitcast3A_1812 = vector.bitcast %or3A_1811 : vector<16xi32> to vector<16xf32>
      %sub3A_1813 = arith.constant 1.000000e+00 : f32
      %sub3A_1814 = vector.broadcast %sub3A_1813 : f32 to vector<16xf32>
      %sub3A_1815 = arith.subf %bitcast3A_1812, %sub3A_1814 : vector<16xf32>
      %broadcast_in_dim3A_1816 = arith.constant 0.0434283651 : f32
      %broadcast_in_dim3A_1817 = vector.broadcast %broadcast_in_dim3A_1816 : f32 to vector<16xf32>
      %mul3A_1818 = arith.mulf %broadcast_in_dim3A_1817, %sub3A_1815 : vector<16xf32>
      %add3A_1819 = arith.constant -0.187720492 : f32
      %add3A_1820 = vector.broadcast %add3A_1819 : f32 to vector<16xf32>
      %add3A_1821 = arith.addf %mul3A_1818, %add3A_1820 : vector<16xf32>
      %mul3A_1822 = arith.mulf %add3A_1821, %sub3A_1815 : vector<16xf32>
      %add3A_1823 = arith.constant 0.408718944 : f32
      %add3A_1824 = vector.broadcast %add3A_1823 : f32 to vector<16xf32>
      %add3A_1825 = arith.addf %mul3A_1822, %add3A_1824 : vector<16xf32>
      %mul3A_1826 = arith.mulf %add3A_1825, %sub3A_1815 : vector<16xf32>
      %add3A_1827 = arith.constant -0.705702602 : f32
      %add3A_1828 = vector.broadcast %add3A_1827 : f32 to vector<16xf32>
      %add3A_1829 = arith.addf %mul3A_1826, %add3A_1828 : vector<16xf32>
      %mul3A_1830 = arith.mulf %add3A_1829, %sub3A_1815 : vector<16xf32>
      %add3A_1831 = arith.constant 1.44126713 : f32
      %add3A_1832 = vector.broadcast %add3A_1831 : f32 to vector<16xf32>
      %add3A_1833 = arith.addf %mul3A_1830, %add3A_1832 : vector<16xf32>
      %mul3A_1834 = arith.mulf %add3A_1833, %sub3A_1815 : vector<16xf32>
      %add3A_1835 = arith.constant 3.19308565E-5 : f32
      %add3A_1836 = vector.broadcast %add3A_1835 : f32 to vector<16xf32>
      %add3A_1837 = arith.addf %mul3A_1834, %add3A_1836 : vector<16xf32>
      %convert_element_type3A_1838 = arith.sitofp %sub3A_1805 : vector<16xi32> to vector<16xf32>
      %add3A_1839 = arith.addf %convert_element_type3A_1838, %add3A_1837 : vector<16xf32>
      %add3A_1840 = arith.addf %add3A_1764, %add3A_1839 : vector<16xf32>
      %broadcast_in_dim3A_1841 = arith.constant 24 : i32
      %broadcast_in_dim3A_1842 = vector.broadcast %broadcast_in_dim3A_1841 : i32 to vector<16xi32>
      %gather3A_1843 = tpu.vector_load_idx %arg5[%add3A_23, %broadcast_in_dim3A_1842] : memref<128x28xf32, #tpu.memory_space<vmem>>[vector<16xi32>, vector<16xi32>], vector<16xf32>,
      %gather3A_1844 = tpu.vector_load_idx %arg6[%add3A_23, %broadcast_in_dim3A_1842] : memref<128x28xi32, #tpu.memory_space<vmem>>[vector<16xi32>, vector<16xi32>], vector<16xi32>,
      %eq3A_1845 = arith.constant 0 : i32
      %eq3A_1846 = vector.broadcast %eq3A_1845 : i32 to vector<16xi32>
      %eq3A_1847 = arith.cmpi eq, %gather3A_1844, %eq3A_1846 : vector<16xi32>
      %neg3A_1848 = arith.constant 0.000000e+00 : f32
      %neg3A_1849 = vector.broadcast %neg3A_1848 : f32 to vector<16xf32>
      %neg3A_1850 = arith.subf %neg3A_1849, %gather3A_1843 : vector<16xf32>
      %exp3A_1851 = math.exp %neg3A_1850 : vector<16xf32>
      %add3A_1852 = arith.constant 1.000000e+00 : f32
      %add3A_1853 = vector.broadcast %add3A_1852 : f32 to vector<16xf32>
      %add3A_1854 = arith.addf %add3A_1853, %exp3A_1851 : vector<16xf32>
      %div3A_1855 = arith.constant 1.000000e+00 : f32
      %div3A_1856 = vector.broadcast %div3A_1855 : f32 to vector<16xf32>
      %div3A_1857 = arith.divf %div3A_1856, %add3A_1854 : vector<16xf32>
      %exp3A_1858 = math.exp %div3A_1857 : vector<16xf32>
      %jit3A_1859 = arith.constant 0.000000e+00 : f32
      %broadcast_in_dim3A_1860 = vector.broadcast %jit3A_1859 : f32 to vector<16xf32>
      %select_n3A_1861 = arith.select %eq3A_1847, %exp3A_1858, %broadcast_in_dim3A_1860 : vector<16xi1>, vector<16xf32>
      %add3A_1862 = arith.addf %add3A_1786, %select_n3A_1861 : vector<16xf32>
      %div3A_1863 = arith.constant 1.000000e+00 : f32
      %div3A_1864 = vector.broadcast %div3A_1863 : f32 to vector<16xf32>
      %div3A_1865 = arith.divf %div3A_1864, %exp3A_1858 : vector<16xf32>
      %jit3A_1866 = arith.constant 0.000000e+00 : f32
      %broadcast_in_dim3A_1867 = vector.broadcast %jit3A_1866 : f32 to vector<16xf32>
      %select_n3A_1868 = arith.select %eq3A_1847, %broadcast_in_dim3A_1867, %div3A_1865 : vector<16xi1>, vector<16xf32>
      %add3A_1869 = arith.addf %add3A_1793, %select_n3A_1868 : vector<16xf32>
      %add3A_1870 = arith.addi %add3A_1794, %gather3A_1844 : vector<16xi32>
      %jit3A_1871 = arith.constant 0.000000e+00 : f32
      %broadcast_in_dim3A_1872 = vector.broadcast %jit3A_1871 : f32 to vector<16xf32>
      %select_n3A_1873 = arith.select %eq3A_1847, %gather3A_1843, %broadcast_in_dim3A_1872 : vector<16xi1>, vector<16xf32>
      %add3A_1874 = arith.addf %add3A_1798, %select_n3A_1873 : vector<16xf32>
      %bitcast3A_1875 = vector.bitcast %add3A_1854 : vector<16xf32> to vector<16xi32>
      %shift_right_logical3A_1876 = arith.constant 23 : i32
      %shift_right_logical3A_1877 = vector.broadcast %shift_right_logical3A_1876 : i32 to vector<16xi32>
      %shift_right_logical3A_1878 = arith.shrui %bitcast3A_1875, %shift_right_logical3A_1877 : vector<16xi32>
      %sub3A_1879 = arith.constant 127 : i32
      %sub3A_1880 = vector.broadcast %sub3A_1879 : i32 to vector<16xi32>
      %sub3A_1881 = arith.subi %shift_right_logical3A_1878, %sub3A_1880 : vector<16xi32>
      %and3A_1882 = arith.constant 8388607 : i32
      %and3A_1883 = vector.broadcast %and3A_1882 : i32 to vector<16xi32>
      %and3A_1884 = arith.andi %bitcast3A_1875, %and3A_1883 : vector<16xi32>
      %or3A_1885 = arith.constant 1065353216 : i32
      %or3A_1886 = vector.broadcast %or3A_1885 : i32 to vector<16xi32>
      %or3A_1887 = arith.ori %and3A_1884, %or3A_1886 : vector<16xi32>
      %bitcast3A_1888 = vector.bitcast %or3A_1887 : vector<16xi32> to vector<16xf32>
      %sub3A_1889 = arith.constant 1.000000e+00 : f32
      %sub3A_1890 = vector.broadcast %sub3A_1889 : f32 to vector<16xf32>
      %sub3A_1891 = arith.subf %bitcast3A_1888, %sub3A_1890 : vector<16xf32>
      %broadcast_in_dim3A_1892 = arith.constant 0.0434283651 : f32
      %broadcast_in_dim3A_1893 = vector.broadcast %broadcast_in_dim3A_1892 : f32 to vector<16xf32>
      %mul3A_1894 = arith.mulf %broadcast_in_dim3A_1893, %sub3A_1891 : vector<16xf32>
      %add3A_1895 = arith.constant -0.187720492 : f32
      %add3A_1896 = vector.broadcast %add3A_1895 : f32 to vector<16xf32>
      %add3A_1897 = arith.addf %mul3A_1894, %add3A_1896 : vector<16xf32>
      %mul3A_1898 = arith.mulf %add3A_1897, %sub3A_1891 : vector<16xf32>
      %add3A_1899 = arith.constant 0.408718944 : f32
      %add3A_1900 = vector.broadcast %add3A_1899 : f32 to vector<16xf32>
      %add3A_1901 = arith.addf %mul3A_1898, %add3A_1900 : vector<16xf32>
      %mul3A_1902 = arith.mulf %add3A_1901, %sub3A_1891 : vector<16xf32>
      %add3A_1903 = arith.constant -0.705702602 : f32
      %add3A_1904 = vector.broadcast %add3A_1903 : f32 to vector<16xf32>
      %add3A_1905 = arith.addf %mul3A_1902, %add3A_1904 : vector<16xf32>
      %mul3A_1906 = arith.mulf %add3A_1905, %sub3A_1891 : vector<16xf32>
      %add3A_1907 = arith.constant 1.44126713 : f32
      %add3A_1908 = vector.broadcast %add3A_1907 : f32 to vector<16xf32>
      %add3A_1909 = arith.addf %mul3A_1906, %add3A_1908 : vector<16xf32>
      %mul3A_1910 = arith.mulf %add3A_1909, %sub3A_1891 : vector<16xf32>
      %add3A_1911 = arith.constant 3.19308565E-5 : f32
      %add3A_1912 = vector.broadcast %add3A_1911 : f32 to vector<16xf32>
      %add3A_1913 = arith.addf %mul3A_1910, %add3A_1912 : vector<16xf32>
      %convert_element_type3A_1914 = arith.sitofp %sub3A_1881 : vector<16xi32> to vector<16xf32>
      %add3A_1915 = arith.addf %convert_element_type3A_1914, %add3A_1913 : vector<16xf32>
      %add3A_1916 = arith.addf %add3A_1840, %add3A_1915 : vector<16xf32>
      %broadcast_in_dim3A_1917 = arith.constant 25 : i32
      %broadcast_in_dim3A_1918 = vector.broadcast %broadcast_in_dim3A_1917 : i32 to vector<16xi32>
      %gather3A_1919 = tpu.vector_load_idx %arg5[%add3A_23, %broadcast_in_dim3A_1918] : memref<128x28xf32, #tpu.memory_space<vmem>>[vector<16xi32>, vector<16xi32>], vector<16xf32>,
      %gather3A_1920 = tpu.vector_load_idx %arg6[%add3A_23, %broadcast_in_dim3A_1918] : memref<128x28xi32, #tpu.memory_space<vmem>>[vector<16xi32>, vector<16xi32>], vector<16xi32>,
      %eq3A_1921 = arith.constant 0 : i32
      %eq3A_1922 = vector.broadcast %eq3A_1921 : i32 to vector<16xi32>
      %eq3A_1923 = arith.cmpi eq, %gather3A_1920, %eq3A_1922 : vector<16xi32>
      %neg3A_1924 = arith.constant 0.000000e+00 : f32
      %neg3A_1925 = vector.broadcast %neg3A_1924 : f32 to vector<16xf32>
      %neg3A_1926 = arith.subf %neg3A_1925, %gather3A_1919 : vector<16xf32>
      %exp3A_1927 = math.exp %neg3A_1926 : vector<16xf32>
      %add3A_1928 = arith.constant 1.000000e+00 : f32
      %add3A_1929 = vector.broadcast %add3A_1928 : f32 to vector<16xf32>
      %add3A_1930 = arith.addf %add3A_1929, %exp3A_1927 : vector<16xf32>
      %div3A_1931 = arith.constant 1.000000e+00 : f32
      %div3A_1932 = vector.broadcast %div3A_1931 : f32 to vector<16xf32>
      %div3A_1933 = arith.divf %div3A_1932, %add3A_1930 : vector<16xf32>
      %exp3A_1934 = math.exp %div3A_1933 : vector<16xf32>
      %jit3A_1935 = arith.constant 0.000000e+00 : f32
      %broadcast_in_dim3A_1936 = vector.broadcast %jit3A_1935 : f32 to vector<16xf32>
      %select_n3A_1937 = arith.select %eq3A_1923, %exp3A_1934, %broadcast_in_dim3A_1936 : vector<16xi1>, vector<16xf32>
      %add3A_1938 = arith.addf %add3A_1862, %select_n3A_1937 : vector<16xf32>
      %div3A_1939 = arith.constant 1.000000e+00 : f32
      %div3A_1940 = vector.broadcast %div3A_1939 : f32 to vector<16xf32>
      %div3A_1941 = arith.divf %div3A_1940, %exp3A_1934 : vector<16xf32>
      %jit3A_1942 = arith.constant 0.000000e+00 : f32
      %broadcast_in_dim3A_1943 = vector.broadcast %jit3A_1942 : f32 to vector<16xf32>
      %select_n3A_1944 = arith.select %eq3A_1923, %broadcast_in_dim3A_1943, %div3A_1941 : vector<16xi1>, vector<16xf32>
      %add3A_1945 = arith.addf %add3A_1869, %select_n3A_1944 : vector<16xf32>
      %add3A_1946 = arith.addi %add3A_1870, %gather3A_1920 : vector<16xi32>
      %jit3A_1947 = arith.constant 0.000000e+00 : f32
      %broadcast_in_dim3A_1948 = vector.broadcast %jit3A_1947 : f32 to vector<16xf32>
      %select_n3A_1949 = arith.select %eq3A_1923, %gather3A_1919, %broadcast_in_dim3A_1948 : vector<16xi1>, vector<16xf32>
      %add3A_1950 = arith.addf %add3A_1874, %select_n3A_1949 : vector<16xf32>
      %bitcast3A_1951 = vector.bitcast %add3A_1930 : vector<16xf32> to vector<16xi32>
      %shift_right_logical3A_1952 = arith.constant 23 : i32
      %shift_right_logical3A_1953 = vector.broadcast %shift_right_logical3A_1952 : i32 to vector<16xi32>
      %shift_right_logical3A_1954 = arith.shrui %bitcast3A_1951, %shift_right_logical3A_1953 : vector<16xi32>
      %sub3A_1955 = arith.constant 127 : i32
      %sub3A_1956 = vector.broadcast %sub3A_1955 : i32 to vector<16xi32>
      %sub3A_1957 = arith.subi %shift_right_logical3A_1954, %sub3A_1956 : vector<16xi32>
      %and3A_1958 = arith.constant 8388607 : i32
      %and3A_1959 = vector.broadcast %and3A_1958 : i32 to vector<16xi32>
      %and3A_1960 = arith.andi %bitcast3A_1951, %and3A_1959 : vector<16xi32>
      %or3A_1961 = arith.constant 1065353216 : i32
      %or3A_1962 = vector.broadcast %or3A_1961 : i32 to vector<16xi32>
      %or3A_1963 = arith.ori %and3A_1960, %or3A_1962 : vector<16xi32>
      %bitcast3A_1964 = vector.bitcast %or3A_1963 : vector<16xi32> to vector<16xf32>
      %sub3A_1965 = arith.constant 1.000000e+00 : f32
      %sub3A_1966 = vector.broadcast %sub3A_1965 : f32 to vector<16xf32>
      %sub3A_1967 = arith.subf %bitcast3A_1964, %sub3A_1966 : vector<16xf32>
      %broadcast_in_dim3A_1968 = arith.constant 0.0434283651 : f32
      %broadcast_in_dim3A_1969 = vector.broadcast %broadcast_in_dim3A_1968 : f32 to vector<16xf32>
      %mul3A_1970 = arith.mulf %broadcast_in_dim3A_1969, %sub3A_1967 : vector<16xf32>
      %add3A_1971 = arith.constant -0.187720492 : f32
      %add3A_1972 = vector.broadcast %add3A_1971 : f32 to vector<16xf32>
      %add3A_1973 = arith.addf %mul3A_1970, %add3A_1972 : vector<16xf32>
      %mul3A_1974 = arith.mulf %add3A_1973, %sub3A_1967 : vector<16xf32>
      %add3A_1975 = arith.constant 0.408718944 : f32
      %add3A_1976 = vector.broadcast %add3A_1975 : f32 to vector<16xf32>
      %add3A_1977 = arith.addf %mul3A_1974, %add3A_1976 : vector<16xf32>
      %mul3A_1978 = arith.mulf %add3A_1977, %sub3A_1967 : vector<16xf32>
      %add3A_1979 = arith.constant -0.705702602 : f32
      %add3A_1980 = vector.broadcast %add3A_1979 : f32 to vector<16xf32>
      %add3A_1981 = arith.addf %mul3A_1978, %add3A_1980 : vector<16xf32>
      %mul3A_1982 = arith.mulf %add3A_1981, %sub3A_1967 : vector<16xf32>
      %add3A_1983 = arith.constant 1.44126713 : f32
      %add3A_1984 = vector.broadcast %add3A_1983 : f32 to vector<16xf32>
      %add3A_1985 = arith.addf %mul3A_1982, %add3A_1984 : vector<16xf32>
      %mul3A_1986 = arith.mulf %add3A_1985, %sub3A_1967 : vector<16xf32>
      %add3A_1987 = arith.constant 3.19308565E-5 : f32
      %add3A_1988 = vector.broadcast %add3A_1987 : f32 to vector<16xf32>
      %add3A_1989 = arith.addf %mul3A_1986, %add3A_1988 : vector<16xf32>
      %convert_element_type3A_1990 = arith.sitofp %sub3A_1957 : vector<16xi32> to vector<16xf32>
      %add3A_1991 = arith.addf %convert_element_type3A_1990, %add3A_1989 : vector<16xf32>
      %add3A_1992 = arith.addf %add3A_1916, %add3A_1991 : vector<16xf32>
      %broadcast_in_dim3A_1993 = arith.constant 26 : i32
      %broadcast_in_dim3A_1994 = vector.broadcast %broadcast_in_dim3A_1993 : i32 to vector<16xi32>
      %gather3A_1995 = tpu.vector_load_idx %arg5[%add3A_23, %broadcast_in_dim3A_1994] : memref<128x28xf32, #tpu.memory_space<vmem>>[vector<16xi32>, vector<16xi32>], vector<16xf32>,
      %gather3A_1996 = tpu.vector_load_idx %arg6[%add3A_23, %broadcast_in_dim3A_1994] : memref<128x28xi32, #tpu.memory_space<vmem>>[vector<16xi32>, vector<16xi32>], vector<16xi32>,
      %eq3A_1997 = arith.constant 0 : i32
      %eq3A_1998 = vector.broadcast %eq3A_1997 : i32 to vector<16xi32>
      %eq3A_1999 = arith.cmpi eq, %gather3A_1996, %eq3A_1998 : vector<16xi32>
      %neg3A_2000 = arith.constant 0.000000e+00 : f32
      %neg3A_2001 = vector.broadcast %neg3A_2000 : f32 to vector<16xf32>
      %neg3A_2002 = arith.subf %neg3A_2001, %gather3A_1995 : vector<16xf32>
      %exp3A_2003 = math.exp %neg3A_2002 : vector<16xf32>
      %add3A_2004 = arith.constant 1.000000e+00 : f32
      %add3A_2005 = vector.broadcast %add3A_2004 : f32 to vector<16xf32>
      %add3A_2006 = arith.addf %add3A_2005, %exp3A_2003 : vector<16xf32>
      %div3A_2007 = arith.constant 1.000000e+00 : f32
      %div3A_2008 = vector.broadcast %div3A_2007 : f32 to vector<16xf32>
      %div3A_2009 = arith.divf %div3A_2008, %add3A_2006 : vector<16xf32>
      %exp3A_2010 = math.exp %div3A_2009 : vector<16xf32>
      %jit3A_2011 = arith.constant 0.000000e+00 : f32
      %broadcast_in_dim3A_2012 = vector.broadcast %jit3A_2011 : f32 to vector<16xf32>
      %select_n3A_2013 = arith.select %eq3A_1999, %exp3A_2010, %broadcast_in_dim3A_2012 : vector<16xi1>, vector<16xf32>
      %add3A_2014 = arith.addf %add3A_1938, %select_n3A_2013 : vector<16xf32>
      %div3A_2015 = arith.constant 1.000000e+00 : f32
      %div3A_2016 = vector.broadcast %div3A_2015 : f32 to vector<16xf32>
      %div3A_2017 = arith.divf %div3A_2016, %exp3A_2010 : vector<16xf32>
      %jit3A_2018 = arith.constant 0.000000e+00 : f32
      %broadcast_in_dim3A_2019 = vector.broadcast %jit3A_2018 : f32 to vector<16xf32>
      %select_n3A_2020 = arith.select %eq3A_1999, %broadcast_in_dim3A_2019, %div3A_2017 : vector<16xi1>, vector<16xf32>
      %add3A_2021 = arith.addf %add3A_1945, %select_n3A_2020 : vector<16xf32>
      %add3A_2022 = arith.addi %add3A_1946, %gather3A_1996 : vector<16xi32>
      %jit3A_2023 = arith.constant 0.000000e+00 : f32
      %broadcast_in_dim3A_2024 = vector.broadcast %jit3A_2023 : f32 to vector<16xf32>
      %select_n3A_2025 = arith.select %eq3A_1999, %gather3A_1995, %broadcast_in_dim3A_2024 : vector<16xi1>, vector<16xf32>
      %add3A_2026 = arith.addf %add3A_1950, %select_n3A_2025 : vector<16xf32>
      %bitcast3A_2027 = vector.bitcast %add3A_2006 : vector<16xf32> to vector<16xi32>
      %shift_right_logical3A_2028 = arith.constant 23 : i32
      %shift_right_logical3A_2029 = vector.broadcast %shift_right_logical3A_2028 : i32 to vector<16xi32>
      %shift_right_logical3A_2030 = arith.shrui %bitcast3A_2027, %shift_right_logical3A_2029 : vector<16xi32>
      %sub3A_2031 = arith.constant 127 : i32
      %sub3A_2032 = vector.broadcast %sub3A_2031 : i32 to vector<16xi32>
      %sub3A_2033 = arith.subi %shift_right_logical3A_2030, %sub3A_2032 : vector<16xi32>
      %and3A_2034 = arith.constant 8388607 : i32
      %and3A_2035 = vector.broadcast %and3A_2034 : i32 to vector<16xi32>
      %and3A_2036 = arith.andi %bitcast3A_2027, %and3A_2035 : vector<16xi32>
      %or3A_2037 = arith.constant 1065353216 : i32
      %or3A_2038 = vector.broadcast %or3A_2037 : i32 to vector<16xi32>
      %or3A_2039 = arith.ori %and3A_2036, %or3A_2038 : vector<16xi32>
      %bitcast3A_2040 = vector.bitcast %or3A_2039 : vector<16xi32> to vector<16xf32>
      %sub3A_2041 = arith.constant 1.000000e+00 : f32
      %sub3A_2042 = vector.broadcast %sub3A_2041 : f32 to vector<16xf32>
      %sub3A_2043 = arith.subf %bitcast3A_2040, %sub3A_2042 : vector<16xf32>
      %broadcast_in_dim3A_2044 = arith.constant 0.0434283651 : f32
      %broadcast_in_dim3A_2045 = vector.broadcast %broadcast_in_dim3A_2044 : f32 to vector<16xf32>
      %mul3A_2046 = arith.mulf %broadcast_in_dim3A_2045, %sub3A_2043 : vector<16xf32>
      %add3A_2047 = arith.constant -0.187720492 : f32
      %add3A_2048 = vector.broadcast %add3A_2047 : f32 to vector<16xf32>
      %add3A_2049 = arith.addf %mul3A_2046, %add3A_2048 : vector<16xf32>
      %mul3A_2050 = arith.mulf %add3A_2049, %sub3A_2043 : vector<16xf32>
      %add3A_2051 = arith.constant 0.408718944 : f32
      %add3A_2052 = vector.broadcast %add3A_2051 : f32 to vector<16xf32>
      %add3A_2053 = arith.addf %mul3A_2050, %add3A_2052 : vector<16xf32>
      %mul3A_2054 = arith.mulf %add3A_2053, %sub3A_2043 : vector<16xf32>
      %add3A_2055 = arith.constant -0.705702602 : f32
      %add3A_2056 = vector.broadcast %add3A_2055 : f32 to vector<16xf32>
      %add3A_2057 = arith.addf %mul3A_2054, %add3A_2056 : vector<16xf32>
      %mul3A_2058 = arith.mulf %add3A_2057, %sub3A_2043 : vector<16xf32>
      %add3A_2059 = arith.constant 1.44126713 : f32
      %add3A_2060 = vector.broadcast %add3A_2059 : f32 to vector<16xf32>
      %add3A_2061 = arith.addf %mul3A_2058, %add3A_2060 : vector<16xf32>
      %mul3A_2062 = arith.mulf %add3A_2061, %sub3A_2043 : vector<16xf32>
      %add3A_2063 = arith.constant 3.19308565E-5 : f32
      %add3A_2064 = vector.broadcast %add3A_2063 : f32 to vector<16xf32>
      %add3A_2065 = arith.addf %mul3A_2062, %add3A_2064 : vector<16xf32>
      %convert_element_type3A_2066 = arith.sitofp %sub3A_2033 : vector<16xi32> to vector<16xf32>
      %add3A_2067 = arith.addf %convert_element_type3A_2066, %add3A_2065 : vector<16xf32>
      %add3A_2068 = arith.addf %add3A_1992, %add3A_2067 : vector<16xf32>
      %broadcast_in_dim3A_2069 = arith.constant 27 : i32
      %broadcast_in_dim3A_2070 = vector.broadcast %broadcast_in_dim3A_2069 : i32 to vector<16xi32>
      %gather3A_2071 = tpu.vector_load_idx %arg5[%add3A_23, %broadcast_in_dim3A_2070] : memref<128x28xf32, #tpu.memory_space<vmem>>[vector<16xi32>, vector<16xi32>], vector<16xf32>,
      %gather3A_2072 = tpu.vector_load_idx %arg6[%add3A_23, %broadcast_in_dim3A_2070] : memref<128x28xi32, #tpu.memory_space<vmem>>[vector<16xi32>, vector<16xi32>], vector<16xi32>,
      %eq3A_2073 = arith.constant 0 : i32
      %eq3A_2074 = vector.broadcast %eq3A_2073 : i32 to vector<16xi32>
      %eq3A_2075 = arith.cmpi eq, %gather3A_2072, %eq3A_2074 : vector<16xi32>
      %neg3A_2076 = arith.constant 0.000000e+00 : f32
      %neg3A_2077 = vector.broadcast %neg3A_2076 : f32 to vector<16xf32>
      %neg3A_2078 = arith.subf %neg3A_2077, %gather3A_2071 : vector<16xf32>
      %exp3A_2079 = math.exp %neg3A_2078 : vector<16xf32>
      %add3A_2080 = arith.constant 1.000000e+00 : f32
      %add3A_2081 = vector.broadcast %add3A_2080 : f32 to vector<16xf32>
      %add3A_2082 = arith.addf %add3A_2081, %exp3A_2079 : vector<16xf32>
      %div3A_2083 = arith.constant 1.000000e+00 : f32
      %div3A_2084 = vector.broadcast %div3A_2083 : f32 to vector<16xf32>
      %div3A_2085 = arith.divf %div3A_2084, %add3A_2082 : vector<16xf32>
      %exp3A_2086 = math.exp %div3A_2085 : vector<16xf32>
      %jit3A_2087 = arith.constant 0.000000e+00 : f32
      %broadcast_in_dim3A_2088 = vector.broadcast %jit3A_2087 : f32 to vector<16xf32>
      %select_n3A_2089 = arith.select %eq3A_2075, %exp3A_2086, %broadcast_in_dim3A_2088 : vector<16xi1>, vector<16xf32>
      %add3A_2090 = arith.addf %add3A_2014, %select_n3A_2089 : vector<16xf32>
      %div3A_2091 = arith.constant 1.000000e+00 : f32
      %div3A_2092 = vector.broadcast %div3A_2091 : f32 to vector<16xf32>
      %div3A_2093 = arith.divf %div3A_2092, %exp3A_2086 : vector<16xf32>
      %jit3A_2094 = arith.constant 0.000000e+00 : f32
      %broadcast_in_dim3A_2095 = vector.broadcast %jit3A_2094 : f32 to vector<16xf32>
      %select_n3A_2096 = arith.select %eq3A_2075, %broadcast_in_dim3A_2095, %div3A_2093 : vector<16xi1>, vector<16xf32>
      %add3A_2097 = arith.addf %add3A_2021, %select_n3A_2096 : vector<16xf32>
      %add3A_2098 = arith.addi %add3A_2022, %gather3A_2072 : vector<16xi32>
      %jit3A_2099 = arith.constant 0.000000e+00 : f32
      %broadcast_in_dim3A_2100 = vector.broadcast %jit3A_2099 : f32 to vector<16xf32>
      %select_n3A_2101 = arith.select %eq3A_2075, %gather3A_2071, %broadcast_in_dim3A_2100 : vector<16xi1>, vector<16xf32>
      %add3A_2102 = arith.addf %add3A_2026, %select_n3A_2101 : vector<16xf32>
      %bitcast3A_2103 = vector.bitcast %add3A_2082 : vector<16xf32> to vector<16xi32>
      %shift_right_logical3A_2104 = arith.constant 23 : i32
      %shift_right_logical3A_2105 = vector.broadcast %shift_right_logical3A_2104 : i32 to vector<16xi32>
      %shift_right_logical3A_2106 = arith.shrui %bitcast3A_2103, %shift_right_logical3A_2105 : vector<16xi32>
      %sub3A_2107 = arith.constant 127 : i32
      %sub3A_2108 = vector.broadcast %sub3A_2107 : i32 to vector<16xi32>
      %sub3A_2109 = arith.subi %shift_right_logical3A_2106, %sub3A_2108 : vector<16xi32>
      %and3A_2110 = arith.constant 8388607 : i32
      %and3A_2111 = vector.broadcast %and3A_2110 : i32 to vector<16xi32>
      %and3A_2112 = arith.andi %bitcast3A_2103, %and3A_2111 : vector<16xi32>
      %or3A_2113 = arith.constant 1065353216 : i32
      %or3A_2114 = vector.broadcast %or3A_2113 : i32 to vector<16xi32>
      %or3A_2115 = arith.ori %and3A_2112, %or3A_2114 : vector<16xi32>
      %bitcast3A_2116 = vector.bitcast %or3A_2115 : vector<16xi32> to vector<16xf32>
      %sub3A_2117 = arith.constant 1.000000e+00 : f32
      %sub3A_2118 = vector.broadcast %sub3A_2117 : f32 to vector<16xf32>
      %sub3A_2119 = arith.subf %bitcast3A_2116, %sub3A_2118 : vector<16xf32>
      %broadcast_in_dim3A_2120 = arith.constant 0.0434283651 : f32
      %broadcast_in_dim3A_2121 = vector.broadcast %broadcast_in_dim3A_2120 : f32 to vector<16xf32>
      %mul3A_2122 = arith.mulf %broadcast_in_dim3A_2121, %sub3A_2119 : vector<16xf32>
      %add3A_2123 = arith.constant -0.187720492 : f32
      %add3A_2124 = vector.broadcast %add3A_2123 : f32 to vector<16xf32>
      %add3A_2125 = arith.addf %mul3A_2122, %add3A_2124 : vector<16xf32>
      %mul3A_2126 = arith.mulf %add3A_2125, %sub3A_2119 : vector<16xf32>
      %add3A_2127 = arith.constant 0.408718944 : f32
      %add3A_2128 = vector.broadcast %add3A_2127 : f32 to vector<16xf32>
      %add3A_2129 = arith.addf %mul3A_2126, %add3A_2128 : vector<16xf32>
      %mul3A_2130 = arith.mulf %add3A_2129, %sub3A_2119 : vector<16xf32>
      %add3A_2131 = arith.constant -0.705702602 : f32
      %add3A_2132 = vector.broadcast %add3A_2131 : f32 to vector<16xf32>
      %add3A_2133 = arith.addf %mul3A_2130, %add3A_2132 : vector<16xf32>
      %mul3A_2134 = arith.mulf %add3A_2133, %sub3A_2119 : vector<16xf32>
      %add3A_2135 = arith.constant 1.44126713 : f32
      %add3A_2136 = vector.broadcast %add3A_2135 : f32 to vector<16xf32>
      %add3A_2137 = arith.addf %mul3A_2134, %add3A_2136 : vector<16xf32>
      %mul3A_2138 = arith.mulf %add3A_2137, %sub3A_2119 : vector<16xf32>
      %add3A_2139 = arith.constant 3.19308565E-5 : f32
      %add3A_2140 = vector.broadcast %add3A_2139 : f32 to vector<16xf32>
      %add3A_2141 = arith.addf %mul3A_2138, %add3A_2140 : vector<16xf32>
      %convert_element_type3A_2142 = arith.sitofp %sub3A_2109 : vector<16xi32> to vector<16xf32>
      %add3A_2143 = arith.addf %convert_element_type3A_2142, %add3A_2141 : vector<16xf32>
      %add3A_2144 = arith.addf %add3A_2068, %add3A_2143 : vector<16xf32>
      %convert_element_type3A_2145 = arith.sitofp %add3A_2098 : vector<16xi32> to vector<16xf32>
      %sub3A_2146 = arith.constant 2.800000e+01 : f32
      %sub3A_2147 = vector.broadcast %sub3A_2146 : f32 to vector<16xf32>
      %sub3A_2148 = arith.subf %sub3A_2147, %convert_element_type3A_2145 : vector<16xf32>
      %mul3A_2149 = arith.mulf %convert_element_type3A_2145, %sub3A_2148 : vector<16xf32>
      %gt3A = arith.constant 0.000000e+00 : f32
      %gt3A_2150 = vector.broadcast %gt3A : f32 to vector<16xf32>
      %gt3A_2151 = arith.cmpf ogt, %mul3A_2149, %gt3A_2150 : vector<16xf32>
      %mul3A_2152 = arith.mulf %add3A_2090, %add3A_2097 : vector<16xf32>
      %max3A = arith.constant 1.000000e+00 : f32
      %max3A_2153 = vector.broadcast %max3A : f32 to vector<16xf32>
      %max3A_2154 = arith.maximumf %mul3A_2149, %max3A_2153 : vector<16xf32>
      %div3A_2155 = arith.divf %mul3A_2152, %max3A_2154 : vector<16xf32>
      %jit3A_2156 = arith.constant 0.000000e+00 : f32
      %broadcast_in_dim3A_2157 = vector.broadcast %jit3A_2156 : f32 to vector<16xf32>
      %select_n3A_2158 = arith.select %gt3A_2151, %div3A_2155, %broadcast_in_dim3A_2157 : vector<16xi1>, vector<16xf32>
      %add3A_2159 = arith.addf %scan3A_17, %select_n3A_2158 : vector<16xf32>
      scf.yield %add3A_2159, %add3A_2102, %add3A_2144 : vector<16xf32>, vector<16xf32>, vector<16xf32>
    }
    %scan3A_10 = arith.constant 8 : i32
    %swap3A = arith.constant 0 : index
    %swap3A_11 = tpu.vector_load %arg7[%swap3A] {strides = array<i32>} : memref<48xf32, #tpu.memory_space<vmem>>, vector<16xf32>,
    tpu.vector_store %arg7[%swap3A], %scan3A_9#0 {strides = array<i32>} : memref<48xf32, #tpu.memory_space<vmem>>, vector<16xf32>,
    %swap3A_12 = arith.constant 16 : index
    %swap3A_13 = tpu.vector_load %arg7[%swap3A_12] {strides = array<i32>} : memref<48xf32, #tpu.memory_space<vmem>>, vector<16xf32>,
    tpu.vector_store %arg7[%swap3A_12], %scan3A_9#1 {strides = array<i32>} : memref<48xf32, #tpu.memory_space<vmem>>, vector<16xf32>,
    %swap3A_14 = arith.constant 32 : index
    %swap3A_15 = tpu.vector_load %arg7[%swap3A_14] {strides = array<i32>} : memref<48xf32, #tpu.memory_space<vmem>>, vector<16xf32>,
    tpu.vector_store %arg7[%swap3A_14], %scan3A_9#2 {strides = array<i32>} : memref<48xf32, #tpu.memory_space<vmem>>, vector<16xf32>,
    "tpu.region"() ({
      %run_scoped3A = tpu.sem_alloc : memref<!tpu.dma_semaphore, #tpu.memory_space<semaphore_mem>>
      %dma_start3A = arith.constant 0 : i32
      %dma_start3A_16 = tpu.memref_slice %arg4[%add3A, %dma_start3A] : memref<32x48xf32, #tpu.memory_space<hbm>> -> memref<1x48xf32, #tpu.memory_space<hbm>>
      %dma_start3A_17 = tpu.memref_squeeze %dma_start3A_16 : memref<1x48xf32, #tpu.memory_space<hbm>> -> memref<48xf32, #tpu.memory_space<hbm>>
      %dma_start3A_18 = arith.constant 0 : i32
      %dma_start3A_19 = tpu.memref_slice %arg4[%add3A, %dma_start3A_18] : memref<32x48xf32, #tpu.memory_space<hbm>> -> memref<1x48xf32, #tpu.memory_space<hbm>>
      %dma_start3A_20 = tpu.memref_squeeze %dma_start3A_19 : memref<1x48xf32, #tpu.memory_space<hbm>> -> memref<48xf32, #tpu.memory_space<hbm>>
      tpu.enqueue_dma source(%arg7 : memref<48xf32, #tpu.memory_space<vmem>>) target(%dma_start3A_20 : memref<48xf32, #tpu.memory_space<hbm>>) target_semaphore(%run_scoped3A : memref<!tpu.dma_semaphore, #tpu.memory_space<semaphore_mem>>)
      %dma_wait3A = arith.constant 0 : i32
      %dma_wait3A_21 = tpu.memref_slice %arg4[%add3A, %dma_wait3A] : memref<32x48xf32, #tpu.memory_space<hbm>> -> memref<1x48xf32, #tpu.memory_space<hbm>>
      %dma_wait3A_22 = tpu.memref_squeeze %dma_wait3A_21 : memref<1x48xf32, #tpu.memory_space<hbm>> -> memref<48xf32, #tpu.memory_space<hbm>>
      %dma_wait3A_23 = arith.constant 0 : i32
      %dma_wait3A_24 = tpu.memref_slice %arg4[%add3A, %dma_wait3A_23] : memref<32x48xf32, #tpu.memory_space<hbm>> -> memref<1x48xf32, #tpu.memory_space<hbm>>
      %dma_wait3A_25 = tpu.memref_squeeze %dma_wait3A_24 : memref<1x48xf32, #tpu.memory_space<hbm>> -> memref<48xf32, #tpu.memory_space<hbm>>
      tpu.wait_dma2 semaphore(%run_scoped3A : memref<!tpu.dma_semaphore, #tpu.memory_space<semaphore_mem>>) src(%arg7 : memref<48xf32, #tpu.memory_space<vmem>>) dst(%dma_wait3A_25 : memref<48xf32, #tpu.memory_space<hbm>>)
      tpu.yield
    }) : () -> ()
    return
  }
}

module attributes {stable_mosaic.version = 14 : i64} {
  func.func @_tc_loss_body(%arg0: i32, %arg1: memref<3072x28xf32, #tpu.memory_space<vmem>>, %arg2: memref<3072x28xi32, #tpu.memory_space<vmem>>, %arg3: memref<1x128xf32, #tpu.memory_space<vmem>>) attributes {dimension_semantics = [#tpu.dimension_semantics<arbitrary>], iteration_bounds = array<i64: 4>, scalar_prefetch = 0 : i64, scratch_operands = 0 : i64, tpu.core_type = #tpu.core_type<tc>, window_params = [{transform_indices = @transform_0, window_bounds = array<i64: 3072, 28>}, {transform_indices = @transform_1, window_bounds = array<i64: 3072, 28>}, {pipeline_mode = #tpu.pipeline_mode<synchronous>, transform_indices = @transform_2, window_bounds = array<i64: 1, 128>}]} {
    %get3A = arith.constant 0 : index
    %get3A_0 = arith.constant 0 : index
    %get3A_1 = vector.load %arg1[%get3A, %get3A_0] : memref<3072x28xf32, #tpu.memory_space<vmem>>, vector<3072x28xf32>
    %get3A_2 = arith.constant 0 : index
    %get3A_3 = arith.constant 0 : index
    %get3A_4 = vector.load %arg2[%get3A_2, %get3A_3] : memref<3072x28xi32, #tpu.memory_space<vmem>>, vector<3072x28xi32>
    %convert_element_type3A = arith.sitofp %get3A_4 : vector<3072x28xi32> to vector<3072x28xf32>
    %neg3A = arith.constant 0.000000e+00 : f32
    %neg3A_5 = vector.broadcast %neg3A : f32 to vector<3072x28xf32>
    %neg3A_6 = arith.subf %neg3A_5, %get3A_1 : vector<3072x28xf32>
    %exp3A = math.exp %neg3A_6 : vector<3072x28xf32>
    %add3A = arith.constant 1.000000e+00 : f32
    %add3A_7 = vector.broadcast %add3A : f32 to vector<3072x28xf32>
    %add3A_8 = arith.addf %add3A_7, %exp3A : vector<3072x28xf32>
    %sub3A = arith.constant 1.000000e+00 : f32
    %sub3A_9 = vector.broadcast %sub3A : f32 to vector<3072x28xf32>
    %sub3A_10 = arith.subf %sub3A_9, %convert_element_type3A : vector<3072x28xf32>
    %mul3A = arith.mulf %get3A_1, %sub3A_10 : vector<3072x28xf32>
    %log3A = math.log %add3A_8 : vector<3072x28xf32>
    %add3A_11 = arith.addf %mul3A, %log3A : vector<3072x28xf32>
    %reduce_sum3A = vector.shape_cast %add3A_11 : vector<3072x28xf32> to vector<1x3072x28xf32>
    %reduce_sum3A_12 = arith.constant dense<0.000000e+00> : vector<1xf32>
    %reduce_sum3A_13 = vector.multi_reduction <add>, %reduce_sum3A, %reduce_sum3A_12 [1, 2] : vector<1x3072x28xf32> to vector<1xf32>
    %reduce_sum3A_14 = vector.shape_cast %reduce_sum3A_13 : vector<1xf32> to vector<1x1x1xf32>
    %reduce_sum3A_15 = vector.extract %reduce_sum3A_14[0, 0, 0] : f32 from vector<1x1x1xf32>
    %div3A = arith.constant 1.000000e+00 : f32
    %div3A_16 = vector.broadcast %div3A : f32 to vector<3072x28xf32>
    %div3A_17 = arith.divf %div3A_16, %add3A_8 : vector<3072x28xf32>
    %exp3A_18 = math.exp %div3A_17 : vector<3072x28xf32>
    %eq3A = arith.constant 0.000000e+00 : f32
    %eq3A_19 = vector.broadcast %eq3A : f32 to vector<3072x28xf32>
    %eq3A_20 = arith.cmpf oeq, %convert_element_type3A, %eq3A_19 : vector<3072x28xf32>
    %jit3A = arith.constant 0.000000e+00 : f32
    %broadcast_in_dim3A = vector.broadcast %jit3A : f32 to vector<3072x28xf32>
    %select_n3A = arith.select %eq3A_20, %exp3A_18, %broadcast_in_dim3A : vector<3072x28xi1>, vector<3072x28xf32>
    %reduce_sum3A_21 = arith.constant dense<0.000000e+00> : vector<3072xf32>
    %reduce_sum3A_22 = vector.multi_reduction <add>, %select_n3A, %reduce_sum3A_21 [1] : vector<3072x28xf32> to vector<3072xf32>
    %eq3A_23 = arith.constant 0.000000e+00 : f32
    %eq3A_24 = vector.broadcast %eq3A_23 : f32 to vector<3072x28xf32>
    %eq3A_25 = arith.cmpf oeq, %convert_element_type3A, %eq3A_24 : vector<3072x28xf32>
    %div3A_26 = arith.constant 1.000000e+00 : f32
    %div3A_27 = vector.broadcast %div3A_26 : f32 to vector<3072x28xf32>
    %div3A_28 = arith.divf %div3A_27, %exp3A_18 : vector<3072x28xf32>
    %jit3A_29 = arith.constant 0.000000e+00 : f32
    %broadcast_in_dim3A_30 = vector.broadcast %jit3A_29 : f32 to vector<3072x28xf32>
    %select_n3A_31 = arith.select %eq3A_25, %broadcast_in_dim3A_30, %div3A_28 : vector<3072x28xi1>, vector<3072x28xf32>
    %reduce_sum3A_32 = arith.constant dense<0.000000e+00> : vector<3072xf32>
    %reduce_sum3A_33 = vector.multi_reduction <add>, %select_n3A_31, %reduce_sum3A_32 [1] : vector<3072x28xf32> to vector<3072xf32>
    %reduce_sum3A_34 = arith.constant dense<0.000000e+00> : vector<3072xf32>
    %reduce_sum3A_35 = vector.multi_reduction <add>, %convert_element_type3A, %reduce_sum3A_34 [1] : vector<3072x28xf32> to vector<3072xf32>
    %sub3A_36 = arith.constant 2.800000e+01 : f32
    %sub3A_37 = vector.broadcast %sub3A_36 : f32 to vector<3072xf32>
    %sub3A_38 = arith.subf %sub3A_37, %reduce_sum3A_35 : vector<3072xf32>
    %mul3A_39 = arith.mulf %reduce_sum3A_35, %sub3A_38 : vector<3072xf32>
    %gt3A = arith.constant 0.000000e+00 : f32
    %gt3A_40 = vector.broadcast %gt3A : f32 to vector<3072xf32>
    %gt3A_41 = arith.cmpf ogt, %mul3A_39, %gt3A_40 : vector<3072xf32>
    %mul3A_42 = arith.mulf %reduce_sum3A_22, %reduce_sum3A_33 : vector<3072xf32>
    %max3A = arith.constant 1.000000e+00 : f32
    %max3A_43 = vector.broadcast %max3A : f32 to vector<3072xf32>
    %max3A_44 = arith.maximumf %mul3A_39, %max3A_43 : vector<3072xf32>
    %div3A_45 = arith.divf %mul3A_42, %max3A_44 : vector<3072xf32>
    %jit3A_46 = arith.constant 0.000000e+00 : f32
    %broadcast_in_dim3A_47 = vector.broadcast %jit3A_46 : f32 to vector<3072xf32>
    %select_n3A_48 = arith.select %gt3A_41, %div3A_45, %broadcast_in_dim3A_47 : vector<3072xi1>, vector<3072xf32>
    %reduce_sum3A_49 = vector.shape_cast %select_n3A_48 : vector<3072xf32> to vector<1x3072xf32>
    %reduce_sum3A_50 = arith.constant dense<0.000000e+00> : vector<1xf32>
    %reduce_sum3A_51 = vector.multi_reduction <add>, %reduce_sum3A_49, %reduce_sum3A_50 [1] : vector<1x3072xf32> to vector<1xf32>
    %reduce_sum3A_52 = vector.shape_cast %reduce_sum3A_51 : vector<1xf32> to vector<1x1xf32>
    %reduce_sum3A_53 = vector.extract %reduce_sum3A_52[0, 0] : f32 from vector<1x1xf32>
    %eq3A_54 = arith.constant 0 : i32
    %eq3A_55 = arith.cmpi eq, %arg0, %eq3A_54 : i32
    %convert_element_type3A_56 = arith.extui %eq3A_55 : i1 to i32
    %cond3A = arith.constant 0 : i32
    %cond3A_57 = arith.cmpi ne, %convert_element_type3A_56, %cond3A : i32
    scf.if %cond3A_57 {
      %broadcast_in_dim3A_79 = arith.constant 0.000000e+00 : f32
      %broadcast_in_dim3A_80 = vector.broadcast %broadcast_in_dim3A_79 : f32 to vector<1x128xf32>
      %swap3A_81 = arith.constant 0 : index
      %swap3A_82 = arith.constant 0 : index
      %swap3A_83 = vector.load %arg3[%swap3A_81, %swap3A_82] : memref<1x128xf32, #tpu.memory_space<vmem>>, vector<1x128xf32>
      tpu.vector_store %arg3[%swap3A_81, %swap3A_82], %broadcast_in_dim3A_80 {strides = array<i32>} : memref<1x128xf32, #tpu.memory_space<vmem>>, vector<1x128xf32>,
    } else {
    }
    %iota3A = tpu.iota {dimensions = array<i32: 1>} : vector<1x128xi32>
    %get3A_58 = arith.constant 0 : index
    %get3A_59 = arith.constant 0 : index
    %get3A_60 = vector.load %arg3[%get3A_58, %get3A_59] : memref<1x128xf32, #tpu.memory_space<vmem>>, vector<1x128xf32>
    %eq3A_61 = arith.constant 0 : i32
    %eq3A_62 = vector.broadcast %eq3A_61 : i32 to vector<1x128xi32>
    %eq3A_63 = arith.cmpi eq, %iota3A, %eq3A_62 : vector<1x128xi32>
    %jit3A_64 = arith.constant 0.000000e+00 : f32
    %broadcast_in_dim3A_65 = vector.broadcast %reduce_sum3A_15 : f32 to vector<1x128xf32>
    %broadcast_in_dim3A_66 = vector.broadcast %jit3A_64 : f32 to vector<1x128xf32>
    %select_n3A_67 = arith.select %eq3A_63, %broadcast_in_dim3A_65, %broadcast_in_dim3A_66 : vector<1x128xi1>, vector<1x128xf32>
    %eq3A_68 = arith.constant 1 : i32
    %eq3A_69 = vector.broadcast %eq3A_68 : i32 to vector<1x128xi32>
    %eq3A_70 = arith.cmpi eq, %iota3A, %eq3A_69 : vector<1x128xi32>
    %jit3A_71 = arith.constant 0.000000e+00 : f32
    %broadcast_in_dim3A_72 = vector.broadcast %reduce_sum3A_53 : f32 to vector<1x128xf32>
    %broadcast_in_dim3A_73 = vector.broadcast %jit3A_71 : f32 to vector<1x128xf32>
    %select_n3A_74 = arith.select %eq3A_70, %broadcast_in_dim3A_72, %broadcast_in_dim3A_73 : vector<1x128xi1>, vector<1x128xf32>
    %add3A_75 = arith.addf %select_n3A_67, %select_n3A_74 : vector<1x128xf32>
    %add3A_76 = arith.addf %get3A_60, %add3A_75 : vector<1x128xf32>
    %swap3A = arith.constant 0 : index
    %swap3A_77 = arith.constant 0 : index
    %swap3A_78 = vector.load %arg3[%swap3A, %swap3A_77] : memref<1x128xf32, #tpu.memory_space<vmem>>, vector<1x128xf32>
    tpu.vector_store %arg3[%swap3A, %swap3A_77], %add3A_76 {strides = array<i32>} : memref<1x128xf32, #tpu.memory_space<vmem>>, vector<1x128xf32>,
    return
  }
  func.func @transform_0(%arg0: i32) -> (i32, i32) {
    %c0_i32 = arith.constant 0 : i32
    %c0_i32_0 = arith.constant 0 : i32
    return %arg0, %c0_i32 : i32, i32
  }
  func.func @transform_1(%arg0: i32) -> (i32, i32) {
    %c0_i32 = arith.constant 0 : i32
    %c0_i32_0 = arith.constant 0 : i32
    return %arg0, %c0_i32 : i32, i32
  }
  func.func @transform_2(%arg0: i32) -> (i32, i32) {
    %c0_i32 = arith.constant 0 : i32
    %c0_i32_0 = arith.constant 0 : i32
    %c0_i32_1 = arith.constant 0 : i32
    return %c0_i32, %c0_i32_0 : i32, i32
  }
}

</mosaic_0001>

<sc_bundles>
// kernel: kernel.4.cloned.1.call-start
scs
__scs_entry_jumppad:
0x0: {  	(pc) =	sbr.rel $0x88, $3  }
0x1: {  	(tag) =	ssettag $0x0;
	lr =	simm.s32 $0x1  }
0x2: {  	[smem:$0x3F9F] =	sst lr;
	_ =	strace $0xD0000000  }
0x3: {  	_ = 	snop  }
0x4: {  	_ = 	snop  }
0x5: {  	_ = 	snop  }
0x6: {  	_ = 	snop  }
0x7: {  	_ = 	snop  }
__scs_overlays_trampoline_lowered:
0x8: {  	[smem:$0x3FAE] =	sst s0  }
0x9: {  	[smem:$0x3FAF] =	sst s1  }
0xa: {  	[smem:$0x3FB0] =	sst s2  }
0xb: {  	[smem:$0x3FB1] =	sst s3  }
0xc: {  	[smem:$0x3FB2] =	sst s4  }
0xd: {  	[smem:$0x3FB3] =	sst s5  }
0xe: {  	[smem:$0x3FB4] =	sst s6  }
0xf: {  	[smem:$0x3FB5] =	sst s7  }
0x10: {  	[smem:$0x3FB6] =	sst s8  }
0x11: {  	[smem:$0x3FB7] =	sst s9;
	s0 =	simm.s32 @!p0 $0x0  }
0x12: {  	s1 =	sld [smem:$0x3F9D];
	s0 =	simm.s32 @p0 $0x1  }
0x13: {  	[smem:$0x3FB8] =	sst s0;
	s0 =	simm.s32 @!p1 $0x0  }
0x14: {  	s2 =	sld [smem:$0x3F9C];
	s0 =	simm.s32 @p1 $0x1  }
0x15: {  	[smem:$0x3FB9] =	sst s0;
	s0 =	simm.s32 @!p2 $0x0  }
0x16: {  	s3 =	sld [smem:$0x3FDB];
	s0 =	simm.s32 @p2 $0x1  }
0x17: {  	s4 =	simm.s32 $0x1BF5;
	[smem:$0x3FBB] =	sst s0  }
0x18: {  	s0 =	sld [smem:$0x3F9E];
	_ =	swait.ge [sflag:s4], $0x0  }
0x19: {  	s7 =	sld [smem:$0x3F9F]  }
0x1a: {  	s8 =	sadd.s32 $0xFFFFE003, lr  }
0x1b: {  	s9 =	sadd.s32 $0xFFFFFEF7, lr;
	s5 =	simm.s32 $0xFFFFFFFF;
	p2 =	slt.u32 s8, $0xFFFFF086  }
0x1c: {  	p1 =	slt.u32 s9, $0xF7A;
	s5 =	simm.s32 @!p2 $0x0  }
0x1d: {  	s5 =	simm.s32 @p1 $0x1;
	p0 =	seq.s32 s7, s2  }
0x1e: {  	s7 =	smul.u32 @!p0 $0xF7A, s2;
	p2 =	seq.s32 @!p0 s5, $0x0  }
0x1f: {  	s9 =	smul.u32 $0xF7A, s1;
	s8 =	simm.s32 @!p0 $0x1BF5;
	p2 =	por !p2, p0  }
0x20: {  	[sflag:s8] =	ssyncset.s32 @!p0 $0xFFFFF086;
	s6 =	sadd.s32 @!p0 s3, s7;
	s7 =	simm.s32 @!p0 $0x108  }
0x21: {  	s3 =	sadd.s32 s3, s9;
	s6 =	sadd.s32 @!p0 $0x88, s6;
	s7 =	simm.s32 @p2 $0x1082  }
0x22: {  	[simem:s7], [sflag:s8] =	dma.local @!p0 [hbm:s6], $0xF7A  }
0x23: {  	s9 =	sor.u32 $0xD0000000, s2;
	s6 =	simm.s32 $0x108;
	_ =	swait.ge @!p0 [sflag:s8], $0x0  }
0x24: {  	s3 =	sadd.s32 $0x88, s3;
	s6 =	simm.s32 @!p1 $0x1082;
	[sflag:s4] =	ssyncset.s32 $0xFFFFF086  }
0x25: {  	[simem:s6], [sflag:s4] =	dma.local [hbm:s3], $0xF7A  }
0x26: {  	[smem:$0x3F9F] =	sst s1;
	(tag) =	ssettag s2;
	_ =	strace s9  }
0x27: {  	s1 =	sld [smem:$0x3FAF]  }
0x28: {  	s2 =	sld [smem:$0x3FB0]  }
0x29: {  	s4 =	sld [smem:$0x3FB2]  }
0x2a: {  	p0 =	seq.s32 s5, $0x0;
	s5 =	sld [smem:$0x3FB3]  }
0x2b: {  	s6 =	sld [smem:$0x3FB4]  }
0x2c: {  	s7 =	sld [smem:$0x3FB5]  }
0x2d: {  	s3 =	simm.s32 $0x108;
	s8 =	sld [smem:$0x3FB6]  }
0x2e: {  	s3 =	simm.s32 @!p0 $0x1082;
	s9 =	sld [smem:$0x3FB7]  }
0x2f: {  	lr =	sadd.s32 s0, s3;
	s0 =	sld [smem:$0x3FAE]  }
0x30: {  	s3 =	sld [smem:$0x3FB1]  }
0x31: {  	[smem:$0x3FBA] =	sst s10  }
0x32: {  	s10 =	sld [smem:$0x3FB8];
	_ =	sdelay $0x3  }
0x33: {  	p0 =	seq.s32 s10, $0x1;
	s10 =	sld [smem:$0x3FBA];
	_ =	sdelay $0x3  }
0x34: {  	[smem:$0x3FBA] =	sst s10  }
0x35: {  	s10 =	sld [smem:$0x3FB9];
	_ =	sdelay $0x3  }
0x36: {  	p1 =	seq.s32 s10, $0x1;
	s10 =	sld [smem:$0x3FBA];
	_ =	sdelay $0x3  }
0x37: {  	[smem:$0x3FBA] =	sst s10  }
0x38: {  	s10 =	sld [smem:$0x3FBB]  }
0x39: {  	_ = 	snop;
	(pc) =	sbr.ind lr, $3  }
0x3a: {  	_ = 	snop  }
0x3b: {  	_ = 	snop  }
0x3c: {  	p2 =	seq.s32 s10, $0x1;
	s10 =	sld [smem:$0x3FBA]  }
0x3d: {  	_ =	shalt  }
0x3e: {  	_ =	shalt  }
0x3f: {  	_ =	shalt  }
0x40: {  	_ =	shalt  }
0x41: {  	_ =	shalt  }
0x42: {  	_ =	shalt  }
0x43: {  	_ =	shalt  }
0x44: {  	_ =	shalt  }
0x45: {  	_ =	shalt  }
0x46: {  	_ =	shalt  }
0x47: {  	_ =	shalt  }
0x48: {  	_ =	shalt  }
0x49: {  	_ =	shalt  }
0x4a: {  	_ =	shalt  }
0x4b: {  	_ =	shalt  }
0x4c: {  	_ =	shalt  }
0x4d: {  	_ =	shalt  }
0x4e: {  	_ =	shalt  }
0x4f: {  	_ =	shalt  }
0x50: {  	_ =	shalt  }
0x51: {  	_ =	shalt  }
0x52: {  	_ =	shalt  }
0x53: {  	_ =	shalt  }
0x54: {  	_ =	shalt  }
0x55: {  	_ =	shalt  }
0x56: {  	_ =	shalt  }
0x57: {  	_ =	shalt  }
0x58: {  	_ =	shalt  }
0x59: {  	_ =	shalt  }
0x5a: {  	_ =	shalt  }
0x5b: {  	_ =	shalt  }
0x5c: {  	_ =	shalt  }
0x5d: {  	_ =	shalt  }
0x5e: {  	_ =	shalt  }
0x5f: {  	_ =	shalt  }
0x60: {  	_ =	shalt  }
0x61: {  	_ =	shalt  }
0x62: {  	_ =	shalt  }
0x63: {  	_ =	shalt  }
0x64: {  	_ =	shalt  }
0x65: {  	_ =	shalt  }
0x66: {  	_ =	shalt  }
0x67: {  	_ =	shalt  }
0x68: {  	_ =	shalt  }
0x69: {  	_ =	shalt  }
0x6a: {  	_ =	shalt  }
0x6b: {  	_ =	shalt  }
0x6c: {  	_ =	shalt  }
0x6d: {  	_ =	shalt  }
0x6e: {  	_ =	shalt  }
0x6f: {  	_ =	shalt  }
0x70: {  	_ =	shalt  }
0x71: {  	_ =	shalt  }
0x72: {  	_ =	shalt  }
0x73: {  	_ =	shalt  }
0x74: {  	_ =	shalt  }
0x75: {  	_ =	shalt  }
0x76: {  	_ =	shalt  }
0x77: {  	_ =	shalt  }
0x78: {  	_ =	shalt  }
0x79: {  	_ =	shalt  }
0x7a: {  	_ =	shalt  }
0x7b: {  	_ =	shalt  }
0x7c: {  	_ =	shalt  }
0x7d: {  	_ =	shalt  }
0x7e: {  	_ =	shalt  }
0x7f: {  	_ =	shalt  }
0x80: {  	_ =	shalt  }
0x81: {  	_ =	shalt  }
0x82: {  	_ =	shalt  }
0x83: {  	_ =	shalt  }
0x84: {  	_ =	shalt  }
0x85: {  	_ =	shalt  }
0x86: {  	_ =	shalt  }
0x87: {  	_ =	shalt  }
.Lfunc_end0:
.L_simem_size_0:
called_computation_lowered:
.L_overlay_start_0:
0x88: {  	s2 =	sld [smem:$0x3FD9]  }
0x89: {  	s3 =	sld [smem:$0x3FFE];
	_ =	sdelay $0x1  }
0x8a: {  	s1 =	srdreg.scid  }
0x8b: {  	s0 =	sand.u32 $0x1, s1  }
0x8c: {  	s16 =	sshll.u32 s0, $0xA;
	s2 =	sadd.s32 s3, s2  }
0x8d: {  	s2 =	sadd.s32 s2, s16  }
0x8e: {  	[smem:$0x3FC6] =	sst s2  }
0x8f: {  	_ = 	snop  }
0x90: {  	(tm) =	ssettm $0x1  }
0x91: {  	s17 =	sld [smem:$0x3FFB];
	_ =	sdelay $0x3  }
0x92: {  	_ =	strace s17  }
0x93: {  	s2 =	sld [smem:$0x3FFC];
	_ =	sdelay $0x3  }
0x94: {  	_ =	strace s2  }
0x95: {  	s2 =	sld [smem:$0x3FFD];
	_ =	sdelay $0x3  }
0x96: {  	_ =	strace s2  }
0x97: {  	_ =	strace $0x8FFFFFFF  }
0x98: {  	s18 =	sld [smem:$0x3FDB];
	_ =	sdelay $0x1  }
0x99: {  	s19 =	simm.s32 $_scs_section_size  }
0x9a: {  	s4 =	simm.s32 $_size__tile_overlayer_lowered;
	s5 =	simm.s32 $_tile_overlayer_lowered  }
0x9b: {  	s22 =	simm.s32 $0x1BFF;
	s21 =	sshll.u32 s5, $0x1;
	s2 =	sadd.s32 s19, s18  }
0x9c: {  	s6 =	simm.s32 $0x0;
	s20 =	sshll.u32 s4, $0x1;
	s4 =	sadd.s32 s21, s2  }
0x9d: {  	[timem:s6], [sflag:s22] =	dma.local [hbm:s4], s20  }
0x9e: {  	_ =	swait.ge [sflag:s22], s20  }
0x9f: {  	s3 =	ssub.s32 $0x0, s20;
	[sflag:s22] =	ssyncset.done $0x0  }
0xa0: {  	[sflag:s22] =	ssyncadd.s32 s3;
	_ =	sdelay $0x1  }
0xa1: {  	s23 =	simm.s32 $0x1B8B  }
0xa2: {  	_ =	swait.ge [sflag:s23], $0x1  }
0xa3: {  	[sflag:s23] =	ssyncset.done $0x0  }
0xa4: {  	s25 =	simm.s32 $0x1B8E;
	s24 =	sld [smem:$0x3FFE];
	[sflag:s23] =	ssyncadd.s32 $0xFFFFFFFF  }
0xa5: {  	s26 =	simm.s32 $execute0_lowered;
	[smem:$0x3FD2] =	sst s25  }
0xa6: {  	s4 =	sshll.u32 s26, $0x1;
	_ =	strace $0x80000046;
	[dreg:$0x1] =	wrdreg $0xFFFFFFFF  }
0xa7: {  	s28 =	simm.s32 $_size_execute0_lowered;
	s2 =	sadd.s32 s2, s4;
	[dreg:$0x0] =	wrdreg $0x0  }
0xa8: {  	s4 =	sshll.u32 s28, $0x1;
	[dreg:$0x2] =	wrdreg s2  }
0xa9: {  	[dreg:$0x3] =	wrdreg s4  }
0xaa: {  	[dreg:$0x4] =	wrdreg $0xC0  }
0xab: {  	_ =	task [dreg:s6], $0x5FFFF  }
0xac: {  	[dreg:$0x1] =	wrdreg $0xFFFFFFFF  }
0xad: {  	[dreg:$0x0] =	wrdreg $0x60  }
0xae: {  	[dreg:$0x2] =	wrdreg s24  }
0xaf: {  	[dreg:$0x3] =	wrdreg $0x9  }
0xb0: {  	_ =	task.clear_ibuf [dreg:s6], $0x4FFFF;
	_ =	strace $0x90000046  }
0xb1: {  	s29 =	simm.s32 $0x9;
	_ =	strace $0x80000048  }
0xb2: {  	_ =	swait.ge [sflag:s29], $0x1  }
0xb3: {  	[sflag:s29] =	ssyncadd.s32 $0xFFFFFFFF  }
0xb4: {  	_ =	strace $0x90000048  }
0xb5: {  	_ =	sfence  }
0xb6: {  	s30 =	sld [smem:$0x0];
	_ =	sdelay $0x2  }
0xb7: {  	s31 =	sshll.u32 s1, $0xD;
	s1 =	sshrl.u32 s1, $0x2  }
0xb8: {  	s3 =	sand.u32 $0x4000, s31;
	s1 =	sadd.s32 s1, s30  }
0xb9: {  	s0 =	sor.u32 s3, s0;
	s1 =	sshll.u32 s1, $0x11  }
0xba: {  	s0 =	sor.u32 s1, s0  }
0xbb: {  	s0 =	sadd.s32 $0x8F2B, s0  }
0xbc: {  	[sflag:s0] =	ssyncadd.remote.s32 $0x1  }
0xbd: {  	_ =	sfence.sel $0xFFFF  }
0xbe: {  	[dreg:$0x0] =	wrdreg $0xFFFFFFFF;
	(pc) =	sbr.abs _section_cstart, $3  }
0xbf: {  	[dreg:$0x1] =	wrdreg $0xFFFFFFFF  }
0xc0: {  	_ =	task.clear_ibuf [dreg:s6], $0x2FFFF;
	_ =	strace $0x9FFFFFFF  }
0xc1: {  	(tm) =	ssettm $0x7FFFFFFF  }
tec
execute0_lowered:
.L_overlay_start_1:
0x0: {  	(tag) =	ssettag $0x1  }
0x1: {  	s3 =	rddreg [dreg:$0x0]  }
0x2: {  	s0 =	rddreg [dreg:$0x1];
	s2 =	simm.s32 $0x0;
	s4 =	srdreg.scid  }
0x3: {  	s1 =	stileid.u32;
	s8 =	simm.s32 $0x4000;
	s9 =	simm.s32 $0x8000  }
0x4: {  	[smem:$0x7FF] =	sst s2;
	s4 =	sand.u32 $0x1, s4;
	s5 =	sshll.u32 s1, $0x1  }
0x5: {  	s10 =	simm.s32 $0x0;
	_ =	strace $0x80000047;
	s5 =	sor.u32 s4, s5  }
0x6: {  	v0 =	vlaneseq.u32;
	s4 =	ssub.s32 $0x2, s4;
	s6 =	sshll.u32 s5, $0xB;
	s5 =	sshll.u32 s5, $0x4  }
0x7: {  	v1 =	vmul.u32 $0x80, v0;
	s31 =	sshrl.u32 s4, $0x1;
	s6 =	sadd.s32 s6, s3;
	s5 =	sadd.s32 s5, s3  }
0x8: {  	s7 =	ssub.s32 s4, s31;
	s3 =	sadd.s32 $0x30400, s6;
	s4 =	sadd.s32 $0x70400, s6  }
0x9: {  	[tilespmem:$0x1FFF0] =	vst v1;
	s5 =	sadd.s32 $0x80400, s5;
	s6 =	smax.u32 s7, $0x1;
	s7 =	simm.s32 $0x1  }
.LBB2_1:
0xa: {  	[tilespmem:s2], [sflag:$0x1] =	stream.linear.gather [hbm4b:s3+s2], $0x4000, $0x38;
	[tilespmem:$0x8080] =	vst v63  }
0xb: {  	_ =	swait.ge [sflag:s7], $0x4000  }
0xc: {  	[sflag:s7] =	ssyncset.done $0x0  }
0xd: {  	[sflag:s7] =	ssyncadd.s32 $0xFFFFC000  }
0xe: {  	[tilespmem:s8], [sflag:$0x1] =	stream.linear.gather [hbm4b:s4+s2], $0x4000, $0x38;
	[tilespmem:$0x8080] =	vst v63  }
0xf: {  	_ =	swait.ge [sflag:s7], $0x4000  }
0x10: {  	[sflag:s7] =	ssyncset.done $0x0  }
0x11: {  	v60 =	vimm.f32 $0.0e+00;
	s11 =	simm.s32 $0x0;
	v31 =	vimm.f32 $0.0e+00;
	v0 =	vimm.f32 $0.0e+00;
	[sflag:s7] =	ssyncadd.s32 $0xFFFFC000  }
.LBB2_2:
0x12: {  	_ =	sdelay $0x1  }
0x13: {  	[tilespmem:$0x1FFE0] =	vst v0;
	v0 =	vmov s11  }
0x14: {  	v0 =	vshll.u32 v0, $0x7  }
0x15: {  	v2 =	vor.u32 v1, v0;
	_ =	sdelay $0x4  }
0x16: {  	v6 =	vld.idx.msk [tilespmem:v2+s2+$0x0], $0xffff;
	_ =	sdelay $0x4  }
0x17: {  	v0 =	vsub.f32 $0.0e+00, v6;
	_ =	sdelay $0x1  }
0x18: {  	v0 =	vmul.f32 $1.442695020e+00, v0;
	_ =	sdelay $0x1  }
0x19: {  	(erf) = vpow2.f32 v0;
	_ =	sdelay $0x8  }
0x1a: {  	v0 =	vpop (erf)  }
0x1b: {  	v30 =	vadd.f32 $1.000000000e+00, v0;
	_ =	sdelay $0x1  }
0x1c: {  	(erf) = vrcp.f32 v30;
	_ =	sdelay $0x8  }
0x1d: {  	v3 =	vor.u32 $0x1, v2;
	v0 =	vpop (erf)  }
0x1e: {  	v0 =	vmul.f32 $1.442695020e+00, v0;
	_ =	sdelay $0x1  }
0x1f: {  	(erf) = vpow2.f32 v0;
	_ =	sdelay $0x1  }
0x20: {  	v34 =	vld.idx.msk [tilespmem:v3+s2+$0x0], $0xffff;
	_ =	sdelay $0x4  }
0x21: {  	v0 =	vsub.f32 $0.0e+00, v34;
	_ =	sdelay $0x1  }
0x22: {  	v0 =	vmul.f32 $1.442695020e+00, v0;
	v4 =	vpop (erf)  }
0x23: {  	(erf) = vrcp.f32 v4  }
0x24: {  	(erf) = vpow2.f32 v0;
	_ =	sdelay $0x7  }
0x25: {  	v0 =	vpop (erf)  }
0x26: {  	[tilespmem:$0x1FC80] =	vst v0;
	v0 =	vpop (erf)  }
0x27: {  	v0 =	vadd.f32 $1.000000000e+00, v0;
	_ =	sdelay $0x1  }
0x28: {  	(erf) = vrcp.f32 v0;
	_ =	sdelay $0x8  }
0x29: {  	v8 =	vor.u32 $0x2, v2;
	v1 =	vpop (erf)  }
0x2a: {  	v1 =	vmul.f32 $1.442695020e+00, v1;
	_ =	sdelay $0x1  }
0x2b: {  	(erf) = vpow2.f32 v1;
	_ =	sdelay $0x1  }
0x2c: {  	v22 =	vld.idx.msk [tilespmem:v8+s2+$0x0], $0xffff;
	_ =	sdelay $0x4  }
0x2d: {  	v5 =	vsub.f32 $0.0e+00, v22;
	_ =	sdelay $0x1  }
0x2e: {  	v5 =	vmul.f32 $1.442695020e+00, v5;
	v1 =	vpop (erf)  }
0x2f: {  	(erf) = vrcp.f32 v1  }
0x30: {  	(erf) = vpow2.f32 v5;
	_ =	sdelay $0x7  }
0x31: {  	v35 =	vpop (erf)  }
0x32: {  	v36 =	vpop (erf)  }
0x33: {  	[tilespmem:$0x1FC90] =	vst v35;
	v35 =	vadd.f32 $1.000000000e+00, v36;
	_ =	sdelay $0x1  }
0x34: {  	(erf) = vrcp.f32 v35;
	_ =	sdelay $0x8  }
0x35: {  	v29 =	vor.u32 $0x3, v2;
	v37 =	vpop (erf)  }
0x36: {  	v5 =	vmul.f32 $1.442695020e+00, v37;
	_ =	sdelay $0x1  }
0x37: {  	(erf) = vpow2.f32 v5;
	_ =	sdelay $0x1  }
0x38: {  	v12 =	vld.idx.msk [tilespmem:v29+s2+$0x0], $0xffff;
	_ =	sdelay $0x4  }
0x39: {  	v38 =	vsub.f32 $0.0e+00, v12;
	_ =	sdelay $0x1  }
0x3a: {  	v5 =	vmul.f32 $1.442695020e+00, v38;
	v7 =	vpop (erf)  }
0x3b: {  	(erf) = vrcp.f32 v7  }
0x3c: {  	(erf) = vpow2.f32 v5;
	_ =	sdelay $0x7  }
0x3d: {  	v39 =	vpop (erf)  }
0x3e: {  	v40 =	vpop (erf)  }
0x3f: {  	v25 =	vadd.f32 $1.000000000e+00, v40;
	_ =	sdelay $0x1  }
0x40: {  	(erf) = vrcp.f32 v25;
	_ =	sdelay $0x8  }
0x41: {  	v36 =	vor.u32 $0x4, v2;
	v41 =	vpop (erf)  }
0x42: {  	v5 =	vmul.f32 $1.442695020e+00, v41;
	_ =	sdelay $0x1  }
0x43: {  	(erf) = vpow2.f32 v5;
	_ =	sdelay $0x1  }
0x44: {  	v49 =	vld.idx.msk [tilespmem:v36+s2+$0x0], $0xffff;
	_ =	sdelay $0x4  }
0x45: {  	v42 =	vsub.f32 $0.0e+00, v49;
	_ =	sdelay $0x1  }
0x46: {  	v5 =	vmul.f32 $1.442695020e+00, v42;
	v32 =	vpop (erf)  }
0x47: {  	(erf) = vrcp.f32 v32  }
0x48: {  	(erf) = vpow2.f32 v5;
	_ =	sdelay $0x7  }
0x49: {  	v43 =	vpop (erf)  }
0x4a: {  	v44 =	vpop (erf)  }
0x4b: {  	v14 =	vadd.f32 $1.000000000e+00, v44;
	_ =	sdelay $0x1  }
0x4c: {  	(erf) = vrcp.f32 v14;
	_ =	sdelay $0x8  }
0x4d: {  	v15 =	vor.u32 $0x5, v2;
	v45 =	vpop (erf)  }
0x4e: {  	v5 =	vmul.f32 $1.442695020e+00, v45;
	_ =	sdelay $0x1  }
0x4f: {  	(erf) = vpow2.f32 v5;
	_ =	sdelay $0x1  }
0x50: {  	v61 =	vld.idx.msk [tilespmem:v15+s2+$0x0], $0xffff;
	_ =	sdelay $0x4  }
0x51: {  	v46 =	vsub.f32 $0.0e+00, v61;
	_ =	sdelay $0x1  }
0x52: {  	v5 =	vmul.f32 $1.442695020e+00, v46;
	v23 =	vpop (erf)  }
0x53: {  	(erf) = vrcp.f32 v23  }
0x54: {  	(erf) = vpow2.f32 v5;
	_ =	sdelay $0x7  }
0x55: {  	v47 =	vpop (erf)  }
0x56: {  	v48 =	vpop (erf)  }
0x57: {  	[tilespmem:$0x1FCA0] =	vst v39;
	v39 =	vadd.f32 $1.000000000e+00, v48;
	_ =	sdelay $0x1  }
0x58: {  	(erf) = vrcp.f32 v39;
	_ =	sdelay $0x8  }
0x59: {  	v10 =	vor.u32 $0x6, v2;
	v50 =	vpop (erf)  }
0x5a: {  	v5 =	vmul.f32 $1.442695020e+00, v50;
	_ =	sdelay $0x1  }
0x5b: {  	(erf) = vpow2.f32 v5;
	_ =	sdelay $0x1  }
0x5c: {  	v62 =	vld.idx.msk [tilespmem:v10+s2+$0x0], $0xffff;
	_ =	sdelay $0x4  }
0x5d: {  	v51 =	vsub.f32 $0.0e+00, v62;
	_ =	sdelay $0x1  }
0x5e: {  	v5 =	vmul.f32 $1.442695020e+00, v51;
	v20 =	vpop (erf)  }
0x5f: {  	(erf) = vrcp.f32 v20  }
0x60: {  	(erf) = vpow2.f32 v5;
	_ =	sdelay $0x7  }
0x61: {  	v52 =	vpop (erf)  }
0x62: {  	v53 =	vpop (erf)  }
0x63: {  	v11 =	vadd.f32 $1.000000000e+00, v53;
	_ =	sdelay $0x1  }
0x64: {  	(erf) = vrcp.f32 v11;
	_ =	sdelay $0x8  }
0x65: {  	v17 =	vor.u32 $0x7, v2;
	v9 =	vpop (erf)  }
0x66: {  	v9 =	vmul.f32 $1.442695020e+00, v9;
	_ =	sdelay $0x1  }
0x67: {  	(erf) = vpow2.f32 v9;
	_ =	sdelay $0x1  }
0x68: {  	v45 =	vld.idx.msk [tilespmem:v17+s2+$0x0], $0xffff;
	_ =	sdelay $0x4  }
0x69: {  	v54 =	vsub.f32 $0.0e+00, v45;
	_ =	sdelay $0x1  }
0x6a: {  	v9 =	vmul.f32 $1.442695020e+00, v54;
	v13 =	vpop (erf)  }
0x6b: {  	(erf) = vrcp.f32 v13  }
0x6c: {  	(erf) = vpow2.f32 v9;
	_ =	sdelay $0x7  }
0x6d: {  	v55 =	vpop (erf)  }
0x6e: {  	v9 =	vpop (erf)  }
0x6f: {  	v16 =	vadd.f32 $1.000000000e+00, v9;
	_ =	sdelay $0x1  }
0x70: {  	(erf) = vrcp.f32 v16;
	_ =	sdelay $0x8  }
0x71: {  	v28 =	vor.u32 $0x8, v2;
	v56 =	vpop (erf)  }
0x72: {  	v9 =	vmul.f32 $1.442695020e+00, v56;
	_ =	sdelay $0x1  }
0x73: {  	(erf) = vpow2.f32 v9;
	_ =	sdelay $0x1  }
0x74: {  	v41 =	vld.idx.msk [tilespmem:v28+s2+$0x0], $0xffff;
	_ =	sdelay $0x4  }
0x75: {  	v57 =	vsub.f32 $0.0e+00, v41;
	_ =	sdelay $0x1  }
0x76: {  	v9 =	vmul.f32 $1.442695020e+00, v57;
	v18 =	vpop (erf)  }
0x77: {  	(erf) = vrcp.f32 v18  }
0x78: {  	(erf) = vpow2.f32 v9;
	_ =	sdelay $0x7  }
0x79: {  	v58 =	vpop (erf)  }
0x7a: {  	v9 =	vpop (erf)  }
0x7b: {  	v57 =	vadd.f32 $1.000000000e+00, v9;
	_ =	sdelay $0x1  }
0x7c: {  	(erf) = vrcp.f32 v57;
	_ =	sdelay $0x8  }
0x7d: {  	v48 =	vor.u32 $0x9, v2;
	v59 =	vpop (erf)  }
0x7e: {  	v9 =	vmul.f32 $1.442695020e+00, v59;
	_ =	sdelay $0x1  }
0x7f: {  	(erf) = vpow2.f32 v9;
	_ =	sdelay $0x1  }
0x80: {  	v63 =	vld.idx.msk [tilespmem:v48+s2+$0x0], $0xffff;
	_ =	sdelay $0x4  }
0x81: {  	v5 =	vsub.f32 $0.0e+00, v63;
	_ =	sdelay $0x1  }
0x82: {  	v9 =	vmul.f32 $1.442695020e+00, v5;
	v19 =	vpop (erf)  }
0x83: {  	(erf) = vrcp.f32 v19  }
0x84: {  	(erf) = vpow2.f32 v9;
	_ =	sdelay $0x7  }
0x85: {  	v9 =	vpop (erf)  }
0x86: {  	[tilespmem:$0x1FD00] =	vst v9;
	v9 =	vpop (erf)  }
0x87: {  	v42 =	vadd.f32 $1.000000000e+00, v9;
	_ =	sdelay $0x1  }
0x88: {  	(erf) = vrcp.f32 v42;
	_ =	sdelay $0x8  }
0x89: {  	v38 =	vor.u32 $0xA, v2;
	v21 =	vpop (erf)  }
0x8a: {  	v9 =	vmul.f32 $1.442695020e+00, v21;
	_ =	sdelay $0x1  }
0x8b: {  	(erf) = vpow2.f32 v9;
	_ =	sdelay $0x1  }
0x8c: {  	v24 =	vld.idx.msk [tilespmem:v38+s2+$0x0], $0xffff;
	_ =	sdelay $0x4  }
0x8d: {  	v26 =	vsub.f32 $0.0e+00, v24;
	_ =	sdelay $0x1  }
0x8e: {  	v9 =	vmul.f32 $1.442695020e+00, v26;
	v51 =	vpop (erf)  }
0x8f: {  	(erf) = vrcp.f32 v51  }
0x90: {  	(erf) = vpow2.f32 v9;
	_ =	sdelay $0x7  }
0x91: {  	v27 =	vpop (erf)  }
0x92: {  	v9 =	vpop (erf)  }
0x93: {  	v9 =	vadd.f32 $1.000000000e+00, v9;
	_ =	sdelay $0x1  }
0x94: {  	(erf) = vrcp.f32 v9;
	_ =	sdelay $0x8  }
0x95: {  	[tilespmem:$0x1FD20] =	vst v63;
	v63 =	vor.u32 $0xB, v2;
	v21 =	vpop (erf)  }
0x96: {  	v21 =	vmul.f32 $1.442695020e+00, v21;
	_ =	sdelay $0x1  }
0x97: {  	(erf) = vpow2.f32 v21;
	_ =	sdelay $0x1  }
0x98: {  	v33 =	vld.idx.msk [tilespmem:v63+s2+$0x0], $0xffff;
	_ =	sdelay $0x4  }
0x99: {  	v37 =	vsub.f32 $0.0e+00, v33;
	_ =	sdelay $0x1  }
0x9a: {  	[tilespmem:$0x1FD60] =	vst v33;
	v21 =	vmul.f32 $1.442695020e+00, v37;
	v33 =	vpop (erf)  }
0x9b: {  	(erf) = vrcp.f32 v33  }
0x9c: {  	(erf) = vpow2.f32 v21;
	_ =	sdelay $0x7  }
0x9d: {  	v40 =	vpop (erf)  }
0x9e: {  	v21 =	vpop (erf)  }
0x9f: {  	v56 =	vadd.f32 $1.000000000e+00, v21;
	_ =	sdelay $0x1  }
0xa0: {  	(erf) = vrcp.f32 v56;
	_ =	sdelay $0x8  }
0xa1: {  	[tilespmem:$0x1FCB0] =	vst v43;
	v44 =	vor.u32 $0xC, v2;
	v43 =	vpop (erf)  }
0xa2: {  	v21 =	vmul.f32 $1.442695020e+00, v43;
	_ =	sdelay $0x1  }
0xa3: {  	(erf) = vpow2.f32 v21;
	_ =	sdelay $0x1  }
0xa4: {  	v5 =	vld.idx.msk [tilespmem:v44+s2+$0x0], $0xffff;
	_ =	sdelay $0x4  }
0xa5: {  	v46 =	vsub.f32 $0.0e+00, v5;
	_ =	sdelay $0x1  }
0xa6: {  	v21 =	vmul.f32 $1.442695020e+00, v46;
	v43 =	vpop (erf)  }
0xa7: {  	(erf) = vrcp.f32 v43  }
0xa8: {  	(erf) = vpow2.f32 v21;
	_ =	sdelay $0x7  }
0xa9: {  	[tilespmem:$0x1FCC0] =	vst v47;
	v47 =	vpop (erf)  }
0xaa: {  	v21 =	vpop (erf)  }
0xab: {  	v53 =	vadd.f32 $1.000000000e+00, v21;
	_ =	sdelay $0x1  }
0xac: {  	(erf) = vrcp.f32 v53;
	_ =	sdelay $0x8  }
0xad: {  	[tilespmem:$0x1FCD0] =	vst v52;
	v52 =	vor.u32 $0xD, v2;
	v50 =	vpop (erf)  }
0xae: {  	v21 =	vmul.f32 $1.442695020e+00, v50;
	_ =	sdelay $0x1  }
0xaf: {  	(erf) = vpow2.f32 v21;
	_ =	sdelay $0x1  }
0xb0: {  	[tilespmem:$0x1FDB0] =	vst v5;
	v5 =	vld.idx.msk [tilespmem:v52+s2+$0x0], $0xffff;
	_ =	sdelay $0x4  }
0xb1: {  	v54 =	vsub.f32 $0.0e+00, v5;
	_ =	sdelay $0x1  }
0xb2: {  	[tilespmem:$0x1FCE0] =	vst v55;
	v21 =	vmul.f32 $1.442695020e+00, v54;
	v55 =	vpop (erf)  }
0xb3: {  	(erf) = vrcp.f32 v55  }
0xb4: {  	(erf) = vpow2.f32 v21;
	_ =	sdelay $0x7  }
0xb5: {  	[tilespmem:$0x1FDF0] =	vst v5;
	v5 =	vpop (erf)  }
0xb6: {  	v21 =	vpop (erf)  }
0xb7: {  	v50 =	vadd.f32 $1.000000000e+00, v21;
	_ =	sdelay $0x1  }
0xb8: {  	(erf) = vrcp.f32 v50;
	_ =	sdelay $0x8  }
0xb9: {  	[tilespmem:$0x1FCF0] =	vst v58;
	v59 =	vor.u32 $0xE, v2;
	v58 =	vpop (erf)  }
0xba: {  	v21 =	vmul.f32 $1.442695020e+00, v58;
	_ =	sdelay $0x1  }
0xbb: {  	(erf) = vpow2.f32 v21;
	_ =	sdelay $0x1  }
0xbc: {  	[tilespmem:$0x1FD90] =	vst v5;
	v5 =	vld.idx.msk [tilespmem:v59+s2+$0x0], $0xffff;
	_ =	sdelay $0x4  }
0xbd: {  	[tilespmem:$0x1FD40] =	vst v24;
	v24 =	vsub.f32 $0.0e+00, v5;
	_ =	sdelay $0x1  }
0xbe: {  	v21 =	vmul.f32 $1.442695020e+00, v24;
	v26 =	vpop (erf)  }
0xbf: {  	(erf) = vrcp.f32 v26  }
0xc0: {  	(erf) = vpow2.f32 v21;
	_ =	sdelay $0x7  }
0xc1: {  	[tilespmem:$0x1FE30] =	vst v5;
	v5 =	vpop (erf)  }
0xc2: {  	v21 =	vpop (erf)  }
0xc3: {  	[tilespmem:$0x1FD30] =	vst v40;
	v40 =	vadd.f32 $1.000000000e+00, v21;
	_ =	sdelay $0x1  }
0xc4: {  	(erf) = vrcp.f32 v40;
	_ =	sdelay $0x8  }
0xc5: {  	[tilespmem:$0x1FD10] =	vst v27;
	v37 =	vor.u32 $0xF, v2;
	v27 =	vpop (erf)  }
0xc6: {  	v21 =	vmul.f32 $1.442695020e+00, v27;
	_ =	sdelay $0x1  }
0xc7: {  	(erf) = vpow2.f32 v21;
	_ =	sdelay $0x1  }
0xc8: {  	[tilespmem:$0x1FDD0] =	vst v5;
	v5 =	vld.idx.msk [tilespmem:v37+s2+$0x0], $0xffff;
	_ =	sdelay $0x4  }
0xc9: {  	[tilespmem:$0x1FD70] =	vst v44;
	v44 =	vsub.f32 $0.0e+00, v5;
	_ =	sdelay $0x1  }
0xca: {  	v21 =	vmul.f32 $1.442695020e+00, v44;
	v46 =	vpop (erf)  }
0xcb: {  	(erf) = vrcp.f32 v46  }
0xcc: {  	(erf) = vpow2.f32 v21;
	_ =	sdelay $0x7  }
0xcd: {  	[tilespmem:$0x1FE70] =	vst v5;
	v5 =	vpop (erf)  }
0xce: {  	v21 =	vpop (erf)  }
0xcf: {  	[tilespmem:$0x1FE20] =	vst v37;
	v37 =	vadd.f32 $1.000000000e+00, v21;
	_ =	sdelay $0x1  }
0xd0: {  	(erf) = vrcp.f32 v37;
	_ =	sdelay $0x7  }
0xd1: {  	[tilespmem:$0x1FDA0] =	vst v52  }
0xd2: {  	v52 =	vor.u32 $0x10, v2;
	[tilespmem:$0x1FD50] =	vst v47;
	v47 =	vpop (erf)  }
0xd3: {  	v21 =	vmul.f32 $1.442695020e+00, v47;
	_ =	sdelay $0x1  }
0xd4: {  	(erf) = vpow2.f32 v21;
	_ =	sdelay $0x1  }
0xd5: {  	[tilespmem:$0x1FE10] =	vst v5;
	v5 =	vld.idx.msk [tilespmem:v52+s2+$0x0], $0xffff;
	_ =	sdelay $0x4  }
0xd6: {  	v54 =	vsub.f32 $0.0e+00, v5;
	_ =	sdelay $0x1  }
0xd7: {  	[tilespmem:$0x1FD80] =	vst v55;
	v21 =	vmul.f32 $1.442695020e+00, v54;
	v55 =	vpop (erf)  }
0xd8: {  	(erf) = vrcp.f32 v55  }
0xd9: {  	(erf) = vpow2.f32 v21;
	_ =	sdelay $0x7  }
0xda: {  	[tilespmem:$0x1FEA0] =	vst v5;
	v5 =	vpop (erf)  }
0xdb: {  	v21 =	vpop (erf)  }
0xdc: {  	v27 =	vadd.f32 $1.000000000e+00, v21;
	_ =	sdelay $0x1  }
0xdd: {  	(erf) = vrcp.f32 v27;
	_ =	sdelay $0x8  }
0xde: {  	[tilespmem:$0x1FDE0] =	vst v59;
	v59 =	vor.u32 $0x11, v2;
	v58 =	vpop (erf)  }
0xdf: {  	v21 =	vmul.f32 $1.442695020e+00, v58;
	_ =	sdelay $0x1  }
0xe0: {  	(erf) = vpow2.f32 v21;
	_ =	sdelay $0x1  }
0xe1: {  	[tilespmem:$0x1FE50] =	vst v5;
	v5 =	vld.idx.msk [tilespmem:v59+s2+$0x0], $0xffff;
	_ =	sdelay $0x4  }
0xe2: {  	[tilespmem:$0x1FEF0] =	vst v5;
	v5 =	vsub.f32 $0.0e+00, v5;
	_ =	sdelay $0x1  }
0xe3: {  	v21 =	vmul.f32 $1.442695020e+00, v5;
	v24 =	vpop (erf)  }
0xe4: {  	(erf) = vrcp.f32 v24  }
0xe5: {  	(erf) = vpow2.f32 v21;
	_ =	sdelay $0x7  }
0xe6: {  	v5 =	vpop (erf)  }
0xe7: {  	v21 =	vpop (erf)  }
0xe8: {  	[tilespmem:$0x1FE80] =	vst v24;
	v24 =	vadd.f32 $1.000000000e+00, v21;
	_ =	sdelay $0x1  }
0xe9: {  	(erf) = vrcp.f32 v24;
	_ =	sdelay $0x8  }
0xea: {  	[tilespmem:$0x1FDC0] =	vst v26;
	v44 =	vor.u32 $0x12, v2;
	v26 =	vpop (erf)  }
0xeb: {  	v21 =	vmul.f32 $1.442695020e+00, v26;
	_ =	sdelay $0x1  }
0xec: {  	(erf) = vpow2.f32 v21;
	_ =	sdelay $0x1  }
0xed: {  	[tilespmem:$0x1FE00] =	vst v46;
	v46 =	vld.idx.msk [tilespmem:v44+s2+$0x0], $0xffff;
	_ =	sdelay $0x4  }
0xee: {  	v21 =	vsub.f32 $0.0e+00, v46;
	_ =	sdelay $0x1  }
0xef: {  	v21 =	vmul.f32 $1.442695020e+00, v21;
	v47 =	vpop (erf)  }
0xf0: {  	(erf) = vrcp.f32 v47  }
0xf1: {  	(erf) = vpow2.f32 v21;
	_ =	sdelay $0x7  }
0xf2: {  	[tilespmem:$0x1FE90] =	vst v5;
	v5 =	vpop (erf)  }
0xf3: {  	v21 =	vpop (erf)  }
0xf4: {  	v21 =	vadd.f32 $1.000000000e+00, v21;
	_ =	sdelay $0x1  }
0xf5: {  	(erf) = vrcp.f32 v21;
	_ =	sdelay $0x8  }
0xf6: {  	[tilespmem:$0x1FE60] =	vst v52;
	v52 =	vor.u32 $0x13, v2;
	v26 =	vpop (erf)  }
0xf7: {  	v26 =	vmul.f32 $1.442695020e+00, v26;
	_ =	sdelay $0x1  }
0xf8: {  	(erf) = vpow2.f32 v26;
	_ =	sdelay $0x1  }
0xf9: {  	v54 =	vld.idx.msk [tilespmem:v52+s2+$0x0], $0xffff;
	_ =	sdelay $0x4  }
0xfa: {  	v26 =	vsub.f32 $0.0e+00, v54;
	_ =	sdelay $0x1  }
0xfb: {  	[tilespmem:$0x1FE40] =	vst v55;
	v26 =	vmul.f32 $1.442695020e+00, v26;
	v55 =	vpop (erf)  }
0xfc: {  	(erf) = vrcp.f32 v55  }
0xfd: {  	(erf) = vpow2.f32 v26;
	_ =	sdelay $0x7  }
0xfe: {  	[tilespmem:$0x1FED0] =	vst v5;
	v5 =	vpop (erf)  }
0xff: {  	v26 =	vpop (erf)  }
0x100: {  	v26 =	vadd.f32 $1.000000000e+00, v26;
	_ =	sdelay $0x1  }
0x101: {  	(erf) = vrcp.f32 v26;
	_ =	sdelay $0x7  }
0x102: {  	[tilespmem:$0x1FEE0] =	vst v44  }
0x103: {  	[tilespmem:$0x1FF30] =	vst v46;
	v46 =	vor.u32 $0x14, v2;
	v44 =	vpop (erf)  }
0x104: {  	v44 =	vmul.f32 $1.442695020e+00, v44;
	_ =	sdelay $0x1  }
0x105: {  	(erf) = vpow2.f32 v44;
	_ =	sdelay $0x1  }
0x106: {  	v58 =	vld.idx.msk [tilespmem:v46+s2+$0x0], $0xffff;
	_ =	sdelay $0x4  }
0x107: {  	v44 =	vsub.f32 $0.0e+00, v58;
	_ =	sdelay $0x1  }
0x108: {  	[tilespmem:$0x1FEB0] =	vst v59;
	v44 =	vmul.f32 $1.442695020e+00, v44;
	v59 =	vpop (erf)  }
0x109: {  	(erf) = vrcp.f32 v59  }
0x10a: {  	(erf) = vpow2.f32 v44;
	_ =	sdelay $0x7  }
0x10b: {  	[tilespmem:$0x1FF20] =	vst v5;
	v5 =	vpop (erf)  }
0x10c: {  	v44 =	vpop (erf)  }
0x10d: {  	v44 =	vadd.f32 $1.000000000e+00, v44;
	_ =	sdelay $0x1  }
0x10e: {  	(erf) = vrcp.f32 v44;
	_ =	sdelay $0x6  }
0x10f: {  	[tilespmem:$0x1FEC0] =	vst v47;
	v47 =	vor.u32 $0x15, v2;
	_ =	sdelay $0x1  }
0x110: {  	[tilespmem:$0x1FF50] =	vst v5;
	v5 =	vpop (erf)  }
0x111: {  	[tilespmem:$0x1FF60] =	vst v46;
	v46 =	vmul.f32 $1.442695020e+00, v5;
	_ =	sdelay $0x1  }
0x112: {  	[tilespmem:$0x1FFA0] =	vst v47;
	v47 =	vld.idx.msk [tilespmem:v47+s2+$0x0], $0xffff;
	(erf) = vpow2.f32 v46;
	_ =	sdelay $0x2  }
0x113: {  	[tilespmem:$0x1FF10] =	vst v52;
	v52 =	vand.u32 $0x7FFFFF, v30  }
0x114: {  	v46 =	vor.u32 $0x3F800000, v52  }
0x115: {  	[tilespmem:$0x1FF70] =	vst v54;
	v54 =	vsub.f32 $0.0e+00, v47;
	v52 =	vadd.f32 $-1.000000000e+00, v46;
	_ =	sdelay $0x1  }
0x116: {  	v46 =	vmul.f32 $1.442695020e+00, v54;
	v54 =	vmul.f32 $4.342836510e-02, v52  }
0x117: {  	[tilespmem:$0x1FFB0] =	vst v58  }
0x118: {  	[tilespmem:$0x1FF00] =	vst v55;
	v58 =	vadd.f32 $-1.877204920e-01, v54;
	v55 =	vpop (erf)  }
0x119: {  	[tilespmem:$0x1FF40] =	vst v59;
	v59 =	vand.u32 $0x7FFFFF, v0;
	(erf) = vrcp.f32 v55  }
0x11a: {  	v54 =	vor.u32 $0x3F800000, v59;
	(erf) = vpow2.f32 v46;
	v46 =	vmul.f32 v58, v52  }
0x11b: {  	v54 =	vadd.f32 $-1.000000000e+00, v54  }
0x11c: {  	v46 =	vadd.f32 $4.087189440e-01, v46  }
0x11d: {  	[tilespmem:$0x1FF80] =	vst v55;
	v55 =	vmul.f32 $4.342836510e-02, v54  }
0x11e: {  	v46 =	vmul.f32 v46, v52  }
0x11f: {  	v55 =	vadd.f32 $-1.877204920e-01, v55  }
0x120: {  	v46 =	vadd.f32 $-7.057026020e-01, v46  }
0x121: {  	v55 =	vmul.f32 v55, v54  }
0x122: {  	v3 =	vld.idx.msk [tilespmem:v3+s8+$0x0], $0xffff;
	v5 =	vpop (erf);
	v46 =	vmul.f32 v46, v52  }
0x123: {  	v8 =	vld.idx.msk [tilespmem:v8+s8+$0x0], $0xffff;
	v55 =	vadd.f32 $4.087189440e-01, v55;
	[tilespmem:$0x1FF90] =	vst v5;
	v5 =	vpop (erf)  }
0x124: {  	v29 =	vld.idx.msk [tilespmem:v29+s8+$0x0], $0xffff;
	[tilespmem:$0x1FFC0] =	vst v47;
	v47 =	vadd.f32 $1.000000000e+00, v5;
	v46 =	vadd.f32 $1.441267130e+00, v46  }
0x125: {  	v30 =	vshrl.u32 v30, $0x17;
	v58 =	vand.u32 $0x7FFFFF, v35;
	v55 =	vmul.f32 v55, v54  }
0x126: {  	v59 =	vld.idx.msk [tilespmem:v2+s8+$0x0], $0xffff;
	v58 =	vor.u32 $0x3F800000, v58;
	(erf) = vrcp.f32 v47;
	v46 =	vmul.f32 v46, v52  }
0x127: {  	vm1 =	veq.s32 v3, $0x0;
	v30 =	vadd.s32 $0xFFFFFF81, v30;
	v52 =	vadd.f32 $-1.000000000e+00, v58  }
0x128: {  	v30 =	vcvt.s32.f32 v30;
	v55 =	vadd.f32 $-7.057026020e-01, v55;
	v46 =	vadd.f32 $3.193085650e-05, v46  }
0x129: {  	vm13 =	veq.s32 v8, $0x0;
	vm14 =	veq.s32 v29, $0x0;
	v58 =	vmul.f32 $4.342836510e-02, v52  }
0x12a: {  	v10 =	vld.idx.msk [tilespmem:v10+s8+$0x0], $0xffff;
	v4 =	vadd.f32 $0.0e+00, v4;
	v55 =	vmul.f32 v55, v54;
	v30 =	vadd.f32 v30, v46  }
0x12b: {  	v1 =	vnsel vm1, $0x0, v1;
	vm0 =	veq.s32 v59, $0x0;
	v58 =	vadd.f32 $-1.877204920e-01, v58  }
0x12c: {  	v6 =	vnsel vm0, $0x0, v6;
	v30 =	vadd.f32 v30, v60;
	v60 =	vadd.f32 $1.441267130e+00, v55  }
0x12d: {  	v4 =	vnsel vm0, $0x0, v4;
	v6 =	vadd.f32 v6, v31;
	v31 =	vmul.f32 v58, v52  }
0x12e: {  	v5 =	vadd.f32 v1, v4;
	v4 =	vmul.f32 v60, v54;
	v60 =	vand.u32 $0x7FFFFF, v25  }
0x12f: {  	vm5 =	veq.s32 v10, $0x0;
	v31 =	vadd.f32 $4.087189440e-01, v31;
	v58 =	vpop (erf);
	v46 =	vor.u32 $0x3F800000, v60;
	v60 =	vld [tilespmem:$0x1FC90]  }
0x130: {  	v0 =	vshrl.u32 v0, $0x17;
	v1 =	vor.u32 $0x16, v2;
	v55 =	vmul.f32 $1.442695020e+00, v58;
	v58 =	vld [tilespmem:$0x1FC80]  }
0x131: {  	v22 =	vnsel vm13, $0x0, v22;
	v63 =	vld.idx.msk [tilespmem:v63+s8+$0x0], $0xffff;
	v0 =	vadd.s32 $0xFFFFFF81, v0;
	v31 =	vmul.f32 v31, v52  }
0x132: {  	v12 =	vnsel vm14, $0x0, v12;
	v0 =	vcvt.s32.f32 v0;
	v4 =	vadd.f32 $3.193085650e-05, v4  }
0x133: {  	v62 =	vnsel vm5, $0x0, v62;
	v7 =	vnsel vm13, $0x0, v7;
	v31 =	vadd.f32 $-7.057026020e-01, v31  }
0x134: {  	v46 =	vadd.f32 $-1.000000000e+00, v46;
	(erf) = vpow2.f32 v55;
	v0 =	vadd.f32 v0, v4  }
0x135: {  	v55 =	vsel vm1, $0x0, v60;
	v31 =	vmul.f32 v31, v52;
	v60 =	vld.idx.msk [tilespmem:v1+s2+$0x0], $0xffff;
	v54 =	vadd.f32 $0.0e+00, v58  }
0x136: {  	vm10 =	veq.s32 v63, $0x0;
	v13 =	vnsel vm5, $0x0, v13;
	v58 =	vmul.f32 $4.342836510e-02, v46  }
0x137: {  	v0 =	vadd.f32 v0, v30;
	v31 =	vadd.f32 $1.441267130e+00, v31;
	v54 =	vsel vm0, $0x0, v54  }
0x138: {  	v3 =	vadd.s32 v59, v3;
	v58 =	vadd.f32 $-1.877204920e-01, v58;
	v54 =	vadd.f32 v55, v54  }
0x139: {  	v55 =	vnsel vm1, $0x0, v34;
	v52 =	vmul.f32 v31, v52;
	v31 =	vshrl.u32 v35, $0x17  }
0x13a: {  	v4 =	vadd.f32 v55, v6;
	v30 =	vmul.f32 v58, v46;
	v55 =	vsub.f32 $0.0e+00, v60  }
0x13b: {  	v31 =	vadd.s32 $0xFFFFFF81, v31;
	v58 =	vand.u32 $0x7FFFFF, v14;
	v6 =	vadd.f32 $3.193085650e-05, v52  }
0x13c: {  	v52 =	vor.u32 $0x3F800000, v58;
	v30 =	vadd.f32 $4.087189440e-01, v30;
	v35 =	vmul.f32 $1.442695020e+00, v55;
	v55 =	vld [tilespmem:$0x1FCA0]  }
0x13d: {  	[tilespmem:$0x1FFD0] =	vst v1;
	v1 =	vadd.f32 v7, v5;
	v31 =	vcvt.s32.f32 v31;
	v34 =	vpop (erf);
	v7 =	vadd.f32 $-1.000000000e+00, v52  }
0x13e: {  	v3 =	vadd.s32 v8, v3;
	(erf) = vrcp.f32 v34;
	v30 =	vmul.f32 v30, v46  }
0x13f: {  	v25 =	vshrl.u32 v25, $0x17;
	(erf) = vpow2.f32 v35;
	v58 =	vmul.f32 $4.342836510e-02, v7  }
0x140: {  	v25 =	vadd.s32 $0xFFFFFF81, v25;
	v6 =	vadd.f32 v31, v6;
	v30 =	vadd.f32 $-7.057026020e-01, v30  }
0x141: {  	v4 =	vadd.f32 v22, v4;
	v52 =	vadd.f32 $-1.877204920e-01, v58;
	v31 =	vsel vm13, $0x0, v55  }
0x142: {  	v0 =	vadd.f32 v6, v0;
	v55 =	vld [tilespmem:$0x1FCB0];
	v31 =	vadd.f32 v31, v54;
	v59 =	vmul.f32 v30, v46  }
0x143: {  	v30 =	vnsel vm14, $0x0, v32;
	v54 =	vand.u32 $0x7FFFFF, v39;
	v6 =	vmul.f32 v52, v7  }
0x144: {  	v1 =	vadd.f32 v30, v1;
	v30 =	vor.u32 $0x3F800000, v54;
	v22 =	vadd.f32 $1.441267130e+00, v59  }
0x145: {  	v3 =	vadd.s32 v29, v3;
	v25 =	vcvt.s32.f32 v25;
	v32 =	vld.idx.msk [tilespmem:v36+s8+$0x0], $0xffff;
	v30 =	vadd.f32 $-1.000000000e+00, v30  }
0x146: {  	v14 =	vshrl.u32 v14, $0x17;
	v6 =	vadd.f32 $4.087189440e-01, v6;
	v22 =	vmul.f32 v22, v46  }
0x147: {  	v14 =	vadd.s32 $0xFFFFFF81, v14;
	v58 =	vsel vm14, $0x0, v55;
	v52 =	vpop (erf);
	v59 =	vmul.f32 $4.342836510e-02, v30  }
0x148: {  	v6 =	vmul.f32 v6, v7;
	v54 =	vpop (erf);
	v31 =	vadd.f32 v58, v31;
	v22 =	vadd.f32 $3.193085650e-05, v22  }
0x149: {  	v14 =	vcvt.s32.f32 v14;
	v35 =	vld [tilespmem:$0x1FCC0];
	v36 =	vadd.f32 $1.000000000e+00, v54;
	v58 =	vadd.f32 $-1.877204920e-01, v59  }
0x14a: {  	v4 =	vadd.f32 v12, v4;
	vm15 =	veq.s32 v32, $0x0;
	v6 =	vadd.f32 $-7.057026020e-01, v6  }
0x14b: {  	v55 =	vadd.f32 v25, v22;
	(erf) = vrcp.f32 v36;
	v59 =	vmul.f32 v58, v30  }
0x14c: {  	v6 =	vmul.f32 v6, v7;
	v22 =	vand.u32 $0x7FFFFF, v11;
	v25 =	vnsel vm15, $0x0, v23  }
0x14d: {  	v8 =	vor.u32 $0x3F800000, v22;
	v1 =	vadd.f32 v25, v1;
	v12 =	vadd.f32 $4.087189440e-01, v59  }
0x14e: {  	v46 =	vsel vm15, $0x0, v35;
	v6 =	vadd.f32 $1.441267130e+00, v6;
	v8 =	vadd.f32 $-1.000000000e+00, v8  }
0x14f: {  	v22 =	vadd.f32 v46, v31;
	v0 =	vadd.f32 v55, v0;
	v12 =	vmul.f32 v12, v30  }
0x150: {  	v55 =	vnsel vm15, $0x0, v49;
	v6 =	vmul.f32 v6, v7;
	v7 =	vld.idx.msk [tilespmem:v15+s8+$0x0], $0xffff;
	v54 =	vmul.f32 $4.342836510e-02, v8  }
0x151: {  	v3 =	vadd.s32 v32, v3;
	v4 =	vadd.f32 v55, v4;
	v12 =	vadd.f32 $-7.057026020e-01, v12  }
0x152: {  	v35 =	vld [tilespmem:$0x1FCD0];
	v49 =	vor.u32 $0x17, v2;
	v6 =	vadd.f32 $3.193085650e-05, v6;
	v15 =	vadd.f32 $-1.877204920e-01, v54  }
0x153: {  	v55 =	vand.u32 $0x7FFFFF, v16;
	v54 =	vshrl.u32 v39, $0x17;
	v12 =	vmul.f32 v12, v30  }
0x154: {  	v15 =	vmul.f32 v15, v8;
	v6 =	vadd.f32 v14, v6;
	v14 =	vadd.s32 $0xFFFFFF81, v54  }
0x155: {  	v58 =	vpop (erf);
	vm4 =	veq.s32 v7, $0x0;
	v14 =	vcvt.s32.f32 v14;
	v3 =	vadd.s32 v7, v3  }
0x156: {  	v59 =	vmul.f32 $1.442695020e+00, v58;
	v12 =	vadd.f32 $1.441267130e+00, v12;
	v23 =	vnsel vm4, $0x0, v20  }
0x157: {  	v39 =	vld.idx.msk [tilespmem:v49+s2+$0x0], $0xffff;
	v15 =	vadd.f32 $4.087189440e-01, v15;
	v0 =	vadd.f32 v6, v0;
	v46 =	vsel vm4, $0x0, v35  }
0x158: {  	v54 =	vld [tilespmem:$0x1FCE0];
	v20 =	vor.u32 $0x3F800000, v55;
	v58 =	vnsel vm4, $0x0, v61;
	v1 =	vadd.f32 v23, v1  }
0x159: {  	v3 =	vadd.s32 v10, v3;
	v20 =	vadd.f32 $-1.000000000e+00, v20;
	v4 =	vadd.f32 v58, v4  }
0x15a: {  	v58 =	vshrl.u32 v11, $0x17;
	v23 =	vand.u32 $0x7FFFFF, v42;
	(erf) = vpow2.f32 v59  }
0x15b: {  	v25 =	vmul.f32 v12, v30;
	v15 =	vmul.f32 v15, v8;
	v12 =	vadd.f32 v46, v22  }
0x15c: {  	v61 =	vsub.f32 $0.0e+00, v39;
	v46 =	vand.u32 $0x7FFFFF, v57;
	v5 =	vadd.s32 $0xFFFFFF81, v58  }
0x15d: {  	v59 =	vmul.f32 $4.342836510e-02, v20;
	v1 =	vadd.f32 v13, v1;
	v55 =	vsel vm5, $0x0, v54  }
0x15e: {  	v13 =	vor.u32 $0x3F800000, v46;
	v5 =	vcvt.s32.f32 v5;
	v4 =	vadd.f32 v62, v4  }
0x15f: {  	v46 =	vshrl.u32 v16, $0x17;
	v6 =	vadd.f32 $3.193085650e-05, v25;
	v15 =	vadd.f32 $-7.057026020e-01, v15  }
0x160: {  	v54 =	vand.u32 $0x7FFFFF, v9;
	v9 =	vshrl.u32 v9, $0x17;
	v13 =	vadd.f32 $-1.000000000e+00, v13  }
0x161: {  	v6 =	vadd.f32 v14, v6;
	v15 =	vmul.f32 v15, v8;
	v14 =	vadd.f32 $-1.877204920e-01, v59;
	v59 =	vld.idx.msk [tilespmem:v17+s8+$0x0], $0xffff  }
0x162: {  	v32 =	vmul.f32 $1.442695020e+00, v61;
	v9 =	vadd.s32 $0xFFFFFF81, v9;
	v11 =	vmul.f32 $4.342836510e-02, v13  }
0x163: {  	v12 =	vadd.f32 v55, v12;
	v9 =	vcvt.s32.f32 v9;
	v25 =	vadd.f32 $1.441267130e+00, v15  }
0x164: {  	v35 =	vmul.f32 v14, v20;
	v17 =	vadd.f32 $-1.877204920e-01, v11;
	v11 =	vor.u32 $0x3F800000, v54  }
0x165: {  	v0 =	vadd.f32 v6, v0;
	v11 =	vadd.f32 $-1.000000000e+00, v11;
	v6 =	vmul.f32 v25, v8  }
0x166: {  	v8 =	vadd.f32 $4.087189440e-01, v35;
	v7 =	vmul.f32 v17, v13;
	v61 =	vpop (erf);
	vm6 =	veq.s32 v59, $0x0  }
0x167: {  	v3 =	vadd.s32 v59, v3;
	v59 =	vmul.f32 $4.342836510e-02, v11;
	(erf) = vrcp.f32 v61  }
0x168: {  	v25 =	vld [tilespmem:$0x1FCF0];
	v6 =	vadd.f32 $3.193085650e-05, v6;
	v8 =	vmul.f32 v8, v20;
	v22 =	vnsel vm6, $0x0, v18  }
0x169: {  	v15 =	vld.idx.msk [tilespmem:v48+s8+$0x0], $0xffff;
	v7 =	vadd.f32 $4.087189440e-01, v7;
	v45 =	vnsel vm6, $0x0, v45;
	v1 =	vadd.f32 v22, v1  }
0x16a: {  	(erf) = vpow2.f32 v32;
	v5 =	vadd.f32 v5, v6;
	v14 =	vadd.f32 $-7.057026020e-01, v8  }
0x16b: {  	v4 =	vadd.f32 v45, v4;
	v45 =	vor.u32 $0x18, v2;
	v7 =	vmul.f32 v7, v13  }
0x16c: {  	v8 =	vor.u32 $0x3F800000, v23;
	v0 =	vadd.f32 v5, v0;
	v6 =	vmul.f32 v14, v20  }
0x16d: {  	v5 =	vadd.f32 $-1.000000000e+00, v8;
	v8 =	vsel vm6, $0x0, v25;
	v14 =	vld.idx.msk [tilespmem:v28+s8+$0x0], $0xffff;
	v7 =	vadd.f32 $-7.057026020e-01, v7  }
0x16e: {  	vm8 =	veq.s32 v15, $0x0;
	v8 =	vadd.f32 v8, v12;
	v6 =	vadd.f32 $1.441267130e+00, v6  }
0x16f: {  	v12 =	vadd.s32 $0xFFFFFF81, v46;
	v32 =	vmul.f32 $4.342836510e-02, v5;
	v7 =	vmul.f32 v7, v13  }
0x170: {  	v25 =	vnsel vm8, $0x0, v51;
	v12 =	vcvt.s32.f32 v12;
	v6 =	vmul.f32 v6, v20  }
0x171: {  	v10 =	vadd.f32 $-1.877204920e-01, v32;
	v7 =	vadd.f32 $1.441267130e+00, v7;
	v32 =	vshrl.u32 v42, $0x17  }
0x172: {  	vm7 =	veq.s32 v14, $0x0;
	v14 =	vadd.s32 v14, v3;
	v6 =	vadd.f32 $3.193085650e-05, v6  }
0x173: {  	v18 =	vld [tilespmem:$0x1FD00];
	v31 =	vpop (erf);
	v10 =	vmul.f32 v10, v5;
	v55 =	vnsel vm7, $0x0, v19;
	v58 =	vmul.f32 v7, v13  }
0x174: {  	v35 =	vpop (erf);
	v19 =	vshrl.u32 v57, $0x17;
	v7 =	vadd.f32 $-1.877204920e-01, v59;
	v23 =	vnsel vm7, $0x0, v41  }
0x175: {  	v42 =	vld.idx.msk [tilespmem:v38+s8+$0x0], $0xffff;
	v59 =	vand.u32 $0x7FFFFF, v53;
	v62 =	vadd.f32 $1.000000000e+00, v35;
	v1 =	vadd.f32 v55, v1  }
0x176: {  	v13 =	vadd.s32 $0xFFFFFF81, v19;
	v4 =	vadd.f32 v23, v4;
	v35 =	vand.u32 $0x7FFFFF, v56  }
0x177: {  	v6 =	vadd.f32 v12, v6;
	v10 =	vadd.f32 $4.087189440e-01, v10;
	(erf) = vrcp.f32 v62  }
0x178: {  	v12 =	vsel vm7, $0x0, v18;
	v13 =	vcvt.s32.f32 v13;
	v7 =	vmul.f32 v7, v11  }
0x179: {  	v8 =	vadd.f32 v12, v8;
	v1 =	vadd.f32 v25, v1;
	v10 =	vmul.f32 v10, v5  }
0x17a: {  	vm9 =	veq.s32 v42, $0x0;
	v0 =	vadd.f32 v6, v0;
	v7 =	vadd.f32 $4.087189440e-01, v7  }
0x17b: {  	v6 =	vadd.f32 $3.193085650e-05, v58;
	v57 =	vnsel vm9, $0x0, v33;
	v10 =	vadd.f32 $-7.057026020e-01, v10  }
0x17c: {  	v12 =	vadd.s32 $0xFFFFFF81, v32;
	v1 =	vadd.f32 v57, v1;
	v7 =	vmul.f32 v7, v11  }
0x17d: {  	v6 =	vadd.f32 v13, v6;
	v13 =	vor.u32 $0x3F800000, v35;
	v10 =	vmul.f32 v10, v5  }
0x17e: {  	v41 =	vld [tilespmem:$0x1FD10];
	v25 =	vnsel vm10, $0x0, v43;
	v13 =	vadd.f32 $-1.000000000e+00, v13;
	v7 =	vadd.f32 $-7.057026020e-01, v7  }
0x17f: {  	v12 =	vcvt.s32.f32 v12;
	v0 =	vadd.f32 v6, v0;
	v6 =	vld.idx.msk [tilespmem:v45+s2+$0x0], $0xffff;
	v10 =	vadd.f32 $1.441267130e+00, v10  }
0x180: {  	v46 =	vld [tilespmem:$0x1FD20];
	v32 =	vand.u32 $0x7FFFFF, v50;
	v48 =	vmul.f32 $4.342836510e-02, v13;
	v7 =	vmul.f32 v7, v11;
	v20 =	vpop (erf)  }
0x181: {  	v1 =	vadd.f32 v25, v1;
	v5 =	vmul.f32 v10, v5;
	v22 =	vmul.f32 $1.442695020e+00, v20  }
0x182: {  	v33 =	vor.u32 $0x3F800000, v32;
	v54 =	vadd.f32 $-1.877204920e-01, v48;
	v7 =	vadd.f32 $1.441267130e+00, v7  }
0x183: {  	v48 =	vshrl.u32 v56, $0x17;
	v5 =	vadd.f32 $3.193085650e-05, v5;
	(erf) = vpow2.f32 v22  }
0x184: {  	v58 =	vld [tilespmem:$0x1FD30];
	v10 =	vsel vm8, $0x0, v41;
	v51 =	vsub.f32 $0.0e+00, v6;
	v7 =	vmul.f32 v7, v11  }
0x185: {  	v35 =	vld [tilespmem:$0x1FD50];
	v8 =	vadd.f32 v10, v8;
	v10 =	vnsel vm8, $0x0, v46;
	v5 =	vadd.f32 v12, v5  }
0x186: {  	v55 =	vmul.f32 $1.442695020e+00, v51;
	v51 =	vld [tilespmem:$0x1FD70];
	v12 =	vor.u32 $0x3F800000, v59;
	v7 =	vadd.f32 $3.193085650e-05, v7  }
0x187: {  	v12 =	vadd.f32 $-1.000000000e+00, v12;
	v0 =	vadd.f32 v5, v0;
	v5 =	vmul.f32 v54, v13  }
0x188: {  	v20 =	vadd.s32 v15, v14;
	v4 =	vadd.f32 v10, v4;
	v7 =	vadd.f32 v9, v7  }
0x189: {  	v18 =	vld [tilespmem:$0x1FD40];
	v11 =	vsel vm9, $0x0, v58;
	v19 =	vmul.f32 $4.342836510e-02, v12;
	v5 =	vadd.f32 $4.087189440e-01, v5  }
0x18a: {  	v10 =	vsel vm10, $0x0, v35;
	v23 =	vadd.f32 v7, v0;
	v7 =	vadd.f32 $-1.000000000e+00, v33  }
0x18b: {  	v8 =	vadd.f32 v11, v8;
	v11 =	vadd.s32 v42, v20;
	v0 =	vadd.f32 $-1.877204920e-01, v19  }
0x18c: {  	v59 =	vand.u32 $0x7FFFFF, v40;
	v5 =	vmul.f32 v5, v13;
	v43 =	vmul.f32 $4.342836510e-02, v7;
	v3 =	vpop (erf)  }
0x18d: {  	v42 =	vld [tilespmem:$0x1FD60];
	v8 =	vadd.f32 v10, v8;
	v0 =	vmul.f32 v0, v12;
	(erf) = vrcp.f32 v3  }
0x18e: {  	v9 =	vnsel vm9, $0x0, v18;
	v18 =	vld.idx.msk [tilespmem:v51+s8+$0x0], $0xffff;
	v22 =	vadd.f32 $-7.057026020e-01, v5;
	(erf) = vpow2.f32 v55  }
0x18f: {  	v11 =	vadd.s32 v63, v11;
	v63 =	vld [tilespmem:$0x1FD80];
	v14 =	vadd.f32 $-1.877204920e-01, v43;
	v0 =	vadd.f32 $4.087189440e-01, v0  }
0x190: {  	v30 =	vld.idx.msk [tilespmem:v49+s8+$0x0], $0xffff;
	v9 =	vadd.f32 v9, v4;
	v5 =	vor.u32 $0x19, v2;
	v4 =	vmul.f32 v22, v13  }
0x191: {  	v55 =	vadd.s32 $0xFFFFFF81, v48;
	v57 =	vmul.f32 v14, v7;
	v54 =	vmul.f32 v0, v12  }
0x192: {  	v22 =	vshrl.u32 v53, $0x17;
	v15 =	vcvt.s32.f32 v55;
	v38 =	vadd.f32 $1.441267130e+00, v4  }
0x193: {  	vm11 =	veq.s32 v18, $0x0;
	v11 =	vadd.s32 v18, v11;
	v56 =	vadd.f32 $-7.057026020e-01, v54  }
0x194: {  	v16 =	vnsel vm11, $0x0, v63;
	v41 =	vmul.f32 v38, v13;
	v13 =	vnsel vm10, $0x0, v42  }
0x195: {  	v16 =	vadd.f32 v16, v1;
	v42 =	vand.u32 $0x7FFFFF, v37;
	vm10 =	veq.s32 v30, $0x0  }
0x196: {  	v9 =	vadd.f32 v13, v9;
	v58 =	vmul.f32 v56, v12;
	v10 =	vadd.f32 $3.193085650e-05, v41;
	v4 =	vpop (erf)  }
0x197: {  	v19 =	vld [tilespmem:$0x1FD90];
	v13 =	vadd.f32 $4.087189440e-01, v57;
	v18 =	vor.u32 $0x3F800000, v42;
	v57 =	vshrl.u32 v40, $0x17;
	v46 =	vpop (erf)  }
0x198: {  	v3 =	vnsel vm10, $0x0, v3;
	v10 =	vadd.f32 v15, v10;
	v0 =	vadd.f32 $1.000000000e+00, v46  }
0x199: {  	v41 =	vshrl.u32 v50, $0x17;
	v18 =	vadd.f32 $-1.000000000e+00, v18;
	v14 =	vadd.f32 $1.441267130e+00, v58  }
0x19a: {  	v1 =	vmul.f32 v13, v7;
	v10 =	vadd.f32 v10, v23;
	v23 =	vld [tilespmem:$0x1FDA0];
	(erf) = vrcp.f32 v0  }
0x19b: {  	v35 =	vld [tilespmem:$0x1FDB0];
	v15 =	vor.u32 $0x3F800000, v59;
	v50 =	vmul.f32 $4.342836510e-02, v18;
	v59 =	vand.u32 $0x7FFFFF, v27  }
0x19c: {  	v58 =	vld [tilespmem:$0x1FE20];
	v15 =	vadd.f32 $-1.000000000e+00, v15;
	v17 =	vmul.f32 v14, v12;
	v12 =	vsel vm11, $0x0, v19  }
0x19d: {  	v1 =	vadd.f32 $-7.057026020e-01, v1;
	v4 =	vsel vm10, $0x0, v4;
	v8 =	vadd.f32 v12, v8;
	v46 =	vld [tilespmem:$0x1FDE0]  }
0x19e: {  	v12 =	vadd.s32 $0xFFFFFF81, v22;
	v53 =	vadd.f32 $-1.877204920e-01, v50;
	v20 =	vmul.f32 $4.342836510e-02, v15  }
0x19f: {  	v22 =	vor.u32 $0x3F800000, v59;
	v14 =	vadd.f32 $3.193085650e-05, v17;
	v1 =	vmul.f32 v1, v7  }
0x1a0: {  	v12 =	vcvt.s32.f32 v12;
	v17 =	vadd.s32 $0xFFFFFF81, v57;
	v13 =	vadd.f32 $-1.877204920e-01, v20  }
0x1a1: {  	v22 =	vadd.f32 $-1.000000000e+00, v22;
	v17 =	vcvt.s32.f32 v17;
	v1 =	vadd.f32 $1.441267130e+00, v1  }
0x1a2: {  	v12 =	vadd.f32 v12, v14;
	v14 =	vnsel vm11, $0x0, v35;
	v13 =	vmul.f32 v13, v15;
	v25 =	vld.idx.msk [tilespmem:v23+s8+$0x0], $0xffff  }
0x1a3: {  	v63 =	vmul.f32 $4.342836510e-02, v22;
	v9 =	vadd.f32 v14, v9;
	v7 =	vmul.f32 v1, v7;
	v1 =	vld [tilespmem:$0x1FDC0];
	v32 =	vpop (erf)  }
0x1a4: {  	v14 =	vadd.s32 $0xFFFFFF81, v41;
	v20 =	vld.idx.msk [tilespmem:v58+s8+$0x0], $0xffff;
	v13 =	vadd.f32 $4.087189440e-01, v13;
	v33 =	vmul.f32 $1.442695020e+00, v32  }
0x1a5: {  	v35 =	vand.u32 $0x7FFFFF, v24;
	v14 =	vcvt.s32.f32 v14;
	v7 =	vadd.f32 $3.193085650e-05, v7;
	v19 =	vld.idx.msk [tilespmem:v46+s8+$0x0], $0xffff  }
0x1a6: {  	v48 =	vld [tilespmem:$0x1FDF0];
	v40 =	vor.u32 $0x3F800000, v35;
	v13 =	vmul.f32 v13, v15;
	(erf) = vpow2.f32 v33  }
0x1a7: {  	v43 =	vld [tilespmem:$0x1FDD0];
	v10 =	vadd.f32 v12, v10;
	v7 =	vadd.f32 v14, v7;
	vm12 =	veq.s32 v25, $0x0  }
0x1a8: {  	v41 =	vshrl.u32 v37, $0x17;
	v13 =	vadd.f32 $-7.057026020e-01, v13;
	v38 =	vnsel vm12, $0x0, v1;
	v1 =	vld.idx.msk [tilespmem:v5+s2+$0x0], $0xffff  }
0x1a9: {  	v56 =	vld [tilespmem:$0x1FE10];
	v42 =	vadd.s32 $0xFFFFFF81, v41;
	vm14 =	veq.s32 v20, $0x0;
	v10 =	vadd.f32 v7, v10  }
0x1aa: {  	v55 =	vld [tilespmem:$0x1FE00];
	v13 =	vmul.f32 v13, v15;
	v11 =	vadd.s32 v25, v11;
	vm13 =	veq.s32 v19, $0x0  }
0x1ab: {  	v14 =	vnsel vm12, $0x0, v48;
	v11 =	vadd.s32 v19, v11;
	v12 =	vadd.f32 v38, v16  }
0x1ac: {  	v16 =	vsel vm12, $0x0, v43;
	v9 =	vadd.f32 v14, v9;
	v13 =	vadd.f32 $1.441267130e+00, v13  }
0x1ad: {  	v14 =	vmul.f32 v53, v18;
	v19 =	vadd.s32 v20, v11;
	v51 =	vsub.f32 $0.0e+00, v1  }
0x1ae: {  	v8 =	vadd.f32 v16, v8;
	v16 =	vsel vm13, $0x0, v56;
	v13 =	vmul.f32 v13, v15  }
0x1af: {  	v23 =	vld [tilespmem:$0x1FE30];
	v15 =	vnsel vm13, $0x0, v55;
	v14 =	vadd.f32 $4.087189440e-01, v14;
	v54 =	vmul.f32 $1.442695020e+00, v51;
	v7 =	vpop (erf)  }
0x1b0: {  	v12 =	vadd.f32 v15, v12;
	v15 =	vadd.f32 $-1.877204920e-01, v63;
	(erf) = vrcp.f32 v7  }
0x1b1: {  	v25 =	vld [tilespmem:$0x1FE40];
	v13 =	vadd.f32 $3.193085650e-05, v13;
	v14 =	vmul.f32 v14, v18;
	(erf) = vpow2.f32 v54  }
0x1b2: {  	v48 =	vld [tilespmem:$0x1FE60];
	v11 =	vcvt.s32.f32 v42;
	v8 =	vadd.f32 v16, v8;
	v15 =	vmul.f32 v15, v22  }
0x1b3: {  	v53 =	vand.u32 $0x7FFFFF, v21;
	v13 =	vadd.f32 v17, v13;
	v14 =	vadd.f32 $-7.057026020e-01, v14  }
0x1b4: {  	v33 =	vld [tilespmem:$0x1FE50];
	v16 =	vnsel vm13, $0x0, v23;
	v17 =	vadd.f32 $-1.000000000e+00, v40;
	v15 =	vadd.f32 $4.087189440e-01, v15  }
0x1b5: {  	v21 =	vshrl.u32 v21, $0x17;
	v9 =	vadd.f32 v16, v9;
	v32 =	vmul.f32 v14, v18  }
0x1b6: {  	v16 =	vnsel vm14, $0x0, v25;
	v50 =	vmul.f32 $4.342836510e-02, v17;
	v15 =	vmul.f32 v15, v22  }
0x1b7: {  	v21 =	vadd.s32 $0xFFFFFF81, v21;
	v12 =	vadd.f32 v16, v12;
	v51 =	vld [tilespmem:$0x1FE70];
	v38 =	vadd.f32 $1.441267130e+00, v32  }
0x1b8: {  	v21 =	vcvt.s32.f32 v21;
	v20 =	vadd.f32 $-1.877204920e-01, v50;
	v15 =	vadd.f32 $-7.057026020e-01, v15  }
0x1b9: {  	v59 =	vld [tilespmem:$0x1FEA0];
	v13 =	vadd.f32 v13, v10;
	v14 =	vsel vm14, $0x0, v33;
	v43 =	vmul.f32 v38, v18;
	v10 =	vpop (erf)  }
0x1ba: {  	v14 =	vadd.f32 v14, v8;
	v18 =	vld.idx.msk [tilespmem:v48+s8+$0x0], $0xffff;
	v20 =	vmul.f32 v20, v17;
	v15 =	vmul.f32 v15, v22;
	v46 =	vpop (erf)  }
0x1bb: {  	v63 =	vshrl.u32 v27, $0x17;
	v32 =	vld [tilespmem:$0x1FEB0];
	v16 =	vadd.f32 $3.193085650e-05, v43;
	v8 =	vadd.f32 $1.000000000e+00, v46  }
0x1bc: {  	v54 =	vld [tilespmem:$0x1FE80];
	v23 =	vnsel vm14, $0x0, v51;
	v20 =	vadd.f32 $4.087189440e-01, v20;
	v15 =	vadd.f32 $1.441267130e+00, v15  }
0x1bd: {  	v11 =	vadd.f32 v11, v16;
	v16 =	vor.u32 $0x3F800000, v53;
	(erf) = vrcp.f32 v8  }
0x1be: {  	v55 =	vld [tilespmem:$0x1FE90];
	v9 =	vadd.f32 v23, v9;
	v43 =	vshrl.u32 v24, $0x17;
	v16 =	vadd.f32 $-1.000000000e+00, v16  }
0x1bf: {  	v50 =	vld [tilespmem:$0x1FEE0];
	v58 =	vmul.f32 v20, v17;
	vm15 =	veq.s32 v18, $0x0;
	v57 =	vmul.f32 v15, v22  }
0x1c0: {  	v22 =	vadd.s32 $0xFFFFFF81, v63;
	v18 =	vadd.s32 v18, v19;
	v56 =	vmul.f32 $4.342836510e-02, v16  }
0x1c1: {  	v13 =	vadd.f32 v11, v13;
	v11 =	vnsel vm15, $0x0, v54;
	v20 =	vnsel vm15, $0x0, v59  }
0x1c2: {  	v15 =	vadd.f32 $-7.057026020e-01, v58;
	v22 =	vcvt.s32.f32 v22;
	v23 =	vadd.f32 $-1.877204920e-01, v56  }
0x1c3: {  	v25 =	vld.idx.msk [tilespmem:v32+s8+$0x0], $0xffff;
	v58 =	vand.u32 $0x7FFFFF, v44;
	v12 =	vadd.f32 v11, v12;
	v11 =	vsel vm15, $0x0, v55  }
0x1c4: {  	v41 =	vld [tilespmem:$0x1FEC0];
	v33 =	vadd.f32 $3.193085650e-05, v57;
	v20 =	vadd.f32 v20, v9;
	v23 =	vmul.f32 v23, v16  }
0x1c5: {  	v48 =	vld [tilespmem:$0x1FED0];
	v14 =	vadd.f32 v11, v14;
	v11 =	vor.u32 $0x1A, v2;
	v35 =	vmul.f32 v15, v17  }
0x1c6: {  	v63 =	vld [tilespmem:$0x1FF20];
	v46 =	vand.u32 $0x7FFFFF, v26;
	v38 =	vadd.f32 v22, v33;
	v40 =	vadd.f32 $4.087189440e-01, v23;
	v28 =	vpop (erf)  }
0x1c7: {  	v24 =	vld.idx.msk [tilespmem:v50+s8+$0x0], $0xffff;
	v22 =	vadd.s32 $0xFFFFFF81, v43;
	v9 =	vadd.f32 $1.441267130e+00, v35;
	v37 =	vmul.f32 $1.442695020e+00, v28  }
0x1c8: {  	v54 =	vld [tilespmem:$0x1FEF0];
	vm4 =	veq.s32 v25, $0x0;
	v13 =	vadd.f32 v38, v13;
	v42 =	vmul.f32 v40, v16  }
0x1c9: {  	v59 =	vld [tilespmem:$0x1FF10];
	v17 =	vmul.f32 v9, v17;
	v23 =	vor.u32 $0x3F800000, v46;
	(erf) = vpow2.f32 v37  }
0x1ca: {  	v15 =	vnsel vm4, $0x0, v41;
	v9 =	vld.idx.msk [tilespmem:v11+s2+$0x0], $0xffff;
	v23 =	vadd.f32 $-1.000000000e+00, v23;
	v19 =	vadd.f32 $-7.057026020e-01, v42  }
0x1cb: {  	v22 =	vcvt.s32.f32 v22;
	v12 =	vadd.f32 v15, v12;
	v17 =	vadd.f32 $3.193085650e-05, v17  }
0x1cc: {  	v15 =	vsel vm4, $0x0, v48;
	v53 =	vmul.f32 $4.342836510e-02, v23;
	v19 =	vmul.f32 v19, v16  }
0x1cd: {  	vm5 =	veq.s32 v24, $0x0;
	v14 =	vadd.f32 v15, v14;
	v51 =	vadd.f32 v22, v17  }
0x1ce: {  	v57 =	vld [tilespmem:$0x1FF00];
	v27 =	vsel vm5, $0x0, v63;
	v17 =	vadd.f32 $-1.877204920e-01, v53;
	v19 =	vadd.f32 $1.441267130e+00, v19  }
0x1cf: {  	v22 =	vnsel vm4, $0x0, v54;
	v14 =	vadd.f32 v27, v14;
	v55 =	vsub.f32 $0.0e+00, v9  }
0x1d0: {  	v5 =	vld.idx.msk [tilespmem:v5+s8+$0x0], $0xffff;
	v17 =	vmul.f32 v17, v23;
	v16 =	vmul.f32 v19, v16;
	v19 =	vor.u32 $0x3F800000, v58  }
0x1d1: {  	v18 =	vadd.s32 v25, v18;
	v25 =	vld.idx.msk [tilespmem:v59+s8+$0x0], $0xffff;
	v20 =	vadd.f32 v22, v20;
	v19 =	vadd.f32 $-1.000000000e+00, v19  }
0x1d2: {  	v32 =	vld [tilespmem:$0x1FF30];
	v15 =	vadd.f32 v51, v13;
	v56 =	vmul.f32 $1.442695020e+00, v55;
	v17 =	vadd.f32 $4.087189440e-01, v17;
	v13 =	vpop (erf)  }
0x1d3: {  	v33 =	vld [tilespmem:$0x1FF40];
	v22 =	vnsel vm5, $0x0, v57;
	v27 =	vmul.f32 $4.342836510e-02, v19;
	(erf) = vrcp.f32 v13  }
0x1d4: {  	v38 =	vld [tilespmem:$0x1FF50];
	v12 =	vadd.f32 v22, v12;
	v17 =	vmul.f32 v17, v23;
	(erf) = vpow2.f32 v56  }
0x1d5: {  	vm12 =	veq.s32 v5, $0x0;
	v42 =	vld [tilespmem:$0x1FF60];
	v16 =	vadd.f32 $3.193085650e-05, v16;
	v22 =	vadd.f32 $-1.877204920e-01, v27  }
0x1d6: {  	v1 =	vnsel vm12, $0x0, v1;
	vm6 =	veq.s32 v25, $0x0;
	v17 =	vadd.f32 $-7.057026020e-01, v17  }
0x1d7: {  	v16 =	vadd.f32 v21, v16;
	v21 =	vnsel vm5, $0x0, v32;
	v37 =	vmul.f32 v22, v19  }
0x1d8: {  	v18 =	vadd.s32 v24, v18;
	v20 =	vadd.f32 v21, v20;
	v21 =	vnsel vm6, $0x0, v33  }
0x1d9: {  	v17 =	vmul.f32 v17, v23;
	v35 =	vadd.f32 v21, v12;
	v12 =	vadd.f32 $4.087189440e-01, v37  }
0x1da: {  	v41 =	vshrl.u32 v26, $0x17;
	v40 =	vand.u32 $0x7FFFFF, v47;
	v21 =	vsel vm6, $0x0, v38  }
0x1db: {  	v51 =	vld [tilespmem:$0x1FF70];
	v17 =	vadd.f32 $1.441267130e+00, v17;
	v22 =	vor.u32 $0x3F800000, v40;
	v46 =	vmul.f32 v12, v19  }
0x1dc: {  	v63 =	vshrl.u32 v44, $0x17;
	v32 =	vld [tilespmem:$0x1FFA0];
	v21 =	vadd.f32 v21, v14;
	v22 =	vadd.f32 $-1.000000000e+00, v22;
	v14 =	vpop (erf)  }
0x1dd: {  	v24 =	vadd.s32 $0xFFFFFF81, v41;
	v17 =	vmul.f32 v17, v23;
	v23 =	vld.idx.msk [tilespmem:v42+s8+$0x0], $0xffff;
	v50 =	vadd.f32 $-7.057026020e-01, v46;
	v43 =	vpop (erf)  }
0x1de: {  	v24 =	vcvt.s32.f32 v24;
	v48 =	vmul.f32 $4.342836510e-02, v22;
	v12 =	vadd.f32 $1.000000000e+00, v43  }
0x1df: {  	v54 =	vld [tilespmem:$0x1FF80];
	v57 =	vand.u32 $0x7FFFFF, v36;
	v17 =	vadd.f32 $3.193085650e-05, v17;
	v53 =	vmul.f32 v50, v19  }
0x1e0: {  	v18 =	vadd.s32 v25, v18;
	v26 =	vadd.f32 $-1.877204920e-01, v48;
	(erf) = vrcp.f32 v12  }
0x1e1: {  	v17 =	vadd.f32 v24, v17;
	v24 =	vnsel vm6, $0x0, v51;
	v56 =	vadd.f32 $1.441267130e+00, v53  }
0x1e2: {  	v58 =	vld [tilespmem:$0x1FF90];
	v15 =	vadd.f32 v16, v15;
	v20 =	vadd.f32 v24, v20;
	vm7 =	veq.s32 v23, $0x0  }
0x1e3: {  	v55 =	vmul.f32 v26, v22;
	v24 =	vor.u32 $0x3F800000, v57;
	v16 =	vmul.f32 v56, v19  }
0x1e4: {  	v15 =	vadd.f32 v17, v15;
	v17 =	vnsel vm7, $0x0, v54;
	v59 =	vadd.f32 $-1.000000000e+00, v24;
	v24 =	vld.idx.msk [tilespmem:v32+s8+$0x0], $0xffff  }
0x1e5: {  	v25 =	vadd.f32 $4.087189440e-01, v55;
	v33 =	vadd.f32 $3.193085650e-05, v16;
	v16 =	vor.u32 $0x1B, v2;
	v2 =	vld [tilespmem:$0x1FFB0]  }
0x1e6: {  	v18 =	vadd.s32 v23, v18;
	v17 =	vadd.f32 v17, v35;
	v35 =	vmul.f32 $4.342836510e-02, v59  }
0x1e7: {  	v23 =	vadd.s32 $0xFFFFFF81, v63;
	v26 =	vsel vm7, $0x0, v58;
	v25 =	vmul.f32 v25, v22  }
0x1e8: {  	v23 =	vcvt.s32.f32 v23;
	v50 =	vand.u32 $0x7FFFFF, v0;
	v27 =	vadd.f32 $-1.877204920e-01, v35  }
0x1e9: {  	v11 =	vld.idx.msk [tilespmem:v11+s8+$0x0], $0xffff;
	v21 =	vadd.f32 v26, v21;
	v25 =	vadd.f32 $-7.057026020e-01, v25;
	vm8 =	veq.s32 v24, $0x0;
	v28 =	vpop (erf)  }
0x1ea: {  	v42 =	vld [tilespmem:$0x1FFC0];
	v38 =	vmul.f32 v27, v59;
	v2 =	vnsel vm7, $0x0, v2;
	v28 =	vmul.f32 $1.442695020e+00, v28  }
0x1eb: {  	v37 =	vmul.f32 v25, v22;
	v20 =	vadd.f32 v2, v20;
	v2 =	vadd.f32 v23, v33  }
0x1ec: {  	v43 =	vshrl.u32 v47, $0x17;
	v25 =	vadd.f32 $4.087189440e-01, v38;
	(erf) = vpow2.f32 v28  }
0x1ed: {  	v47 =	vld [tilespmem:$0x1FFD0];
	v40 =	vadd.f32 $1.441267130e+00, v37;
	v26 =	vadd.f32 v2, v15;
	v2 =	vnsel vm8, $0x0, v34  }
0x1ee: {  	vm13 =	veq.s32 v11, $0x0;
	v29 =	vor.u32 $0x3F800000, v50;
	v17 =	vadd.f32 v2, v17;
	v2 =	vld.idx.msk [tilespmem:v16+s2+$0x0], $0xffff  }
0x1ef: {  	v44 =	vmul.f32 v25, v59;
	v23 =	vnsel vm8, $0x0, v42;
	v15 =	vmul.f32 v40, v22  }
0x1f0: {  	v46 =	vand.u32 $0x7FFFFF, v62;
	v29 =	vadd.f32 $-1.000000000e+00, v29;
	v20 =	vadd.f32 v23, v20  }
0x1f1: {  	v63 =	vand.u32 $0x7FFFFF, v8;
	v23 =	vadd.f32 $-7.057026020e-01, v44;
	v15 =	vadd.f32 $3.193085650e-05, v15  }
0x1f2: {  	v18 =	vadd.s32 v24, v18;
	v25 =	vor.u32 $0x3F800000, v46;
	v22 =	vadd.s32 $0xFFFFFF81, v43  }
0x1f3: {  	v22 =	vcvt.s32.f32 v22;
	v23 =	vmul.f32 v23, v59;
	v48 =	vsub.f32 $0.0e+00, v2  }
0x1f4: {  	v41 =	vsel vm8, $0x0, v52;
	v52 =	vmul.f32 $4.342836510e-02, v29;
	v25 =	vadd.f32 $-1.000000000e+00, v25  }
0x1f5: {  	v24 =	vld.idx.msk [tilespmem:v47+s8+$0x0], $0xffff;
	v22 =	vadd.f32 v22, v15;
	v23 =	vadd.f32 $1.441267130e+00, v23;
	v27 =	vmul.f32 $1.442695020e+00, v48;
	v15 =	vpop (erf)  }
0x1f6: {  	v8 =	vshrl.u32 v8, $0x17;
	v28 =	vmul.f32 $4.342836510e-02, v25;
	(erf) = vrcp.f32 v15  }
0x1f7: {  	v19 =	vmul.f32 v23, v59;
	v23 =	vadd.f32 $-1.877204920e-01, v52;
	(erf) = vpow2.f32 v27  }
0x1f8: {  	v32 =	vshrl.u32 v62, $0x17;
	v0 =	vshrl.u32 v0, $0x17;
	v51 =	vadd.f32 $-1.877204920e-01, v28  }
0x1f9: {  	v8 =	vadd.s32 $0xFFFFFF81, v8;
	v0 =	vadd.s32 $0xFFFFFF81, v0;
	v23 =	vmul.f32 v23, v29  }
0x1fa: {  	vm9 =	veq.s32 v24, $0x0;
	v22 =	vadd.f32 v22, v26;
	v26 =	vmul.f32 v51, v25  }
0x1fb: {  	v53 =	vnsel vm9, $0x0, v61;
	v28 =	vshrl.u32 v36, $0x17;
	v23 =	vadd.f32 $4.087189440e-01, v23  }
0x1fc: {  	v17 =	vadd.f32 v53, v17;
	v28 =	vadd.s32 $0xFFFFFF81, v28;
	v26 =	vadd.f32 $4.087189440e-01, v26  }
0x1fd: {  	v19 =	vadd.f32 $3.193085650e-05, v19;
	v28 =	vcvt.s32.f32 v28;
	v57 =	vmul.f32 v23, v29  }
0x1fe: {  	v8 =	vcvt.s32.f32 v8;
	v3 =	vadd.f32 v3, v17;
	v54 =	vmul.f32 v26, v25  }
0x1ff: {  	v0 =	vcvt.s32.f32 v0;
	v19 =	vadd.f32 v28, v19;
	v17 =	vadd.f32 $-7.057026020e-01, v57;
	v56 =	vpop (erf)  }
0x200: {  	v21 =	vadd.f32 v41, v21;
	v18 =	vadd.s32 v24, v18;
	v24 =	vadd.f32 $-7.057026020e-01, v54;
	v58 =	vpop (erf)  }
0x201: {  	v19 =	vadd.f32 v19, v22;
	v17 =	vmul.f32 v17, v29;
	v22 =	vadd.f32 $1.000000000e+00, v58  }
0x202: {  	v42 =	vsel vm12, $0x0, v14;
	v59 =	vmul.f32 v24, v25;
	v24 =	vor.u32 $0x3F800000, v63  }
0x203: {  	v43 =	vld.idx.msk [tilespmem:v16+s8+$0x0], $0xffff;
	v17 =	vadd.f32 $1.441267130e+00, v17;
	v24 =	vadd.f32 $-1.000000000e+00, v24;
	(erf) = vrcp.f32 v22  }
0x204: {  	v40 =	vnsel vm12, $0x0, v13;
	v31 =	vsel vm9, $0x0, v31;
	v55 =	vnsel vm9, $0x0, v60  }
0x205: {  	v18 =	vadd.s32 v30, v18;
	v60 =	vld.idx.msk [tilespmem:v45+s8+$0x0], $0xffff;
	v17 =	vmul.f32 v17, v29;
	v33 =	vmul.f32 $4.342836510e-02, v24  }
0x206: {  	v61 =	vnsel vm10, $0x0, v39;
	v21 =	vadd.f32 v31, v21;
	v20 =	vadd.f32 v55, v20  }
0x207: {  	v39 =	vand.u32 $0x7FFFFF, v12;
	v17 =	vadd.f32 $3.193085650e-05, v17;
	v34 =	vadd.f32 $-1.877204920e-01, v33  }
0x208: {  	vm14 =	veq.s32 v43, $0x0;
	v4 =	vadd.f32 v4, v21;
	v20 =	vadd.f32 v61, v20  }
0x209: {  	v0 =	vadd.f32 v0, v17;
	v36 =	vmul.f32 v34, v24;
	v17 =	vor.u32 $0x3F800000, v39  }
0x20a: {  	vm11 =	veq.s32 v60, $0x0;
	v18 =	vadd.s32 v60, v18;
	v41 =	vadd.f32 $-1.000000000e+00, v17  }
0x20b: {  	v7 =	vnsel vm11, $0x0, v7;
	v35 =	vsel vm11, $0x0, v10;
	v10 =	vadd.f32 $4.087189440e-01, v36  }
0x20c: {  	v6 =	vnsel vm11, $0x0, v6;
	v17 =	vmul.f32 $4.342836510e-02, v41;
	v44 =	vand.u32 $0x7FFFFF, v22;
	v37 =	vpop (erf)  }
0x20d: {  	v10 =	vmul.f32 v10, v24;
	v16 =	vor.u32 $0x3F800000, v44;
	v38 =	vmul.f32 $1.442695020e+00, v37  }
0x20e: {  	v5 =	vadd.s32 v5, v18;
	v3 =	vadd.f32 v7, v3;
	v45 =	vadd.f32 $-1.000000000e+00, v16  }
0x20f: {  	v46 =	vadd.f32 $-1.877204920e-01, v17;
	v10 =	vadd.f32 $-7.057026020e-01, v10;
	(erf) = vpow2.f32 v38  }
0x210: {  	v4 =	vadd.f32 v35, v4;
	v6 =	vadd.f32 v6, v20;
	v47 =	vmul.f32 $4.342836510e-02, v45  }
0x211: {  	v3 =	vadd.f32 v40, v3;
	v16 =	vmul.f32 v46, v41;
	v10 =	vmul.f32 v10, v24  }
0x212: {  	v5 =	vadd.s32 v11, v5;
	v4 =	vadd.f32 v42, v4;
	v17 =	vadd.f32 $-1.877204920e-01, v47  }
0x213: {  	v5 =	vadd.s32 v43, v5;
	v16 =	vadd.f32 $4.087189440e-01, v16;
	v10 =	vadd.f32 $1.441267130e+00, v10  }
0x214: {  	v5 =	vcvt.s32.f32 v5;
	v23 =	vadd.f32 $1.441267130e+00, v59;
	v17 =	vmul.f32 v17, v45  }
0x215: {  	v1 =	vadd.f32 v1, v6;
	v16 =	vmul.f32 v16, v41;
	v10 =	vmul.f32 v10, v24  }
0x216: {  	v49 =	vsub.f32 $2.800000000e+01, v5;
	v23 =	vmul.f32 v23, v25;
	v50 =	vadd.f32 $4.087189440e-01, v17  }
0x217: {  	v25 =	vadd.s32 $0xFFFFFF81, v32;
	v51 =	vadd.f32 $-7.057026020e-01, v16;
	v10 =	vadd.f32 $3.193085650e-05, v10  }
0x218: {  	v25 =	vcvt.s32.f32 v25;
	v23 =	vadd.f32 $3.193085650e-05, v23;
	v6 =	vmul.f32 v50, v45;
	v48 =	vpop (erf)  }
0x219: {  	v8 =	vadd.f32 v8, v10;
	v10 =	vmul.f32 v51, v41;
	(erf) = vrcp.f32 v48  }
0x21a: {  	v57 =	vshrl.u32 v12, $0x17;
	v53 =	vnsel vm13, $0x0, v15;
	v6 =	vadd.f32 $-7.057026020e-01, v6  }
0x21b: {  	v5 =	vmul.f32 v5, v49;
	v23 =	vadd.f32 v25, v23;
	v10 =	vadd.f32 $1.441267130e+00, v10  }
0x21c: {  	v11 =	vadd.s32 $0xFFFFFF81, v57;
	v3 =	vadd.f32 v53, v3;
	v6 =	vmul.f32 v6, v45  }
0x21d: {  	v52 =	vmax.f32 v5, $1.000000000e+00;
	v19 =	vadd.f32 v23, v19;
	v10 =	vmul.f32 v10, v41  }
0x21e: {  	v11 =	vcvt.s32.f32 v11;
	v6 =	vadd.f32 $1.441267130e+00, v6;
	(erf) = vrcp.f32 v52  }
0x21f: {  	v54 =	vsel vm13, $0x0, v56;
	v0 =	vadd.f32 v0, v19;
	v10 =	vadd.f32 $3.193085650e-05, v10  }
0x220: {  	v4 =	vadd.f32 v54, v4;
	v59 =	vshrl.u32 v22, $0x17;
	v6 =	vmul.f32 v6, v45  }
0x221: {  	v7 =	vadd.s32 $0xFFFFFF81, v59;
	v0 =	vadd.f32 v8, v0;
	v60 =	vadd.f32 v11, v10  }
0x222: {  	v7 =	vcvt.s32.f32 v7;
	v55 =	vnsel vm14, $0x0, v48;
	v6 =	vadd.f32 $3.193085650e-05, v6;
	v56 =	vpop (erf)  }
0x223: {  	v0 =	vadd.f32 v60, v0;
	v3 =	vadd.f32 v55, v3;
	v58 =	vsel vm14, $0x0, v56  }
0x224: {  	v63 =	vadd.f32 v7, v6;
	v4 =	vadd.f32 v58, v4;
	_ =	sdelay $0x1  }
0x225: {  	p0 =	sne.s32 s11, $0x70;
	v60 =	vadd.f32 v63, v0;
	v0 =	vld [tilespmem:$0x1FFE0];
	v3 =	vmul.f32 v4, v3  }
.Ltmp0:
0x226: {  	v61 =	vnsel vm13, $0x0, v9;
	v62 =	vpop (erf);
	(pc) =	sbr.rel @p0 .LBB2_2-.Ltmp0, $4  }
0x227: {  	v1 =	vadd.f32 v61, v1;
	v3 =	vmul.f32 v3, v62  }
0x228: {  	v2 =	vnsel vm14, $0x0, v2;
	vm15 =	vgt.f32 v5, $0.0e+00  }
0x229: {  	v31 =	vadd.f32 v2, v1;
	v1 =	vnsel vm15, $0x0, v3  }
0x22a: {  	s11 =	sadd.s32 $0x10, s11;
	v0 =	vadd.f32 v1, v0;
	v1 =	vld [tilespmem:$0x1FFF0]  }
0x22b: {  	[tilespmem:$0x8010] =	vst v31;
	s10 =	sadd.s32 $0x1, s10  }
0x22c: {  	[tilespmem:$0x8020] =	vst v60;
	p0 =	sne.s32 s10, s6  }
.Ltmp1:
0x22d: {  	[tilespmem:$0x8000] =	vst v0;
	(pc) =	sbr.rel @p0 .LBB2_1-.Ltmp1, $4  }
0x22e: {  	[hbm4b:s5+s2] =	stream.linear.scatter [tilespmem:s9], [sflag:$0x1], $0x80, $0x38;
	[tilespmem:$0x8080] =	vst v63  }
0x22f: {  	_ =	swait.ge [sflag:s7], $0x80  }
0x230: {  	[sflag:s7] =	ssyncset.done $0x0  }
0x231: {  	[sflag:s7] =	ssyncadd.s32 $0xFFFFFF80  }
0x232: {  	_ =	sfence.sel $0x180000  }
0x233: {  	[bflag:$0x0] =	sbarrier.arrive $0xFFFF  }
0x234: {  	p0 =	sne.s32 s1, $0x0;
	_ =	strace $0x90000047  }
0x235: {  	s0 =	sadd.s32 @!p0 $0x100000, s0;
	[bflag:$0x2] =	sbarrier.arrive $0xFFFF  }
0x236: {  	[sflag:s0] =	ssyncadd.tile.s32 @!p0 $0x1;
	_ =	shalt  }
.Lfunc_end2:
_tile_overlayer_lowered:
.L_overlay_start_2:
0x237: {  	(tag) =	ssettag $0x2  }
0x238: {  	s0 =	rddreg [dreg:$0x0];
	s2 =	stileid.u32  }
0x239: {  	s1 =	rddreg [dreg:$0x1];
	p0 =	sne.s32 s2, $0x0  }
0x23a: {  	s3 =	rddreg [dreg:$0x2];
	[bflag:$0x3] =	sbarrier.arrive $0xFFFF;
	s2 =	simm.s32 @!p0 $0x1C01  }
0x23b: {  	[timem:s3], [sflag:s2] =	dma.local @!p0 [hbm:s0], s1  }
0x23c: {  	s0 =	simm.s32 @!p0 $0x1  }
0x23d: {  	_ =	swait.ge @!p0 [sflag:s0], s1  }
0x23e: {  	s1 =	ssub.s32 @!p0 $0x0, s1;
	[sflag:s0] =	ssyncset.done @!p0 $0x0  }
0x23f: {  	[sflag:s0] =	ssyncadd.s32 @!p0 s1  }
0x240: {  	[bflag:$0x3] =	sbarrier.arrive $0xFFFF  }
0x241: {  	_ =	shalt  }

</sc_bundles>
